<compile_context>
chip_gen: v7x
topology: tpu7x:2x2x1
jax: 0.10.2.dev20260603
libtpu: 0.0.44.dev20260713+nightly
codegen_flags: <defaults>
</compile_context>

<pallas_src>
import functools

import jax
import jax.numpy as jnp
from jax import lax
from jax.experimental import pallas as pl
from jax.experimental.pallas import tpu as pltpu
from jax.experimental.pallas import tpu_sc as plsc

NC = 2
NS = 16
NW = NC * NS
LANES = 16
H = 128
BLK = 256
CK = 128
NB = 1
LA = 0
PSHIFT = 14
F0 = 0.61

_HIGH = lax.Precision.DEFAULT


def _largest_div(n, cap):
    for z in range(min(n, cap), 0, -1):
        if n % z == 0:
            return z
    return 1


DDEG = 16


def _make_deg_kernel(CHD, NPAD, NACC):
    rpt = NACC // NS
    zr = _largest_div(rpt, 96)
    opt = NPAD // NS
    mesh = plsc.VectorSubcoreMesh(core_axis_name="c", subcore_axis_name="s")

    @functools.partial(
        pl.kernel,
        mesh=mesh,
        out_type=jax.ShapeDtypeStruct((NC, NPAD, DDEG), jnp.float32),
        scratch_types=[
            pltpu.VMEM((CHD, 128), jnp.int32),
            pltpu.VMEM((128, DDEG), jnp.float32),
            pltpu.VMEM((zr, DDEG), jnp.float32),
            pltpu.VMEM_SHARED((NACC, DDEG), jnp.float32),
        ],
    )
    def deg_kernel(col_hbm, out_hbm, col_scr, ones_v, zeros_v, acc):
        c = lax.axis_index("c")
        s = lax.axis_index("s")
        w = c * NS + s

        def fill_ones(i, _):
            ones_v[i] = jnp.ones((LANES,), jnp.float32)
            return 0

        lax.fori_loop(0, 128, fill_ones, 0)

        def fill_zeros(i, _):
            zeros_v[i] = jnp.zeros((LANES,), jnp.float32)
            return 0

        lax.fori_loop(0, zr, fill_zeros, 0)

        def zero_acc(k, _):
            pltpu.sync_copy(zeros_v, acc.at[pl.ds(s * rpt + k * zr, zr)])
            return 0

        lax.fori_loop(0, rpt // zr, zero_acc, 0)
        plsc.subcore_barrier()

        pltpu.sync_copy(col_hbm.at[w], col_scr)

        def body(j, _):
            pltpu.sync_copy(ones_v, acc.at[col_scr.at[j]], add=True)
            return 0

        lax.fori_loop(0, CHD, body, 0)
        plsc.subcore_barrier()
        pltpu.sync_copy(acc.at[pl.ds(s * opt, opt)],
                        out_hbm.at[c, pl.ds(s * opt, opt)])

    return deg_kernel


def _make_agg_kernel(CH0, CH1, NPAD, NACC):
    rpt = NACC // NS
    zr = _largest_div(rpt, 24)
    opt = NPAD // NS
    mesh = plsc.VectorSubcoreMesh(core_axis_name="c", subcore_axis_name="s")

    @functools.partial(
        pl.kernel,
        mesh=mesh,
        out_type=jax.ShapeDtypeStruct((NC, NPAD, H), jnp.float32),
        scratch_types=[
            pltpu.VMEM((CH0 * CK,), jnp.int32),
            [pltpu.VMEM((1, CK), jnp.int32) for _ in range(NB)],
            [pltpu.VMEM((1, CK), jnp.int32) for _ in range(NB)],
            [pltpu.VMEM((CK, H), jnp.float32) for _ in range(NB)],
            pltpu.VMEM((zr, H), jnp.float32),
            pltpu.VMEM_SHARED((NACC, H), jnp.float32),
            pltpu.SemaphoreType.DMA,
            pltpu.SemaphoreType.DMA,
        ],
    )
    def agg_kernel(y_hbm, pk_hbm, out_hbm,
                   pk_scr, ridx, cidx, bufs, zeros_v, acc, gsem, ssem):
        c = lax.axis_index("c")
        s = lax.axis_index("s")

        def fill_zeros(n, _):
            i = n // (H // LANES)
            k = n % (H // LANES)
            zeros_v[i, pl.ds(k * LANES, LANES)] = jnp.zeros((LANES,),
                                                            jnp.float32)
            return 0

        lax.fori_loop(0, zr * (H // LANES), fill_zeros, 0)

        def zero_acc(k, _):
            pltpu.sync_copy(zeros_v, acc.at[pl.ds(s * rpt + k * zr, zr)])
            return 0

        lax.fori_loop(0, rpt // zr, zero_acc, 0)

        chn = jnp.where(c == 0, CH0, CH1)

        @pl.when(c == 0)
        def _():
            pltpu.sync_copy(pk_hbm.at[pl.ds(s * CH0 * CK, CH0 * CK)], pk_scr)

        @pl.when(c == 1)
        def _():
            pltpu.sync_copy(
                pk_hbm.at[pl.ds((NS * CH0 + s * CH1) * CK, CH1 * CK)],
                pk_scr.at[pl.ds(0, CH1 * CK)])

        def unpack(j, b):
            base = pl.multiple_of(j * CK, CK)
            for k in range(CK // LANES):
                p = pk_scr[pl.ds(base + k * LANES, LANES)]
                ridx[b][0, pl.ds(k * LANES, LANES)] = p >> PSHIFT
                cidx[b][0, pl.ds(k * LANES, LANES)] = p & ((1 << PSHIFT) - 1)

        def gather(b):
            pltpu.async_copy(y_hbm.at[ridx[b].at[0]], bufs[b], gsem)

        def gather_wait(b):
            pltpu.make_async_copy(y_hbm.at[ridx[b].at[0]], bufs[b],
                                  gsem).wait()

        def scatter(b):
            pltpu.async_copy(bufs[b], acc.at[cidx[b].at[0]], ssem, add=True)

        def scatter_wait(b):
            pltpu.make_async_copy(bufs[b], acc.at[cidx[b].at[0]],
                                  ssem).wait()

        plsc.subcore_barrier()

        def sbody(j, _):
            unpack(j, 0)
            gather(0)
            gather_wait(0)
            pltpu.sync_copy(bufs[0], acc.at[cidx[0].at[0]], add=True)
            return 0

        lax.fori_loop(0, chn, sbody, 0)
        plsc.subcore_barrier()
        pltpu.sync_copy(acc.at[pl.ds(s * opt, opt)],
                        out_hbm.at[c, pl.ds(s * opt, opt)])

    return agg_kernel


def _prep_body(deg2, nip, xv, wh, wl, y0):
    deg = deg2[0, :, 0:1] + deg2[1, :, 0:1] + 1.0
    dinv = lax.rsqrt(deg)
    u = jnp.dot(xv[...], wh[...], precision=_HIGH,
                preferred_element_type=jnp.float32)
    y0[...] = dinv * (u + nip[...] * wl[...])


def _step_body(agg2, y, deg2, nip, wh, wl, b, w1, b1, w2p, b2p, out, ynext):
    deg = deg2[0, :, 0:1] + deg2[1, :, 0:1] + 1.0
    dinv = lax.rsqrt(deg)
    emb = dinv * (agg2[0] + agg2[1] + y[...]) + b[...]
    h = jnp.maximum(
        jnp.dot(emb, w1[...], precision=_HIGH,
                preferred_element_type=jnp.float32) + b1[...], 0.0)
    out[...] = jnp.dot(h, w2p[...], precision=_HIGH,
                       preferred_element_type=jnp.float32) + b2p[...]
    ynext[...] = dinv * (jnp.dot(emb, wh[...], precision=_HIGH,
                                 preferred_element_type=jnp.float32)
                         + nip[...] * wl[...])


def _row_spec(w):
    return pl.BlockSpec((BLK, w), lambda i: (i, 0))


def _part_spec(w):
    return pl.BlockSpec((NC, BLK, w), lambda i: (0, i, 0))


def _full_spec(h, w):
    return pl.BlockSpec((h, w), lambda i: (0, 0))


def kernel(node_input, edge_index, X_v, W, b, W1, b1, W2, b2):
    N = node_input.shape[0]
    E = edge_index.shape[1]
    NPAD = -(-N // BLK) * BLK
    NACC = NPAD + 128
    assert NPAD % NS == 0 and NACC % NS == 0
    assert NPAD < (1 << PSHIFT)
    CHT = -(-E // (NS * CK))
    CH0 = int(round(CHT * F0))
    CH1 = CHT - CH0
    EPAD = NS * CHT * CK
    CHD = -(-E // (NW * 128))
    EPADD = NW * CHD * 128

    row = edge_index[0]
    col = edge_index[1]
    packed = jnp.concatenate(
        [(row << PSHIFT) | col,
         jnp.full((EPAD - E,), NPAD, jnp.int32)])
    colp = jnp.concatenate(
        [col, jnp.full((EPADD - E,), NPAD, col.dtype)]).reshape(NW, CHD, 128)

    nip = jnp.pad(node_input, (0, NPAD - N)).reshape(NPAD, 1)
    xv = X_v.reshape(1, H)
    wh = W[:H]
    wl = W[H:H + 1]
    b_ = b.reshape(1, H)
    b1_ = b1.reshape(1, H)
    w2p = jnp.pad(W2, ((0, 0), (0, H - W2.shape[1])))
    b2p = jnp.pad(b2.reshape(1, -1), ((0, 0), (0, H - b2.shape[0])))

    deg_k = _make_deg_kernel(CHD, NPAD, NACC)
    agg_k = _make_agg_kernel(CH0, CH1, NPAD, NACC)

    degp = deg_k(colp)

    grid = (NPAD // BLK,)
    y = pl.pallas_call(
        _prep_body,
        grid=grid,
        in_specs=[_part_spec(DDEG), _row_spec(1), _full_spec(1, H),
                  _full_spec(H, H), _full_spec(1, H)],
        out_specs=_row_spec(H),
        out_shape=jax.ShapeDtypeStruct((NPAD, H), jnp.float32),
    )(degp, nip, xv, wh, wl)

    step_call = pl.pallas_call(
        _step_body,
        grid=grid,
        in_specs=[_part_spec(H), _row_spec(H), _part_spec(DDEG), _row_spec(1),
                  _full_spec(H, H), _full_spec(1, H), _full_spec(1, H),
                  _full_spec(H, H), _full_spec(1, H), _full_spec(H, H),
                  _full_spec(1, H)],
        out_specs=[_row_spec(H), _row_spec(H)],
        out_shape=[jax.ShapeDtypeStruct((NPAD, H), jnp.float32),
                   jax.ShapeDtypeStruct((NPAD, H), jnp.float32)],
    )

    outs = []
    for _ in range(3):
        agg = agg_k(y, packed)
        out_full, y = step_call(agg, y, degp, nip, wh, wl, b_, W1, b1_,
                                w2p, b2p)
        outs.append(out_full[:N, 0])
    return jnp.stack(outs, axis=0)

# --- scband reference (transcript-rebuilt; emitter-appended) ---
"""Pipeline reference for scband-gcn-38912403702441 (READ-ONLY COPY).

The authoritative reference and input builder live on the scoring server;
editing this copy changes nothing except your own understanding.
"""

import jax, jax.numpy as jnp
import numpy as np

N = 10000
E = 320000
H = 128
MP_STEPS = 3
NODE_CLASSES = 1


def setup_inputs(seed: int = 0) -> dict:
    key = jax.random.key(seed)
    ks = jax.random.split(key, 8)
    node_input = jax.random.normal(ks[0], (N,), dtype=jnp.float32)
    # int64 per spec; jax without x64 stores as int32, values identical
    edge_index = jax.random.randint(ks[1], (2, E), 0, N, dtype=jnp.int32)
    # learned buffer / params
    X_v = jax.random.normal(ks[2], (H,), dtype=jnp.float32)
    # GCNConv: in_channels = H + node_classes, out_channels = H
    W = jax.random.normal(ks[3], (H + NODE_CLASSES, H), dtype=jnp.float32) * 0.05
    b = jnp.zeros((H,), dtype=jnp.float32)
    # readout MLP: Linear(H,H) -> ReLU -> Linear(H,1)
    W1 = jax.random.normal(ks[4], (H, H), dtype=jnp.float32) * 0.05
    b1 = jnp.zeros((H,), dtype=jnp.float32)
    W2 = jax.random.normal(ks[5], (H, 1), dtype=jnp.float32) * 0.05
    b2 = jnp.zeros((1,), dtype=jnp.float32)
    return {"node_input": node_input, "edge_index": edge_index, "X_v": X_v,
            "W": W, "b": b, "W1": W1, "b1": b1, "W2": W2, "b2": b2}


def _gcn_conv(x, edge_index, W, b, num_nodes):
    # PyG GCNConv with default symmetric normalization and self-loops
    loop = jnp.arange(num_nodes, dtype=edge_index.dtype)
    row = jnp.concatenate([edge_index[0], loop])  # source
    col = jnp.concatenate([edge_index[1], loop])  # target
    deg = jnp.zeros((num_nodes,), x.dtype).at[col].add(1.0)
    deg_inv_sqrt = jnp.where(deg > 0, deg ** -0.5, 0.0)
    norm = deg_inv_sqrt[row] * deg_inv_sqrt[col]
    xw = x @ W  # linear transform first
    msgs = xw[row] * norm[:, None]  # gather + scale
    out = jnp.zeros((num_nodes, xw.shape[1]), x.dtype).at[col].add(msgs)  # scatter-add
    return out + b


def reference(node_input, edge_index, X_v, W, b, W1, b1, W2, b2):
    num_nodes = node_input.shape[0]
    ni = node_input[:, None]  # unsqueeze(1) in forward
    node_emb = jnp.broadcast_to(X_v[None, :], (num_nodes, X_v.shape[0]))
    outputs = []
    for step in range(MP_STEPS):
        conv_in = jnp.concatenate([node_emb, ni], axis=1)
        node_emb = _gcn_conv(conv_in, edge_index, W, b, num_nodes)
        h = jax.nn.relu(node_emb @ W1 + b1)
        out = (h @ W2 + b2).squeeze()
        outputs.append(out)  # output_all_steps=True
    return jnp.stack(outputs, axis=0)

if __name__ == "__main__":
    import jax
    _d = setup_inputs()
    print(jax.jit(kernel)(*tuple(_d.values())))

</pallas_src>

<mosaic_0001>
#map = affine_map<(d0, d1) -> (0, 0)>
#map1 = affine_map<(d0, d1) -> (0)>
#map2 = affine_map<(d0, d1) -> (0, 0, 0)>
module attributes {stable_mosaic.version = 14 : i64} {
  func.func @agg_kernel(%arg0: i32, %arg1: i32, %arg2: memref<10240x128xf32, #tpu.memory_space<hbm>>, %arg3: memref<321536xi32, #tpu.memory_space<hbm>>, %arg4: memref<2x10240x128xf32, #tpu.memory_space<hbm>>, %arg5: memref<12288xi32, #tpu.memory_space<vmem>>, %arg6: memref<1x128xi32, #tpu.memory_space<vmem>>, %arg7: memref<1x128xi32, #tpu.memory_space<vmem>>, %arg8: memref<128x128xf32, #tpu.memory_space<vmem>>, %arg9: memref<24x128xf32, #tpu.memory_space<vmem>>, %arg10: memref<10368x128xf32, #tpu.memory_space<vmem_shared>>, %arg11: memref<!tpu.dma_semaphore, #tpu.memory_space<semaphore_mem>>, %arg12: memref<!tpu.dma_semaphore, #tpu.memory_space<semaphore_mem>>) attributes {dimension_semantics = [#tpu.dimension_semantics<core_parallel>, #tpu.dimension_semantics<subcore_parallel>], iteration_bounds = array<i64: 2, 16>, scalar_prefetch = 0 : i64, scratch_operands = 8 : i64, tpu.core_type = #tpu.core_type<sc_vector_subcore>, window_params = [{transform_indices = #map}, {transform_indices = #map1}, {transform_indices = #map2}]} {
    %scan3A = arith.constant 0 : i32
    %scan3A_0 = arith.constant 0 : i32
    %scan3A_1 = arith.constant 192 : i32
    %scan3A_2 = arith.addi %scan3A_0, %scan3A_1 : i32
    %scan3A_3 = arith.constant 1 : i32
    %scan3A_4 = scf.for %scan3A_38 = %scan3A_0 to %scan3A_2 step %scan3A_3 iter_args(%scan3A_39 = %scan3A) -> (i32)  : i32 {
      %jit3A_40 = arith.constant 8 : i32
      %div3A = arith.divsi %scan3A_38, %jit3A_40 : i32
      %sign3A = arith.constant 0 : i32
      %sign3A_41 = arith.cmpi sgt, %scan3A_38, %sign3A : i32
      %sign3A_42 = arith.extui %sign3A_41 : i1 to i32
      %sign3A_43 = arith.constant 0 : i32
      %sign3A_44 = arith.cmpi slt, %scan3A_38, %sign3A_43 : i32
      %sign3A_45 = arith.extui %sign3A_44 : i1 to i32
      %sign3A_46 = arith.subi %sign3A_42, %sign3A_45 : i32
      %sign3A_47 = arith.constant 0 : i32
      %sign3A_48 = arith.cmpi sgt, %jit3A_40, %sign3A_47 : i32
      %sign3A_49 = arith.extui %sign3A_48 : i1 to i32
      %sign3A_50 = arith.constant 0 : i32
      %sign3A_51 = arith.cmpi slt, %jit3A_40, %sign3A_50 : i32
      %sign3A_52 = arith.extui %sign3A_51 : i1 to i32
      %sign3A_53 = arith.subi %sign3A_49, %sign3A_52 : i32
      %ne3A = arith.cmpi ne, %sign3A_46, %sign3A_53 : i32
      %rem3A = arith.remsi %scan3A_38, %jit3A_40 : i32
      %ne3A_54 = arith.constant 0 : i32
      %ne3A_55 = arith.cmpi ne, %rem3A, %ne3A_54 : i32
      %and3A = arith.andi %ne3A, %ne3A_55 : i1
      %sub3A = arith.constant 1 : i32
      %sub3A_56 = arith.subi %div3A, %sub3A : i32
      %select_n3A_57 = arith.select %and3A, %sub3A_56, %div3A : i32
      %jit3A_58 = arith.constant 8 : i32
      %eq3A_59 = arith.constant 0 : i32
      %eq3A_60 = arith.cmpi eq, %jit3A_58, %eq3A_59 : i32
      %jit3A_61 = arith.constant 1 : i32
      %select_n3A_62 = arith.select %eq3A_60, %jit3A_61, %jit3A_58 : i32
      %rem3A_63 = arith.remsi %scan3A_38, %select_n3A_62 : i32
      %ne3A_64 = arith.constant 0 : i32
      %ne3A_65 = arith.cmpi ne, %rem3A_63, %ne3A_64 : i32
      %lt3A = arith.constant 0 : i32
      %lt3A_66 = arith.cmpi slt, %rem3A_63, %lt3A : i32
      %lt3A_67 = arith.constant 0 : i32
      %lt3A_68 = arith.cmpi slt, %select_n3A_62, %lt3A_67 : i32
      %ne3A_69 = arith.xori %lt3A_66, %lt3A_68 : i1
      %and3A_70 = arith.andi %ne3A_69, %ne3A_65 : i1
      %add3A = arith.addi %rem3A_63, %select_n3A_62 : i32
      %select_n3A_71 = arith.select %and3A_70, %add3A, %rem3A_63 : i32
      %broadcast_in_dim3A = arith.constant 0.000000e+00 : f32
      %broadcast_in_dim3A_72 = vector.broadcast %broadcast_in_dim3A : f32 to vector<16xf32>
      %mul3A_73 = arith.constant 16 : i32
      %mul3A_74 = arith.muli %select_n3A_71, %mul3A_73 : i32
      %swap3A = arith.index_cast %select_n3A_57 : i32 to index
      %swap3A_75 = arith.index_cast %mul3A_74 : i32 to index
      %swap3A_76 = tpu.vector_load %arg9[%swap3A, %swap3A_75] {strides = array<i32>} : memref<24x128xf32, #tpu.memory_space<vmem>>, vector<1x16xf32>,
      %swap3A_77 = vector.shape_cast %swap3A_76 : vector<1x16xf32> to vector<16xf32>
      %swap3A_78 = vector.shape_cast %broadcast_in_dim3A_72 : vector<16xf32> to vector<1x16xf32>
      tpu.vector_store %arg9[%swap3A, %swap3A_75], %swap3A_78 {strides = array<i32>} : memref<24x128xf32, #tpu.memory_space<vmem>>, vector<1x16xf32>,
      %scan3A_79 = arith.constant 0 : i32
      scf.yield %scan3A_79 : i32
    }
    %scan3A_5 = arith.constant 192 : i32
    %scan3A_6 = arith.constant 0 : i32
    %scan3A_7 = arith.constant 0 : i32
    %scan3A_8 = arith.constant 27 : i32
    %scan3A_9 = arith.addi %scan3A_7, %scan3A_8 : i32
    %scan3A_10 = arith.constant 1 : i32
    %scan3A_11 = scf.for %scan3A_38 = %scan3A_7 to %scan3A_9 step %scan3A_10 iter_args(%scan3A_39 = %scan3A_6) -> (i32)  : i32 {
      %mul3A_40 = arith.constant 648 : i32
      %mul3A_41 = arith.muli %arg1, %mul3A_40 : i32
      %mul3A_42 = arith.constant 24 : i32
      %mul3A_43 = arith.muli %scan3A_38, %mul3A_42 : i32
      %add3A = arith.addi %mul3A_41, %mul3A_43 : i32
      "tpu.region"() ({
        %run_scoped3A = tpu.sem_alloc : memref<!tpu.dma_semaphore, #tpu.memory_space<semaphore_mem>>
        %dma_start3A = arith.constant 0 : i32
        %dma_start3A_45 = tpu.memref_slice %arg10[%add3A, %dma_start3A] : memref<10368x128xf32, #tpu.memory_space<vmem_shared>> -> memref<24x128xf32, #tpu.memory_space<vmem_shared>>
        %dma_start3A_46 = arith.constant 0 : i32
        %dma_start3A_47 = tpu.memref_slice %arg10[%add3A, %dma_start3A_46] : memref<10368x128xf32, #tpu.memory_space<vmem_shared>> -> memref<24x128xf32, #tpu.memory_space<vmem_shared>>
        tpu.enqueue_dma source(%arg9 : memref<24x128xf32, #tpu.memory_space<vmem>>) target(%dma_start3A_47 : memref<24x128xf32, #tpu.memory_space<vmem_shared>>) target_semaphore(%run_scoped3A : memref<!tpu.dma_semaphore, #tpu.memory_space<semaphore_mem>>)
        %dma_wait3A = arith.constant 0 : i32
        %dma_wait3A_48 = tpu.memref_slice %arg10[%add3A, %dma_wait3A] : memref<10368x128xf32, #tpu.memory_space<vmem_shared>> -> memref<24x128xf32, #tpu.memory_space<vmem_shared>>
        %dma_wait3A_49 = arith.constant 0 : i32
        %dma_wait3A_50 = tpu.memref_slice %arg10[%add3A, %dma_wait3A_49] : memref<10368x128xf32, #tpu.memory_space<vmem_shared>> -> memref<24x128xf32, #tpu.memory_space<vmem_shared>>
        tpu.wait_dma2 semaphore(%run_scoped3A : memref<!tpu.dma_semaphore, #tpu.memory_space<semaphore_mem>>) src(%arg9 : memref<24x128xf32, #tpu.memory_space<vmem>>) dst(%dma_wait3A_50 : memref<24x128xf32, #tpu.memory_space<vmem_shared>>)
        tpu.yield
      }) : () -> ()
      %scan3A_44 = arith.constant 0 : i32
      scf.yield %scan3A_44 : i32
    }
    %scan3A_12 = arith.constant 27 : i32
    %eq3A = arith.constant 0 : i32
    %eq3A_13 = arith.cmpi eq, %arg0, %eq3A : i32
    %jit3A = arith.constant 96 : i32
    %jit3A_14 = arith.constant 61 : i32
    %select_n3A = arith.select %eq3A_13, %jit3A, %jit3A_14 : i32
    %eq3A_15 = arith.constant 0 : i32
    %eq3A_16 = arith.cmpi eq, %arg0, %eq3A_15 : i32
    %convert_element_type3A = arith.extui %eq3A_16 : i1 to i32
    %cond3A = arith.constant 0 : i32
    %cond3A_17 = arith.cmpi ne, %convert_element_type3A, %cond3A : i32
    scf.if %cond3A_17 {
      %mul3A_38 = arith.constant 96 : i32
      %mul3A_39 = arith.muli %arg1, %mul3A_38 : i32
      %mul3A_40 = arith.constant 128 : i32
      %mul3A_41 = arith.muli %mul3A_39, %mul3A_40 : i32
      "tpu.region"() ({
        %run_scoped3A = tpu.sem_alloc : memref<!tpu.dma_semaphore, #tpu.memory_space<semaphore_mem>>
        %dma_start3A = tpu.memref_slice %arg3[%mul3A_41] : memref<321536xi32, #tpu.memory_space<hbm>> -> memref<12288xi32, #tpu.memory_space<hbm>>
        %dma_start3A_42 = tpu.memref_slice %arg3[%mul3A_41] : memref<321536xi32, #tpu.memory_space<hbm>> -> memref<12288xi32, #tpu.memory_space<hbm>>
        tpu.enqueue_dma source(%dma_start3A_42 : memref<12288xi32, #tpu.memory_space<hbm>>) target(%arg5 : memref<12288xi32, #tpu.memory_space<vmem>>) target_semaphore(%run_scoped3A : memref<!tpu.dma_semaphore, #tpu.memory_space<semaphore_mem>>)
        %dma_wait3A = tpu.memref_slice %arg3[%mul3A_41] : memref<321536xi32, #tpu.memory_space<hbm>> -> memref<12288xi32, #tpu.memory_space<hbm>>
        %dma_wait3A_43 = tpu.memref_slice %arg3[%mul3A_41] : memref<321536xi32, #tpu.memory_space<hbm>> -> memref<12288xi32, #tpu.memory_space<hbm>>
        tpu.wait_dma2 semaphore(%run_scoped3A : memref<!tpu.dma_semaphore, #tpu.memory_space<semaphore_mem>>) src(%dma_wait3A_43 : memref<12288xi32, #tpu.memory_space<hbm>>) dst(%arg5 : memref<12288xi32, #tpu.memory_space<vmem>>)
        tpu.yield
      }) : () -> ()
    } else {
    }
    %eq3A_18 = arith.constant 1 : i32
    %eq3A_19 = arith.cmpi eq, %arg0, %eq3A_18 : i32
    %convert_element_type3A_20 = arith.extui %eq3A_19 : i1 to i32
    %cond3A_21 = arith.constant 0 : i32
    %cond3A_22 = arith.cmpi ne, %convert_element_type3A_20, %cond3A_21 : i32
    scf.if %cond3A_22 {
      %mul3A_38 = arith.constant 61 : i32
      %mul3A_39 = arith.muli %arg1, %mul3A_38 : i32
      %add3A = arith.constant 1536 : i32
      %add3A_40 = arith.addi %add3A, %mul3A_39 : i32
      %mul3A_41 = arith.constant 128 : i32
      %mul3A_42 = arith.muli %add3A_40, %mul3A_41 : i32
      "tpu.region"() ({
        %run_scoped3A = tpu.sem_alloc : memref<!tpu.dma_semaphore, #tpu.memory_space<semaphore_mem>>
        %dma_start3A = arith.constant 0 : i32
        %dma_start3A_43 = tpu.memref_slice %arg5[%dma_start3A] : memref<12288xi32, #tpu.memory_space<vmem>> -> memref<7808xi32, #tpu.memory_space<vmem>>
        %dma_start3A_44 = tpu.memref_slice %arg3[%mul3A_42] : memref<321536xi32, #tpu.memory_space<hbm>> -> memref<7808xi32, #tpu.memory_space<hbm>>
        %dma_start3A_45 = arith.constant 0 : i32
        %dma_start3A_46 = tpu.memref_slice %arg5[%dma_start3A_45] : memref<12288xi32, #tpu.memory_space<vmem>> -> memref<7808xi32, #tpu.memory_space<vmem>>
        %dma_start3A_47 = tpu.memref_slice %arg3[%mul3A_42] : memref<321536xi32, #tpu.memory_space<hbm>> -> memref<7808xi32, #tpu.memory_space<hbm>>
        tpu.enqueue_dma source(%dma_start3A_47 : memref<7808xi32, #tpu.memory_space<hbm>>) target(%dma_start3A_46 : memref<7808xi32, #tpu.memory_space<vmem>>) target_semaphore(%run_scoped3A : memref<!tpu.dma_semaphore, #tpu.memory_space<semaphore_mem>>)
        %dma_wait3A = arith.constant 0 : i32
        %dma_wait3A_48 = tpu.memref_slice %arg5[%dma_wait3A] : memref<12288xi32, #tpu.memory_space<vmem>> -> memref<7808xi32, #tpu.memory_space<vmem>>
        %dma_wait3A_49 = tpu.memref_slice %arg3[%mul3A_42] : memref<321536xi32, #tpu.memory_space<hbm>> -> memref<7808xi32, #tpu.memory_space<hbm>>
        %dma_wait3A_50 = arith.constant 0 : i32
        %dma_wait3A_51 = tpu.memref_slice %arg5[%dma_wait3A_50] : memref<12288xi32, #tpu.memory_space<vmem>> -> memref<7808xi32, #tpu.memory_space<vmem>>
        %dma_wait3A_52 = tpu.memref_slice %arg3[%mul3A_42] : memref<321536xi32, #tpu.memory_space<hbm>> -> memref<7808xi32, #tpu.memory_space<hbm>>
        tpu.wait_dma2 semaphore(%run_scoped3A : memref<!tpu.dma_semaphore, #tpu.memory_space<semaphore_mem>>) src(%dma_wait3A_52 : memref<7808xi32, #tpu.memory_space<hbm>>) dst(%dma_wait3A_51 : memref<7808xi32, #tpu.memory_space<vmem>>)
        tpu.yield
      }) : () -> ()
    } else {
    }
    %barrier3A = arith.constant 0 : index
    tpu.barrier barrier_id(%barrier3A)
    %while3A = arith.constant 0 : i32
    %while3A_23 = arith.constant 0 : i32
    %while3A_24 = arith.subi %select_n3A, %while3A : i32
    %while3A_25 = arith.addi %while3A, %while3A_24 : i32
    %while3A_26 = arith.constant 1 : i32
    %while3A_27 = arith.divsi %while3A_24, %while3A_26 : i32
    %while3A_28 = arith.muli %while3A_27, %while3A_26 : i32
    %while3A_29 = arith.addi %while3A, %while3A_28 : i32
    %while3A_30 = arith.constant 1 : i32
    %while3A_31 = scf.for %while3A_38 = %while3A to %while3A_29 step %while3A_30 iter_args(%while3A_39 = %while3A_23) -> (i32)  : i32 {
      %mul3A_40 = arith.constant 128 : i32
      %mul3A_41 = arith.muli %while3A_38, %mul3A_40 : i32
      %multiple_of3A = tpu.assume_multiple %mul3A_41, 128 : i32
      %add3A = arith.constant 0 : i32
      %add3A_42 = arith.addi %multiple_of3A, %add3A : i32
      %get3A = arith.index_cast %add3A_42 : i32 to index
      %get3A_43 = tpu.vector_load %arg5[%get3A] {strides = array<i32>} : memref<12288xi32, #tpu.memory_space<vmem>>, vector<16xi32>,
      %get3A_44 = vector.shape_cast %get3A_43 : vector<16xi32> to vector<16xi32>
      %shift_right_arithmetic3A = arith.constant 14 : i32
      %shift_right_arithmetic3A_45 = vector.broadcast %shift_right_arithmetic3A : i32 to vector<16xi32>
      %shift_right_arithmetic3A_46 = arith.shrsi %get3A_44, %shift_right_arithmetic3A_45 : vector<16xi32>
      %swap3A = arith.constant 0 : i32
      %swap3A_47 = arith.index_cast %swap3A : i32 to index
      %swap3A_48 = arith.constant 0 : index
      %swap3A_49 = tpu.vector_load %arg6[%swap3A_47, %swap3A_48] {strides = array<i32>} : memref<1x128xi32, #tpu.memory_space<vmem>>, vector<1x16xi32>,
      %swap3A_50 = vector.shape_cast %swap3A_49 : vector<1x16xi32> to vector<16xi32>
      %swap3A_51 = vector.shape_cast %shift_right_arithmetic3A_46 : vector<16xi32> to vector<1x16xi32>
      tpu.vector_store %arg6[%swap3A_47, %swap3A_48], %swap3A_51 {strides = array<i32>} : memref<1x128xi32, #tpu.memory_space<vmem>>, vector<1x16xi32>,
      %and3A = arith.constant 16383 : i32
      %and3A_52 = vector.broadcast %and3A : i32 to vector<16xi32>
      %and3A_53 = arith.andi %get3A_44, %and3A_52 : vector<16xi32>
      %swap3A_54 = arith.constant 0 : i32
      %swap3A_55 = arith.index_cast %swap3A_54 : i32 to index
      %swap3A_56 = arith.constant 0 : index
      %swap3A_57 = tpu.vector_load %arg7[%swap3A_55, %swap3A_56] {strides = array<i32>} : memref<1x128xi32, #tpu.memory_space<vmem>>, vector<1x16xi32>,
      %swap3A_58 = vector.shape_cast %swap3A_57 : vector<1x16xi32> to vector<16xi32>
      %swap3A_59 = vector.shape_cast %and3A_53 : vector<16xi32> to vector<1x16xi32>
      tpu.vector_store %arg7[%swap3A_55, %swap3A_56], %swap3A_59 {strides = array<i32>} : memref<1x128xi32, #tpu.memory_space<vmem>>, vector<1x16xi32>,
      %add3A_60 = arith.constant 16 : i32
      %add3A_61 = arith.addi %multiple_of3A, %add3A_60 : i32
      %get3A_62 = arith.index_cast %add3A_61 : i32 to index
      %get3A_63 = tpu.vector_load %arg5[%get3A_62] {strides = array<i32>} : memref<12288xi32, #tpu.memory_space<vmem>>, vector<16xi32>,
      %get3A_64 = vector.shape_cast %get3A_63 : vector<16xi32> to vector<16xi32>
      %shift_right_arithmetic3A_65 = arith.constant 14 : i32
      %shift_right_arithmetic3A_66 = vector.broadcast %shift_right_arithmetic3A_65 : i32 to vector<16xi32>
      %shift_right_arithmetic3A_67 = arith.shrsi %get3A_64, %shift_right_arithmetic3A_66 : vector<16xi32>
      %swap3A_68 = arith.constant 0 : i32
      %swap3A_69 = arith.index_cast %swap3A_68 : i32 to index
      %swap3A_70 = arith.constant 16 : index
      %swap3A_71 = tpu.vector_load %arg6[%swap3A_69, %swap3A_70] {strides = array<i32>} : memref<1x128xi32, #tpu.memory_space<vmem>>, vector<1x16xi32>,
      %swap3A_72 = vector.shape_cast %swap3A_71 : vector<1x16xi32> to vector<16xi32>
      %swap3A_73 = vector.shape_cast %shift_right_arithmetic3A_67 : vector<16xi32> to vector<1x16xi32>
      tpu.vector_store %arg6[%swap3A_69, %swap3A_70], %swap3A_73 {strides = array<i32>} : memref<1x128xi32, #tpu.memory_space<vmem>>, vector<1x16xi32>,
      %and3A_74 = arith.constant 16383 : i32
      %and3A_75 = vector.broadcast %and3A_74 : i32 to vector<16xi32>
      %and3A_76 = arith.andi %get3A_64, %and3A_75 : vector<16xi32>
      %swap3A_77 = arith.constant 0 : i32
      %swap3A_78 = arith.index_cast %swap3A_77 : i32 to index
      %swap3A_79 = arith.constant 16 : index
      %swap3A_80 = tpu.vector_load %arg7[%swap3A_78, %swap3A_79] {strides = array<i32>} : memref<1x128xi32, #tpu.memory_space<vmem>>, vector<1x16xi32>,
      %swap3A_81 = vector.shape_cast %swap3A_80 : vector<1x16xi32> to vector<16xi32>
      %swap3A_82 = vector.shape_cast %and3A_76 : vector<16xi32> to vector<1x16xi32>
      tpu.vector_store %arg7[%swap3A_78, %swap3A_79], %swap3A_82 {strides = array<i32>} : memref<1x128xi32, #tpu.memory_space<vmem>>, vector<1x16xi32>,
      %add3A_83 = arith.constant 32 : i32
      %add3A_84 = arith.addi %multiple_of3A, %add3A_83 : i32
      %get3A_85 = arith.index_cast %add3A_84 : i32 to index
      %get3A_86 = tpu.vector_load %arg5[%get3A_85] {strides = array<i32>} : memref<12288xi32, #tpu.memory_space<vmem>>, vector<16xi32>,
      %get3A_87 = vector.shape_cast %get3A_86 : vector<16xi32> to vector<16xi32>
      %shift_right_arithmetic3A_88 = arith.constant 14 : i32
      %shift_right_arithmetic3A_89 = vector.broadcast %shift_right_arithmetic3A_88 : i32 to vector<16xi32>
      %shift_right_arithmetic3A_90 = arith.shrsi %get3A_87, %shift_right_arithmetic3A_89 : vector<16xi32>
      %swap3A_91 = arith.constant 0 : i32
      %swap3A_92 = arith.index_cast %swap3A_91 : i32 to index
      %swap3A_93 = arith.constant 32 : index
      %swap3A_94 = tpu.vector_load %arg6[%swap3A_92, %swap3A_93] {strides = array<i32>} : memref<1x128xi32, #tpu.memory_space<vmem>>, vector<1x16xi32>,
      %swap3A_95 = vector.shape_cast %swap3A_94 : vector<1x16xi32> to vector<16xi32>
      %swap3A_96 = vector.shape_cast %shift_right_arithmetic3A_90 : vector<16xi32> to vector<1x16xi32>
      tpu.vector_store %arg6[%swap3A_92, %swap3A_93], %swap3A_96 {strides = array<i32>} : memref<1x128xi32, #tpu.memory_space<vmem>>, vector<1x16xi32>,
      %and3A_97 = arith.constant 16383 : i32
      %and3A_98 = vector.broadcast %and3A_97 : i32 to vector<16xi32>
      %and3A_99 = arith.andi %get3A_87, %and3A_98 : vector<16xi32>
      %swap3A_100 = arith.constant 0 : i32
      %swap3A_101 = arith.index_cast %swap3A_100 : i32 to index
      %swap3A_102 = arith.constant 32 : index
      %swap3A_103 = tpu.vector_load %arg7[%swap3A_101, %swap3A_102] {strides = array<i32>} : memref<1x128xi32, #tpu.memory_space<vmem>>, vector<1x16xi32>,
      %swap3A_104 = vector.shape_cast %swap3A_103 : vector<1x16xi32> to vector<16xi32>
      %swap3A_105 = vector.shape_cast %and3A_99 : vector<16xi32> to vector<1x16xi32>
      tpu.vector_store %arg7[%swap3A_101, %swap3A_102], %swap3A_105 {strides = array<i32>} : memref<1x128xi32, #tpu.memory_space<vmem>>, vector<1x16xi32>,
      %add3A_106 = arith.constant 48 : i32
      %add3A_107 = arith.addi %multiple_of3A, %add3A_106 : i32
      %get3A_108 = arith.index_cast %add3A_107 : i32 to index
      %get3A_109 = tpu.vector_load %arg5[%get3A_108] {strides = array<i32>} : memref<12288xi32, #tpu.memory_space<vmem>>, vector<16xi32>,
      %get3A_110 = vector.shape_cast %get3A_109 : vector<16xi32> to vector<16xi32>
      %shift_right_arithmetic3A_111 = arith.constant 14 : i32
      %shift_right_arithmetic3A_112 = vector.broadcast %shift_right_arithmetic3A_111 : i32 to vector<16xi32>
      %shift_right_arithmetic3A_113 = arith.shrsi %get3A_110, %shift_right_arithmetic3A_112 : vector<16xi32>
      %swap3A_114 = arith.constant 0 : i32
      %swap3A_115 = arith.index_cast %swap3A_114 : i32 to index
      %swap3A_116 = arith.constant 48 : index
      %swap3A_117 = tpu.vector_load %arg6[%swap3A_115, %swap3A_116] {strides = array<i32>} : memref<1x128xi32, #tpu.memory_space<vmem>>, vector<1x16xi32>,
      %swap3A_118 = vector.shape_cast %swap3A_117 : vector<1x16xi32> to vector<16xi32>
      %swap3A_119 = vector.shape_cast %shift_right_arithmetic3A_113 : vector<16xi32> to vector<1x16xi32>
      tpu.vector_store %arg6[%swap3A_115, %swap3A_116], %swap3A_119 {strides = array<i32>} : memref<1x128xi32, #tpu.memory_space<vmem>>, vector<1x16xi32>,
      %and3A_120 = arith.constant 16383 : i32
      %and3A_121 = vector.broadcast %and3A_120 : i32 to vector<16xi32>
      %and3A_122 = arith.andi %get3A_110, %and3A_121 : vector<16xi32>
      %swap3A_123 = arith.constant 0 : i32
      %swap3A_124 = arith.index_cast %swap3A_123 : i32 to index
      %swap3A_125 = arith.constant 48 : index
      %swap3A_126 = tpu.vector_load %arg7[%swap3A_124, %swap3A_125] {strides = array<i32>} : memref<1x128xi32, #tpu.memory_space<vmem>>, vector<1x16xi32>,
      %swap3A_127 = vector.shape_cast %swap3A_126 : vector<1x16xi32> to vector<16xi32>
      %swap3A_128 = vector.shape_cast %and3A_122 : vector<16xi32> to vector<1x16xi32>
      tpu.vector_store %arg7[%swap3A_124, %swap3A_125], %swap3A_128 {strides = array<i32>} : memref<1x128xi32, #tpu.memory_space<vmem>>, vector<1x16xi32>,
      %add3A_129 = arith.constant 64 : i32
      %add3A_130 = arith.addi %multiple_of3A, %add3A_129 : i32
      %get3A_131 = arith.index_cast %add3A_130 : i32 to index
      %get3A_132 = tpu.vector_load %arg5[%get3A_131] {strides = array<i32>} : memref<12288xi32, #tpu.memory_space<vmem>>, vector<16xi32>,
      %get3A_133 = vector.shape_cast %get3A_132 : vector<16xi32> to vector<16xi32>
      %shift_right_arithmetic3A_134 = arith.constant 14 : i32
      %shift_right_arithmetic3A_135 = vector.broadcast %shift_right_arithmetic3A_134 : i32 to vector<16xi32>
      %shift_right_arithmetic3A_136 = arith.shrsi %get3A_133, %shift_right_arithmetic3A_135 : vector<16xi32>
      %swap3A_137 = arith.constant 0 : i32
      %swap3A_138 = arith.index_cast %swap3A_137 : i32 to index
      %swap3A_139 = arith.constant 64 : index
      %swap3A_140 = tpu.vector_load %arg6[%swap3A_138, %swap3A_139] {strides = array<i32>} : memref<1x128xi32, #tpu.memory_space<vmem>>, vector<1x16xi32>,
      %swap3A_141 = vector.shape_cast %swap3A_140 : vector<1x16xi32> to vector<16xi32>
      %swap3A_142 = vector.shape_cast %shift_right_arithmetic3A_136 : vector<16xi32> to vector<1x16xi32>
      tpu.vector_store %arg6[%swap3A_138, %swap3A_139], %swap3A_142 {strides = array<i32>} : memref<1x128xi32, #tpu.memory_space<vmem>>, vector<1x16xi32>,
      %and3A_143 = arith.constant 16383 : i32
      %and3A_144 = vector.broadcast %and3A_143 : i32 to vector<16xi32>
      %and3A_145 = arith.andi %get3A_133, %and3A_144 : vector<16xi32>
      %swap3A_146 = arith.constant 0 : i32
      %swap3A_147 = arith.index_cast %swap3A_146 : i32 to index
      %swap3A_148 = arith.constant 64 : index
      %swap3A_149 = tpu.vector_load %arg7[%swap3A_147, %swap3A_148] {strides = array<i32>} : memref<1x128xi32, #tpu.memory_space<vmem>>, vector<1x16xi32>,
      %swap3A_150 = vector.shape_cast %swap3A_149 : vector<1x16xi32> to vector<16xi32>
      %swap3A_151 = vector.shape_cast %and3A_145 : vector<16xi32> to vector<1x16xi32>
      tpu.vector_store %arg7[%swap3A_147, %swap3A_148], %swap3A_151 {strides = array<i32>} : memref<1x128xi32, #tpu.memory_space<vmem>>, vector<1x16xi32>,
      %add3A_152 = arith.constant 80 : i32
      %add3A_153 = arith.addi %multiple_of3A, %add3A_152 : i32
      %get3A_154 = arith.index_cast %add3A_153 : i32 to index
      %get3A_155 = tpu.vector_load %arg5[%get3A_154] {strides = array<i32>} : memref<12288xi32, #tpu.memory_space<vmem>>, vector<16xi32>,
      %get3A_156 = vector.shape_cast %get3A_155 : vector<16xi32> to vector<16xi32>
      %shift_right_arithmetic3A_157 = arith.constant 14 : i32
      %shift_right_arithmetic3A_158 = vector.broadcast %shift_right_arithmetic3A_157 : i32 to vector<16xi32>
      %shift_right_arithmetic3A_159 = arith.shrsi %get3A_156, %shift_right_arithmetic3A_158 : vector<16xi32>
      %swap3A_160 = arith.constant 0 : i32
      %swap3A_161 = arith.index_cast %swap3A_160 : i32 to index
      %swap3A_162 = arith.constant 80 : index
      %swap3A_163 = tpu.vector_load %arg6[%swap3A_161, %swap3A_162] {strides = array<i32>} : memref<1x128xi32, #tpu.memory_space<vmem>>, vector<1x16xi32>,
      %swap3A_164 = vector.shape_cast %swap3A_163 : vector<1x16xi32> to vector<16xi32>
      %swap3A_165 = vector.shape_cast %shift_right_arithmetic3A_159 : vector<16xi32> to vector<1x16xi32>
      tpu.vector_store %arg6[%swap3A_161, %swap3A_162], %swap3A_165 {strides = array<i32>} : memref<1x128xi32, #tpu.memory_space<vmem>>, vector<1x16xi32>,
      %and3A_166 = arith.constant 16383 : i32
      %and3A_167 = vector.broadcast %and3A_166 : i32 to vector<16xi32>
      %and3A_168 = arith.andi %get3A_156, %and3A_167 : vector<16xi32>
      %swap3A_169 = arith.constant 0 : i32
      %swap3A_170 = arith.index_cast %swap3A_169 : i32 to index
      %swap3A_171 = arith.constant 80 : index
      %swap3A_172 = tpu.vector_load %arg7[%swap3A_170, %swap3A_171] {strides = array<i32>} : memref<1x128xi32, #tpu.memory_space<vmem>>, vector<1x16xi32>,
      %swap3A_173 = vector.shape_cast %swap3A_172 : vector<1x16xi32> to vector<16xi32>
      %swap3A_174 = vector.shape_cast %and3A_168 : vector<16xi32> to vector<1x16xi32>
      tpu.vector_store %arg7[%swap3A_170, %swap3A_171], %swap3A_174 {strides = array<i32>} : memref<1x128xi32, #tpu.memory_space<vmem>>, vector<1x16xi32>,
      %add3A_175 = arith.constant 96 : i32
      %add3A_176 = arith.addi %multiple_of3A, %add3A_175 : i32
      %get3A_177 = arith.index_cast %add3A_176 : i32 to index
      %get3A_178 = tpu.vector_load %arg5[%get3A_177] {strides = array<i32>} : memref<12288xi32, #tpu.memory_space<vmem>>, vector<16xi32>,
      %get3A_179 = vector.shape_cast %get3A_178 : vector<16xi32> to vector<16xi32>
      %shift_right_arithmetic3A_180 = arith.constant 14 : i32
      %shift_right_arithmetic3A_181 = vector.broadcast %shift_right_arithmetic3A_180 : i32 to vector<16xi32>
      %shift_right_arithmetic3A_182 = arith.shrsi %get3A_179, %shift_right_arithmetic3A_181 : vector<16xi32>
      %swap3A_183 = arith.constant 0 : i32
      %swap3A_184 = arith.index_cast %swap3A_183 : i32 to index
      %swap3A_185 = arith.constant 96 : index
      %swap3A_186 = tpu.vector_load %arg6[%swap3A_184, %swap3A_185] {strides = array<i32>} : memref<1x128xi32, #tpu.memory_space<vmem>>, vector<1x16xi32>,
      %swap3A_187 = vector.shape_cast %swap3A_186 : vector<1x16xi32> to vector<16xi32>
      %swap3A_188 = vector.shape_cast %shift_right_arithmetic3A_182 : vector<16xi32> to vector<1x16xi32>
      tpu.vector_store %arg6[%swap3A_184, %swap3A_185], %swap3A_188 {strides = array<i32>} : memref<1x128xi32, #tpu.memory_space<vmem>>, vector<1x16xi32>,
      %and3A_189 = arith.constant 16383 : i32
      %and3A_190 = vector.broadcast %and3A_189 : i32 to vector<16xi32>
      %and3A_191 = arith.andi %get3A_179, %and3A_190 : vector<16xi32>
      %swap3A_192 = arith.constant 0 : i32
      %swap3A_193 = arith.index_cast %swap3A_192 : i32 to index
      %swap3A_194 = arith.constant 96 : index
      %swap3A_195 = tpu.vector_load %arg7[%swap3A_193, %swap3A_194] {strides = array<i32>} : memref<1x128xi32, #tpu.memory_space<vmem>>, vector<1x16xi32>,
      %swap3A_196 = vector.shape_cast %swap3A_195 : vector<1x16xi32> to vector<16xi32>
      %swap3A_197 = vector.shape_cast %and3A_191 : vector<16xi32> to vector<1x16xi32>
      tpu.vector_store %arg7[%swap3A_193, %swap3A_194], %swap3A_197 {strides = array<i32>} : memref<1x128xi32, #tpu.memory_space<vmem>>, vector<1x16xi32>,
      %add3A_198 = arith.constant 112 : i32
      %add3A_199 = arith.addi %multiple_of3A, %add3A_198 : i32
      %get3A_200 = arith.index_cast %add3A_199 : i32 to index
      %get3A_201 = tpu.vector_load %arg5[%get3A_200] {strides = array<i32>} : memref<12288xi32, #tpu.memory_space<vmem>>, vector<16xi32>,
      %get3A_202 = vector.shape_cast %get3A_201 : vector<16xi32> to vector<16xi32>
      %shift_right_arithmetic3A_203 = arith.constant 14 : i32
      %shift_right_arithmetic3A_204 = vector.broadcast %shift_right_arithmetic3A_203 : i32 to vector<16xi32>
      %shift_right_arithmetic3A_205 = arith.shrsi %get3A_202, %shift_right_arithmetic3A_204 : vector<16xi32>
      %swap3A_206 = arith.constant 0 : i32
      %swap3A_207 = arith.index_cast %swap3A_206 : i32 to index
      %swap3A_208 = arith.constant 112 : index
      %swap3A_209 = tpu.vector_load %arg6[%swap3A_207, %swap3A_208] {strides = array<i32>} : memref<1x128xi32, #tpu.memory_space<vmem>>, vector<1x16xi32>,
      %swap3A_210 = vector.shape_cast %swap3A_209 : vector<1x16xi32> to vector<16xi32>
      %swap3A_211 = vector.shape_cast %shift_right_arithmetic3A_205 : vector<16xi32> to vector<1x16xi32>
      tpu.vector_store %arg6[%swap3A_207, %swap3A_208], %swap3A_211 {strides = array<i32>} : memref<1x128xi32, #tpu.memory_space<vmem>>, vector<1x16xi32>,
      %and3A_212 = arith.constant 16383 : i32
      %and3A_213 = vector.broadcast %and3A_212 : i32 to vector<16xi32>
      %and3A_214 = arith.andi %get3A_202, %and3A_213 : vector<16xi32>
      %swap3A_215 = arith.constant 0 : i32
      %swap3A_216 = arith.index_cast %swap3A_215 : i32 to index
      %swap3A_217 = arith.constant 112 : index
      %swap3A_218 = tpu.vector_load %arg7[%swap3A_216, %swap3A_217] {strides = array<i32>} : memref<1x128xi32, #tpu.memory_space<vmem>>, vector<1x16xi32>,
      %swap3A_219 = vector.shape_cast %swap3A_218 : vector<1x16xi32> to vector<16xi32>
      %swap3A_220 = vector.shape_cast %and3A_214 : vector<16xi32> to vector<1x16xi32>
      tpu.vector_store %arg7[%swap3A_216, %swap3A_217], %swap3A_220 {strides = array<i32>} : memref<1x128xi32, #tpu.memory_space<vmem>>, vector<1x16xi32>,
      %dma_start3A = arith.constant 0 : i32
      %dma_start3A_221 = arith.constant 0 : i32
      %dma_start3A_222 = tpu.memref_slice %arg6[%dma_start3A, %dma_start3A_221] : memref<1x128xi32, #tpu.memory_space<vmem>> -> memref<1x128xi32, #tpu.memory_space<vmem>>
      %dma_start3A_223 = tpu.memref_squeeze %dma_start3A_222 : memref<1x128xi32, #tpu.memory_space<vmem>> -> memref<128xi32, #tpu.memory_space<vmem>>
      %dma_start3A_224 = arith.constant 0 : i32
      %dma_start3A_225 = arith.constant 0 : i32
      %dma_start3A_226 = tpu.memref_slice %arg2[%dma_start3A_224, %dma_start3A_225] : memref<10240x128xf32, #tpu.memory_space<hbm>> -> memref<10240x128xf32, #tpu.memory_space<hbm>>
      tpu.enqueue_indirect_dma source(%dma_start3A_226 : memref<10240x128xf32, #tpu.memory_space<hbm>>) target(%arg8 : memref<128x128xf32, #tpu.memory_space<vmem>>) offsets(%dma_start3A_223 : memref<128xi32, #tpu.memory_space<vmem>>) semaphore(%arg11 : memref<!tpu.dma_semaphore, #tpu.memory_space<semaphore_mem>>)
      %dma_wait3A = arith.constant 0 : i32
      %dma_wait3A_227 = arith.constant 0 : i32
      %dma_wait3A_228 = tpu.memref_slice %arg6[%dma_wait3A, %dma_wait3A_227] : memref<1x128xi32, #tpu.memory_space<vmem>> -> memref<1x128xi32, #tpu.memory_space<vmem>>
      %dma_wait3A_229 = tpu.memref_squeeze %dma_wait3A_228 : memref<1x128xi32, #tpu.memory_space<vmem>> -> memref<128xi32, #tpu.memory_space<vmem>>
      %dma_wait3A_230 = arith.constant 0 : i32
      %dma_wait3A_231 = arith.constant 0 : i32
      %dma_wait3A_232 = tpu.memref_slice %arg2[%dma_wait3A_230, %dma_wait3A_231] : memref<10240x128xf32, #tpu.memory_space<hbm>> -> memref<10240x128xf32, #tpu.memory_space<hbm>>
      tpu.wait_indirect_dma semaphore(%arg11 : memref<!tpu.dma_semaphore, #tpu.memory_space<semaphore_mem>>) src(%dma_wait3A_232 : memref<10240x128xf32, #tpu.memory_space<hbm>>) dst(%arg8 : memref<128x128xf32, #tpu.memory_space<vmem>>)
      %run_scoped3A = arith.constant 0 : i32
      "tpu.region"() ({
        %run_scoped3A_234 = tpu.sem_alloc : memref<!tpu.dma_semaphore, #tpu.memory_space<semaphore_mem>>
        %dma_start3A_235 = arith.constant 0 : i32
        %dma_start3A_236 = tpu.memref_slice %arg7[%run_scoped3A, %dma_start3A_235] : memref<1x128xi32, #tpu.memory_space<vmem>> -> memref<1x128xi32, #tpu.memory_space<vmem>>
        %dma_start3A_237 = tpu.memref_squeeze %dma_start3A_236 : memref<1x128xi32, #tpu.memory_space<vmem>> -> memref<128xi32, #tpu.memory_space<vmem>>
        %dma_start3A_238 = arith.constant 0 : i32
        %dma_start3A_239 = arith.constant 0 : i32
        %dma_start3A_240 = tpu.memref_slice %arg10[%dma_start3A_238, %dma_start3A_239] : memref<10368x128xf32, #tpu.memory_space<vmem_shared>> -> memref<10368x128xf32, #tpu.memory_space<vmem_shared>>
        tpu.enqueue_indirect_dma source(%arg8 : memref<128x128xf32, #tpu.memory_space<vmem>>) target(%dma_start3A_240 : memref<10368x128xf32, #tpu.memory_space<vmem_shared>>) offsets(%dma_start3A_237 : memref<128xi32, #tpu.memory_space<vmem>>) semaphore(%run_scoped3A_234 : memref<!tpu.dma_semaphore, #tpu.memory_space<semaphore_mem>>) {add = true}
        %dma_wait3A_241 = arith.constant 0 : i32
        %dma_wait3A_242 = tpu.memref_slice %arg7[%run_scoped3A, %dma_wait3A_241] : memref<1x128xi32, #tpu.memory_space<vmem>> -> memref<1x128xi32, #tpu.memory_space<vmem>>
        %dma_wait3A_243 = tpu.memref_squeeze %dma_wait3A_242 : memref<1x128xi32, #tpu.memory_space<vmem>> -> memref<128xi32, #tpu.memory_space<vmem>>
        %dma_wait3A_244 = arith.constant 0 : i32
        %dma_wait3A_245 = arith.constant 0 : i32
        %dma_wait3A_246 = tpu.memref_slice %arg10[%dma_wait3A_244, %dma_wait3A_245] : memref<10368x128xf32, #tpu.memory_space<vmem_shared>> -> memref<10368x128xf32, #tpu.memory_space<vmem_shared>>
        tpu.wait_indirect_dma semaphore(%run_scoped3A_234 : memref<!tpu.dma_semaphore, #tpu.memory_space<semaphore_mem>>) src(%arg8 : memref<128x128xf32, #tpu.memory_space<vmem>>) dst(%dma_wait3A_246 : memref<10368x128xf32, #tpu.memory_space<vmem_shared>>)
        tpu.yield
      }) : () -> ()
      %while3A_233 = arith.constant 0 : i32
      scf.yield %while3A_233 : i32
    }
    %while3A_32 = arith.constant 1 : i32
    %while3A_33 = scf.for %while3A_38 = %while3A_29 to %while3A_25 step %while3A_32 iter_args(%while3A_39 = %while3A_31) -> (i32)  : i32 {
      %mul3A_40 = arith.constant 128 : i32
      %mul3A_41 = arith.muli %while3A_38, %mul3A_40 : i32
      %multiple_of3A = tpu.assume_multiple %mul3A_41, 128 : i32
      %add3A = arith.constant 0 : i32
      %add3A_42 = arith.addi %multiple_of3A, %add3A : i32
      %get3A = arith.index_cast %add3A_42 : i32 to index
      %get3A_43 = tpu.vector_load %arg5[%get3A] {strides = array<i32>} : memref<12288xi32, #tpu.memory_space<vmem>>, vector<16xi32>,
      %get3A_44 = vector.shape_cast %get3A_43 : vector<16xi32> to vector<16xi32>
      %shift_right_arithmetic3A = arith.constant 14 : i32
      %shift_right_arithmetic3A_45 = vector.broadcast %shift_right_arithmetic3A : i32 to vector<16xi32>
      %shift_right_arithmetic3A_46 = arith.shrsi %get3A_44, %shift_right_arithmetic3A_45 : vector<16xi32>
      %swap3A = arith.constant 0 : i32
      %swap3A_47 = arith.index_cast %swap3A : i32 to index
      %swap3A_48 = arith.constant 0 : index
      %swap3A_49 = tpu.vector_load %arg6[%swap3A_47, %swap3A_48] {strides = array<i32>} : memref<1x128xi32, #tpu.memory_space<vmem>>, vector<1x16xi32>,
      %swap3A_50 = vector.shape_cast %swap3A_49 : vector<1x16xi32> to vector<16xi32>
      %swap3A_51 = vector.shape_cast %shift_right_arithmetic3A_46 : vector<16xi32> to vector<1x16xi32>
      tpu.vector_store %arg6[%swap3A_47, %swap3A_48], %swap3A_51 {strides = array<i32>} : memref<1x128xi32, #tpu.memory_space<vmem>>, vector<1x16xi32>,
      %and3A = arith.constant 16383 : i32
      %and3A_52 = vector.broadcast %and3A : i32 to vector<16xi32>
      %and3A_53 = arith.andi %get3A_44, %and3A_52 : vector<16xi32>
      %swap3A_54 = arith.constant 0 : i32
      %swap3A_55 = arith.index_cast %swap3A_54 : i32 to index
      %swap3A_56 = arith.constant 0 : index
      %swap3A_57 = tpu.vector_load %arg7[%swap3A_55, %swap3A_56] {strides = array<i32>} : memref<1x128xi32, #tpu.memory_space<vmem>>, vector<1x16xi32>,
      %swap3A_58 = vector.shape_cast %swap3A_57 : vector<1x16xi32> to vector<16xi32>
      %swap3A_59 = vector.shape_cast %and3A_53 : vector<16xi32> to vector<1x16xi32>
      tpu.vector_store %arg7[%swap3A_55, %swap3A_56], %swap3A_59 {strides = array<i32>} : memref<1x128xi32, #tpu.memory_space<vmem>>, vector<1x16xi32>,
      %add3A_60 = arith.constant 16 : i32
      %add3A_61 = arith.addi %multiple_of3A, %add3A_60 : i32
      %get3A_62 = arith.index_cast %add3A_61 : i32 to index
      %get3A_63 = tpu.vector_load %arg5[%get3A_62] {strides = array<i32>} : memref<12288xi32, #tpu.memory_space<vmem>>, vector<16xi32>,
      %get3A_64 = vector.shape_cast %get3A_63 : vector<16xi32> to vector<16xi32>
      %shift_right_arithmetic3A_65 = arith.constant 14 : i32
      %shift_right_arithmetic3A_66 = vector.broadcast %shift_right_arithmetic3A_65 : i32 to vector<16xi32>
      %shift_right_arithmetic3A_67 = arith.shrsi %get3A_64, %shift_right_arithmetic3A_66 : vector<16xi32>
      %swap3A_68 = arith.constant 0 : i32
      %swap3A_69 = arith.index_cast %swap3A_68 : i32 to index
      %swap3A_70 = arith.constant 16 : index
      %swap3A_71 = tpu.vector_load %arg6[%swap3A_69, %swap3A_70] {strides = array<i32>} : memref<1x128xi32, #tpu.memory_space<vmem>>, vector<1x16xi32>,
      %swap3A_72 = vector.shape_cast %swap3A_71 : vector<1x16xi32> to vector<16xi32>
      %swap3A_73 = vector.shape_cast %shift_right_arithmetic3A_67 : vector<16xi32> to vector<1x16xi32>
      tpu.vector_store %arg6[%swap3A_69, %swap3A_70], %swap3A_73 {strides = array<i32>} : memref<1x128xi32, #tpu.memory_space<vmem>>, vector<1x16xi32>,
      %and3A_74 = arith.constant 16383 : i32
      %and3A_75 = vector.broadcast %and3A_74 : i32 to vector<16xi32>
      %and3A_76 = arith.andi %get3A_64, %and3A_75 : vector<16xi32>
      %swap3A_77 = arith.constant 0 : i32
      %swap3A_78 = arith.index_cast %swap3A_77 : i32 to index
      %swap3A_79 = arith.constant 16 : index
      %swap3A_80 = tpu.vector_load %arg7[%swap3A_78, %swap3A_79] {strides = array<i32>} : memref<1x128xi32, #tpu.memory_space<vmem>>, vector<1x16xi32>,
      %swap3A_81 = vector.shape_cast %swap3A_80 : vector<1x16xi32> to vector<16xi32>
      %swap3A_82 = vector.shape_cast %and3A_76 : vector<16xi32> to vector<1x16xi32>
      tpu.vector_store %arg7[%swap3A_78, %swap3A_79], %swap3A_82 {strides = array<i32>} : memref<1x128xi32, #tpu.memory_space<vmem>>, vector<1x16xi32>,
      %add3A_83 = arith.constant 32 : i32
      %add3A_84 = arith.addi %multiple_of3A, %add3A_83 : i32
      %get3A_85 = arith.index_cast %add3A_84 : i32 to index
      %get3A_86 = tpu.vector_load %arg5[%get3A_85] {strides = array<i32>} : memref<12288xi32, #tpu.memory_space<vmem>>, vector<16xi32>,
      %get3A_87 = vector.shape_cast %get3A_86 : vector<16xi32> to vector<16xi32>
      %shift_right_arithmetic3A_88 = arith.constant 14 : i32
      %shift_right_arithmetic3A_89 = vector.broadcast %shift_right_arithmetic3A_88 : i32 to vector<16xi32>
      %shift_right_arithmetic3A_90 = arith.shrsi %get3A_87, %shift_right_arithmetic3A_89 : vector<16xi32>
      %swap3A_91 = arith.constant 0 : i32
      %swap3A_92 = arith.index_cast %swap3A_91 : i32 to index
      %swap3A_93 = arith.constant 32 : index
      %swap3A_94 = tpu.vector_load %arg6[%swap3A_92, %swap3A_93] {strides = array<i32>} : memref<1x128xi32, #tpu.memory_space<vmem>>, vector<1x16xi32>,
      %swap3A_95 = vector.shape_cast %swap3A_94 : vector<1x16xi32> to vector<16xi32>
      %swap3A_96 = vector.shape_cast %shift_right_arithmetic3A_90 : vector<16xi32> to vector<1x16xi32>
      tpu.vector_store %arg6[%swap3A_92, %swap3A_93], %swap3A_96 {strides = array<i32>} : memref<1x128xi32, #tpu.memory_space<vmem>>, vector<1x16xi32>,
      %and3A_97 = arith.constant 16383 : i32
      %and3A_98 = vector.broadcast %and3A_97 : i32 to vector<16xi32>
      %and3A_99 = arith.andi %get3A_87, %and3A_98 : vector<16xi32>
      %swap3A_100 = arith.constant 0 : i32
      %swap3A_101 = arith.index_cast %swap3A_100 : i32 to index
      %swap3A_102 = arith.constant 32 : index
      %swap3A_103 = tpu.vector_load %arg7[%swap3A_101, %swap3A_102] {strides = array<i32>} : memref<1x128xi32, #tpu.memory_space<vmem>>, vector<1x16xi32>,
      %swap3A_104 = vector.shape_cast %swap3A_103 : vector<1x16xi32> to vector<16xi32>
      %swap3A_105 = vector.shape_cast %and3A_99 : vector<16xi32> to vector<1x16xi32>
      tpu.vector_store %arg7[%swap3A_101, %swap3A_102], %swap3A_105 {strides = array<i32>} : memref<1x128xi32, #tpu.memory_space<vmem>>, vector<1x16xi32>,
      %add3A_106 = arith.constant 48 : i32
      %add3A_107 = arith.addi %multiple_of3A, %add3A_106 : i32
      %get3A_108 = arith.index_cast %add3A_107 : i32 to index
      %get3A_109 = tpu.vector_load %arg5[%get3A_108] {strides = array<i32>} : memref<12288xi32, #tpu.memory_space<vmem>>, vector<16xi32>,
      %get3A_110 = vector.shape_cast %get3A_109 : vector<16xi32> to vector<16xi32>
      %shift_right_arithmetic3A_111 = arith.constant 14 : i32
      %shift_right_arithmetic3A_112 = vector.broadcast %shift_right_arithmetic3A_111 : i32 to vector<16xi32>
      %shift_right_arithmetic3A_113 = arith.shrsi %get3A_110, %shift_right_arithmetic3A_112 : vector<16xi32>
      %swap3A_114 = arith.constant 0 : i32
      %swap3A_115 = arith.index_cast %swap3A_114 : i32 to index
      %swap3A_116 = arith.constant 48 : index
      %swap3A_117 = tpu.vector_load %arg6[%swap3A_115, %swap3A_116] {strides = array<i32>} : memref<1x128xi32, #tpu.memory_space<vmem>>, vector<1x16xi32>,
      %swap3A_118 = vector.shape_cast %swap3A_117 : vector<1x16xi32> to vector<16xi32>
      %swap3A_119 = vector.shape_cast %shift_right_arithmetic3A_113 : vector<16xi32> to vector<1x16xi32>
      tpu.vector_store %arg6[%swap3A_115, %swap3A_116], %swap3A_119 {strides = array<i32>} : memref<1x128xi32, #tpu.memory_space<vmem>>, vector<1x16xi32>,
      %and3A_120 = arith.constant 16383 : i32
      %and3A_121 = vector.broadcast %and3A_120 : i32 to vector<16xi32>
      %and3A_122 = arith.andi %get3A_110, %and3A_121 : vector<16xi32>
      %swap3A_123 = arith.constant 0 : i32
      %swap3A_124 = arith.index_cast %swap3A_123 : i32 to index
      %swap3A_125 = arith.constant 48 : index
      %swap3A_126 = tpu.vector_load %arg7[%swap3A_124, %swap3A_125] {strides = array<i32>} : memref<1x128xi32, #tpu.memory_space<vmem>>, vector<1x16xi32>,
      %swap3A_127 = vector.shape_cast %swap3A_126 : vector<1x16xi32> to vector<16xi32>
      %swap3A_128 = vector.shape_cast %and3A_122 : vector<16xi32> to vector<1x16xi32>
      tpu.vector_store %arg7[%swap3A_124, %swap3A_125], %swap3A_128 {strides = array<i32>} : memref<1x128xi32, #tpu.memory_space<vmem>>, vector<1x16xi32>,
      %add3A_129 = arith.constant 64 : i32
      %add3A_130 = arith.addi %multiple_of3A, %add3A_129 : i32
      %get3A_131 = arith.index_cast %add3A_130 : i32 to index
      %get3A_132 = tpu.vector_load %arg5[%get3A_131] {strides = array<i32>} : memref<12288xi32, #tpu.memory_space<vmem>>, vector<16xi32>,
      %get3A_133 = vector.shape_cast %get3A_132 : vector<16xi32> to vector<16xi32>
      %shift_right_arithmetic3A_134 = arith.constant 14 : i32
      %shift_right_arithmetic3A_135 = vector.broadcast %shift_right_arithmetic3A_134 : i32 to vector<16xi32>
      %shift_right_arithmetic3A_136 = arith.shrsi %get3A_133, %shift_right_arithmetic3A_135 : vector<16xi32>
      %swap3A_137 = arith.constant 0 : i32
      %swap3A_138 = arith.index_cast %swap3A_137 : i32 to index
      %swap3A_139 = arith.constant 64 : index
      %swap3A_140 = tpu.vector_load %arg6[%swap3A_138, %swap3A_139] {strides = array<i32>} : memref<1x128xi32, #tpu.memory_space<vmem>>, vector<1x16xi32>,
      %swap3A_141 = vector.shape_cast %swap3A_140 : vector<1x16xi32> to vector<16xi32>
      %swap3A_142 = vector.shape_cast %shift_right_arithmetic3A_136 : vector<16xi32> to vector<1x16xi32>
      tpu.vector_store %arg6[%swap3A_138, %swap3A_139], %swap3A_142 {strides = array<i32>} : memref<1x128xi32, #tpu.memory_space<vmem>>, vector<1x16xi32>,
      %and3A_143 = arith.constant 16383 : i32
      %and3A_144 = vector.broadcast %and3A_143 : i32 to vector<16xi32>
      %and3A_145 = arith.andi %get3A_133, %and3A_144 : vector<16xi32>
      %swap3A_146 = arith.constant 0 : i32
      %swap3A_147 = arith.index_cast %swap3A_146 : i32 to index
      %swap3A_148 = arith.constant 64 : index
      %swap3A_149 = tpu.vector_load %arg7[%swap3A_147, %swap3A_148] {strides = array<i32>} : memref<1x128xi32, #tpu.memory_space<vmem>>, vector<1x16xi32>,
      %swap3A_150 = vector.shape_cast %swap3A_149 : vector<1x16xi32> to vector<16xi32>
      %swap3A_151 = vector.shape_cast %and3A_145 : vector<16xi32> to vector<1x16xi32>
      tpu.vector_store %arg7[%swap3A_147, %swap3A_148], %swap3A_151 {strides = array<i32>} : memref<1x128xi32, #tpu.memory_space<vmem>>, vector<1x16xi32>,
      %add3A_152 = arith.constant 80 : i32
      %add3A_153 = arith.addi %multiple_of3A, %add3A_152 : i32
      %get3A_154 = arith.index_cast %add3A_153 : i32 to index
      %get3A_155 = tpu.vector_load %arg5[%get3A_154] {strides = array<i32>} : memref<12288xi32, #tpu.memory_space<vmem>>, vector<16xi32>,
      %get3A_156 = vector.shape_cast %get3A_155 : vector<16xi32> to vector<16xi32>
      %shift_right_arithmetic3A_157 = arith.constant 14 : i32
      %shift_right_arithmetic3A_158 = vector.broadcast %shift_right_arithmetic3A_157 : i32 to vector<16xi32>
      %shift_right_arithmetic3A_159 = arith.shrsi %get3A_156, %shift_right_arithmetic3A_158 : vector<16xi32>
      %swap3A_160 = arith.constant 0 : i32
      %swap3A_161 = arith.index_cast %swap3A_160 : i32 to index
      %swap3A_162 = arith.constant 80 : index
      %swap3A_163 = tpu.vector_load %arg6[%swap3A_161, %swap3A_162] {strides = array<i32>} : memref<1x128xi32, #tpu.memory_space<vmem>>, vector<1x16xi32>,
      %swap3A_164 = vector.shape_cast %swap3A_163 : vector<1x16xi32> to vector<16xi32>
      %swap3A_165 = vector.shape_cast %shift_right_arithmetic3A_159 : vector<16xi32> to vector<1x16xi32>
      tpu.vector_store %arg6[%swap3A_161, %swap3A_162], %swap3A_165 {strides = array<i32>} : memref<1x128xi32, #tpu.memory_space<vmem>>, vector<1x16xi32>,
      %and3A_166 = arith.constant 16383 : i32
      %and3A_167 = vector.broadcast %and3A_166 : i32 to vector<16xi32>
      %and3A_168 = arith.andi %get3A_156, %and3A_167 : vector<16xi32>
      %swap3A_169 = arith.constant 0 : i32
      %swap3A_170 = arith.index_cast %swap3A_169 : i32 to index
      %swap3A_171 = arith.constant 80 : index
      %swap3A_172 = tpu.vector_load %arg7[%swap3A_170, %swap3A_171] {strides = array<i32>} : memref<1x128xi32, #tpu.memory_space<vmem>>, vector<1x16xi32>,
      %swap3A_173 = vector.shape_cast %swap3A_172 : vector<1x16xi32> to vector<16xi32>
      %swap3A_174 = vector.shape_cast %and3A_168 : vector<16xi32> to vector<1x16xi32>
      tpu.vector_store %arg7[%swap3A_170, %swap3A_171], %swap3A_174 {strides = array<i32>} : memref<1x128xi32, #tpu.memory_space<vmem>>, vector<1x16xi32>,
      %add3A_175 = arith.constant 96 : i32
      %add3A_176 = arith.addi %multiple_of3A, %add3A_175 : i32
      %get3A_177 = arith.index_cast %add3A_176 : i32 to index
      %get3A_178 = tpu.vector_load %arg5[%get3A_177] {strides = array<i32>} : memref<12288xi32, #tpu.memory_space<vmem>>, vector<16xi32>,
      %get3A_179 = vector.shape_cast %get3A_178 : vector<16xi32> to vector<16xi32>
      %shift_right_arithmetic3A_180 = arith.constant 14 : i32
      %shift_right_arithmetic3A_181 = vector.broadcast %shift_right_arithmetic3A_180 : i32 to vector<16xi32>
      %shift_right_arithmetic3A_182 = arith.shrsi %get3A_179, %shift_right_arithmetic3A_181 : vector<16xi32>
      %swap3A_183 = arith.constant 0 : i32
      %swap3A_184 = arith.index_cast %swap3A_183 : i32 to index
      %swap3A_185 = arith.constant 96 : index
      %swap3A_186 = tpu.vector_load %arg6[%swap3A_184, %swap3A_185] {strides = array<i32>} : memref<1x128xi32, #tpu.memory_space<vmem>>, vector<1x16xi32>,
      %swap3A_187 = vector.shape_cast %swap3A_186 : vector<1x16xi32> to vector<16xi32>
      %swap3A_188 = vector.shape_cast %shift_right_arithmetic3A_182 : vector<16xi32> to vector<1x16xi32>
      tpu.vector_store %arg6[%swap3A_184, %swap3A_185], %swap3A_188 {strides = array<i32>} : memref<1x128xi32, #tpu.memory_space<vmem>>, vector<1x16xi32>,
      %and3A_189 = arith.constant 16383 : i32
      %and3A_190 = vector.broadcast %and3A_189 : i32 to vector<16xi32>
      %and3A_191 = arith.andi %get3A_179, %and3A_190 : vector<16xi32>
      %swap3A_192 = arith.constant 0 : i32
      %swap3A_193 = arith.index_cast %swap3A_192 : i32 to index
      %swap3A_194 = arith.constant 96 : index
      %swap3A_195 = tpu.vector_load %arg7[%swap3A_193, %swap3A_194] {strides = array<i32>} : memref<1x128xi32, #tpu.memory_space<vmem>>, vector<1x16xi32>,
      %swap3A_196 = vector.shape_cast %swap3A_195 : vector<1x16xi32> to vector<16xi32>
      %swap3A_197 = vector.shape_cast %and3A_191 : vector<16xi32> to vector<1x16xi32>
      tpu.vector_store %arg7[%swap3A_193, %swap3A_194], %swap3A_197 {strides = array<i32>} : memref<1x128xi32, #tpu.memory_space<vmem>>, vector<1x16xi32>,
      %add3A_198 = arith.constant 112 : i32
      %add3A_199 = arith.addi %multiple_of3A, %add3A_198 : i32
      %get3A_200 = arith.index_cast %add3A_199 : i32 to index
      %get3A_201 = tpu.vector_load %arg5[%get3A_200] {strides = array<i32>} : memref<12288xi32, #tpu.memory_space<vmem>>, vector<16xi32>,
      %get3A_202 = vector.shape_cast %get3A_201 : vector<16xi32> to vector<16xi32>
      %shift_right_arithmetic3A_203 = arith.constant 14 : i32
      %shift_right_arithmetic3A_204 = vector.broadcast %shift_right_arithmetic3A_203 : i32 to vector<16xi32>
      %shift_right_arithmetic3A_205 = arith.shrsi %get3A_202, %shift_right_arithmetic3A_204 : vector<16xi32>
      %swap3A_206 = arith.constant 0 : i32
      %swap3A_207 = arith.index_cast %swap3A_206 : i32 to index
      %swap3A_208 = arith.constant 112 : index
      %swap3A_209 = tpu.vector_load %arg6[%swap3A_207, %swap3A_208] {strides = array<i32>} : memref<1x128xi32, #tpu.memory_space<vmem>>, vector<1x16xi32>,
      %swap3A_210 = vector.shape_cast %swap3A_209 : vector<1x16xi32> to vector<16xi32>
      %swap3A_211 = vector.shape_cast %shift_right_arithmetic3A_205 : vector<16xi32> to vector<1x16xi32>
      tpu.vector_store %arg6[%swap3A_207, %swap3A_208], %swap3A_211 {strides = array<i32>} : memref<1x128xi32, #tpu.memory_space<vmem>>, vector<1x16xi32>,
      %and3A_212 = arith.constant 16383 : i32
      %and3A_213 = vector.broadcast %and3A_212 : i32 to vector<16xi32>
      %and3A_214 = arith.andi %get3A_202, %and3A_213 : vector<16xi32>
      %swap3A_215 = arith.constant 0 : i32
      %swap3A_216 = arith.index_cast %swap3A_215 : i32 to index
      %swap3A_217 = arith.constant 112 : index
      %swap3A_218 = tpu.vector_load %arg7[%swap3A_216, %swap3A_217] {strides = array<i32>} : memref<1x128xi32, #tpu.memory_space<vmem>>, vector<1x16xi32>,
      %swap3A_219 = vector.shape_cast %swap3A_218 : vector<1x16xi32> to vector<16xi32>
      %swap3A_220 = vector.shape_cast %and3A_214 : vector<16xi32> to vector<1x16xi32>
      tpu.vector_store %arg7[%swap3A_216, %swap3A_217], %swap3A_220 {strides = array<i32>} : memref<1x128xi32, #tpu.memory_space<vmem>>, vector<1x16xi32>,
      %dma_start3A = arith.constant 0 : i32
      %dma_start3A_221 = arith.constant 0 : i32
      %dma_start3A_222 = tpu.memref_slice %arg6[%dma_start3A, %dma_start3A_221] : memref<1x128xi32, #tpu.memory_space<vmem>> -> memref<1x128xi32, #tpu.memory_space<vmem>>
      %dma_start3A_223 = tpu.memref_squeeze %dma_start3A_222 : memref<1x128xi32, #tpu.memory_space<vmem>> -> memref<128xi32, #tpu.memory_space<vmem>>
      %dma_start3A_224 = arith.constant 0 : i32
      %dma_start3A_225 = arith.constant 0 : i32
      %dma_start3A_226 = tpu.memref_slice %arg2[%dma_start3A_224, %dma_start3A_225] : memref<10240x128xf32, #tpu.memory_space<hbm>> -> memref<10240x128xf32, #tpu.memory_space<hbm>>
      tpu.enqueue_indirect_dma source(%dma_start3A_226 : memref<10240x128xf32, #tpu.memory_space<hbm>>) target(%arg8 : memref<128x128xf32, #tpu.memory_space<vmem>>) offsets(%dma_start3A_223 : memref<128xi32, #tpu.memory_space<vmem>>) semaphore(%arg11 : memref<!tpu.dma_semaphore, #tpu.memory_space<semaphore_mem>>)
      %dma_wait3A = arith.constant 0 : i32
      %dma_wait3A_227 = arith.constant 0 : i32
      %dma_wait3A_228 = tpu.memref_slice %arg6[%dma_wait3A, %dma_wait3A_227] : memref<1x128xi32, #tpu.memory_space<vmem>> -> memref<1x128xi32, #tpu.memory_space<vmem>>
      %dma_wait3A_229 = tpu.memref_squeeze %dma_wait3A_228 : memref<1x128xi32, #tpu.memory_space<vmem>> -> memref<128xi32, #tpu.memory_space<vmem>>
      %dma_wait3A_230 = arith.constant 0 : i32
      %dma_wait3A_231 = arith.constant 0 : i32
      %dma_wait3A_232 = tpu.memref_slice %arg2[%dma_wait3A_230, %dma_wait3A_231] : memref<10240x128xf32, #tpu.memory_space<hbm>> -> memref<10240x128xf32, #tpu.memory_space<hbm>>
      tpu.wait_indirect_dma semaphore(%arg11 : memref<!tpu.dma_semaphore, #tpu.memory_space<semaphore_mem>>) src(%dma_wait3A_232 : memref<10240x128xf32, #tpu.memory_space<hbm>>) dst(%arg8 : memref<128x128xf32, #tpu.memory_space<vmem>>)
      %run_scoped3A = arith.constant 0 : i32
      "tpu.region"() ({
        %run_scoped3A_234 = tpu.sem_alloc : memref<!tpu.dma_semaphore, #tpu.memory_space<semaphore_mem>>
        %dma_start3A_235 = arith.constant 0 : i32
        %dma_start3A_236 = tpu.memref_slice %arg7[%run_scoped3A, %dma_start3A_235] : memref<1x128xi32, #tpu.memory_space<vmem>> -> memref<1x128xi32, #tpu.memory_space<vmem>>
        %dma_start3A_237 = tpu.memref_squeeze %dma_start3A_236 : memref<1x128xi32, #tpu.memory_space<vmem>> -> memref<128xi32, #tpu.memory_space<vmem>>
        %dma_start3A_238 = arith.constant 0 : i32
        %dma_start3A_239 = arith.constant 0 : i32
        %dma_start3A_240 = tpu.memref_slice %arg10[%dma_start3A_238, %dma_start3A_239] : memref<10368x128xf32, #tpu.memory_space<vmem_shared>> -> memref<10368x128xf32, #tpu.memory_space<vmem_shared>>
        tpu.enqueue_indirect_dma source(%arg8 : memref<128x128xf32, #tpu.memory_space<vmem>>) target(%dma_start3A_240 : memref<10368x128xf32, #tpu.memory_space<vmem_shared>>) offsets(%dma_start3A_237 : memref<128xi32, #tpu.memory_space<vmem>>) semaphore(%run_scoped3A_234 : memref<!tpu.dma_semaphore, #tpu.memory_space<semaphore_mem>>) {add = true}
        %dma_wait3A_241 = arith.constant 0 : i32
        %dma_wait3A_242 = tpu.memref_slice %arg7[%run_scoped3A, %dma_wait3A_241] : memref<1x128xi32, #tpu.memory_space<vmem>> -> memref<1x128xi32, #tpu.memory_space<vmem>>
        %dma_wait3A_243 = tpu.memref_squeeze %dma_wait3A_242 : memref<1x128xi32, #tpu.memory_space<vmem>> -> memref<128xi32, #tpu.memory_space<vmem>>
        %dma_wait3A_244 = arith.constant 0 : i32
        %dma_wait3A_245 = arith.constant 0 : i32
        %dma_wait3A_246 = tpu.memref_slice %arg10[%dma_wait3A_244, %dma_wait3A_245] : memref<10368x128xf32, #tpu.memory_space<vmem_shared>> -> memref<10368x128xf32, #tpu.memory_space<vmem_shared>>
        tpu.wait_indirect_dma semaphore(%run_scoped3A_234 : memref<!tpu.dma_semaphore, #tpu.memory_space<semaphore_mem>>) src(%arg8 : memref<128x128xf32, #tpu.memory_space<vmem>>) dst(%dma_wait3A_246 : memref<10368x128xf32, #tpu.memory_space<vmem_shared>>)
        tpu.yield
      }) : () -> ()
      %while3A_233 = arith.constant 0 : i32
      scf.yield %while3A_233 : i32
    }
    %barrier3A_34 = arith.constant 0 : index
    tpu.barrier barrier_id(%barrier3A_34)
    %mul3A = arith.constant 640 : i32
    %mul3A_35 = arith.muli %arg1, %mul3A : i32
    %mul3A_36 = arith.constant 640 : i32
    %mul3A_37 = arith.muli %arg1, %mul3A_36 : i32
    "tpu.region"() ({
      %run_scoped3A = tpu.sem_alloc : memref<!tpu.dma_semaphore, #tpu.memory_space<semaphore_mem>>
      %dma_start3A = arith.constant 0 : i32
      %dma_start3A_38 = tpu.memref_slice %arg4[%arg0, %mul3A_37, %dma_start3A] : memref<2x10240x128xf32, #tpu.memory_space<hbm>> -> memref<1x640x128xf32, #tpu.memory_space<hbm>>
      %dma_start3A_39 = tpu.memref_squeeze %dma_start3A_38 : memref<1x640x128xf32, #tpu.memory_space<hbm>> -> memref<640x128xf32, #tpu.memory_space<hbm>>
      %dma_start3A_40 = arith.constant 0 : i32
      %dma_start3A_41 = tpu.memref_slice %arg10[%mul3A_35, %dma_start3A_40] : memref<10368x128xf32, #tpu.memory_space<vmem_shared>> -> memref<640x128xf32, #tpu.memory_space<vmem_shared>>
      tpu.enqueue_dma source(%dma_start3A_41 : memref<640x128xf32, #tpu.memory_space<vmem_shared>>) target(%dma_start3A_39 : memref<640x128xf32, #tpu.memory_space<hbm>>) target_semaphore(%run_scoped3A : memref<!tpu.dma_semaphore, #tpu.memory_space<semaphore_mem>>)
      %dma_wait3A = arith.constant 0 : i32
      %dma_wait3A_42 = tpu.memref_slice %arg4[%arg0, %mul3A_37, %dma_wait3A] : memref<2x10240x128xf32, #tpu.memory_space<hbm>> -> memref<1x640x128xf32, #tpu.memory_space<hbm>>
      %dma_wait3A_43 = tpu.memref_squeeze %dma_wait3A_42 : memref<1x640x128xf32, #tpu.memory_space<hbm>> -> memref<640x128xf32, #tpu.memory_space<hbm>>
      %dma_wait3A_44 = arith.constant 0 : i32
      %dma_wait3A_45 = tpu.memref_slice %arg10[%mul3A_35, %dma_wait3A_44] : memref<10368x128xf32, #tpu.memory_space<vmem_shared>> -> memref<640x128xf32, #tpu.memory_space<vmem_shared>>
      tpu.wait_dma2 semaphore(%run_scoped3A : memref<!tpu.dma_semaphore, #tpu.memory_space<semaphore_mem>>) src(%dma_wait3A_45 : memref<640x128xf32, #tpu.memory_space<vmem_shared>>) dst(%dma_wait3A_43 : memref<640x128xf32, #tpu.memory_space<hbm>>)
      tpu.yield
    }) : () -> ()
    return
  }
}

#map = affine_map<(d0, d1) -> (0, 0, 0)>
module attributes {stable_mosaic.version = 14 : i64} {
  func.func @deg_kernel(%arg0: i32, %arg1: i32, %arg2: memref<32x79x128xi32, #tpu.memory_space<hbm>>, %arg3: memref<2x10240x16xf32, #tpu.memory_space<hbm>>, %arg4: memref<79x128xi32, #tpu.memory_space<vmem>>, %arg5: memref<128x16xf32, #tpu.memory_space<vmem>>, %arg6: memref<81x16xf32, #tpu.memory_space<vmem>>, %arg7: memref<10368x16xf32, #tpu.memory_space<vmem_shared>>) attributes {dimension_semantics = [#tpu.dimension_semantics<core_parallel>, #tpu.dimension_semantics<subcore_parallel>], iteration_bounds = array<i64: 2, 16>, scalar_prefetch = 0 : i64, scratch_operands = 4 : i64, tpu.core_type = #tpu.core_type<sc_vector_subcore>, window_params = [{transform_indices = #map}, {transform_indices = #map}]} {
    %mul3A = arith.constant 16 : i32
    %mul3A_0 = arith.muli %arg0, %mul3A : i32
    %add3A = arith.addi %mul3A_0, %arg1 : i32
    %scan3A = arith.constant 0 : i32
    %scan3A_1 = arith.constant 0 : i32
    %scan3A_2 = arith.constant 128 : i32
    %scan3A_3 = arith.addi %scan3A_1, %scan3A_2 : i32
    %scan3A_4 = arith.constant 1 : i32
    %scan3A_5 = scf.for %scan3A_33 = %scan3A_1 to %scan3A_3 step %scan3A_4 iter_args(%scan3A_34 = %scan3A) -> (i32)  : i32 {
      %broadcast_in_dim3A = arith.constant 1.000000e+00 : f32
      %broadcast_in_dim3A_35 = vector.broadcast %broadcast_in_dim3A : f32 to vector<16xf32>
      %swap3A = arith.index_cast %scan3A_33 : i32 to index
      %swap3A_36 = arith.constant 0 : index
      %swap3A_37 = tpu.vector_load %arg5[%swap3A, %swap3A_36] {strides = array<i32>} : memref<128x16xf32, #tpu.memory_space<vmem>>, vector<1x16xf32>,
      %swap3A_38 = vector.shape_cast %swap3A_37 : vector<1x16xf32> to vector<16xf32>
      %swap3A_39 = vector.shape_cast %broadcast_in_dim3A_35 : vector<16xf32> to vector<1x16xf32>
      tpu.vector_store %arg5[%swap3A, %swap3A_36], %swap3A_39 {strides = array<i32>} : memref<128x16xf32, #tpu.memory_space<vmem>>, vector<1x16xf32>,
      %scan3A_40 = arith.constant 0 : i32
      scf.yield %scan3A_40 : i32
    }
    %scan3A_6 = arith.constant 128 : i32
    %scan3A_7 = arith.constant 0 : i32
    %scan3A_8 = arith.constant 0 : i32
    %scan3A_9 = arith.constant 81 : i32
    %scan3A_10 = arith.addi %scan3A_8, %scan3A_9 : i32
    %scan3A_11 = arith.constant 1 : i32
    %scan3A_12 = scf.for %scan3A_33 = %scan3A_8 to %scan3A_10 step %scan3A_11 iter_args(%scan3A_34 = %scan3A_7) -> (i32)  : i32 {
      %broadcast_in_dim3A = arith.constant 0.000000e+00 : f32
      %broadcast_in_dim3A_35 = vector.broadcast %broadcast_in_dim3A : f32 to vector<16xf32>
      %swap3A = arith.index_cast %scan3A_33 : i32 to index
      %swap3A_36 = arith.constant 0 : index
      %swap3A_37 = tpu.vector_load %arg6[%swap3A, %swap3A_36] {strides = array<i32>} : memref<81x16xf32, #tpu.memory_space<vmem>>, vector<1x16xf32>,
      %swap3A_38 = vector.shape_cast %swap3A_37 : vector<1x16xf32> to vector<16xf32>
      %swap3A_39 = vector.shape_cast %broadcast_in_dim3A_35 : vector<16xf32> to vector<1x16xf32>
      tpu.vector_store %arg6[%swap3A, %swap3A_36], %swap3A_39 {strides = array<i32>} : memref<81x16xf32, #tpu.memory_space<vmem>>, vector<1x16xf32>,
      %scan3A_40 = arith.constant 0 : i32
      scf.yield %scan3A_40 : i32
    }
    %scan3A_13 = arith.constant 81 : i32
    %scan3A_14 = arith.constant 0 : i32
    %scan3A_15 = arith.constant 0 : i32
    %scan3A_16 = arith.constant 8 : i32
    %scan3A_17 = arith.addi %scan3A_15, %scan3A_16 : i32
    %scan3A_18 = arith.constant 1 : i32
    %scan3A_19 = scf.for %scan3A_33 = %scan3A_15 to %scan3A_17 step %scan3A_18 iter_args(%scan3A_34 = %scan3A_14) -> (i32)  : i32 {
      %mul3A_35 = arith.constant 648 : i32
      %mul3A_36 = arith.muli %arg1, %mul3A_35 : i32
      %mul3A_37 = arith.constant 81 : i32
      %mul3A_38 = arith.muli %scan3A_33, %mul3A_37 : i32
      %add3A_39 = arith.addi %mul3A_36, %mul3A_38 : i32
      "tpu.region"() ({
        %run_scoped3A = tpu.sem_alloc : memref<!tpu.dma_semaphore, #tpu.memory_space<semaphore_mem>>
        %dma_start3A = arith.constant 0 : i32
        %dma_start3A_41 = tpu.memref_slice %arg7[%add3A_39, %dma_start3A] : memref<10368x16xf32, #tpu.memory_space<vmem_shared>> -> memref<81x16xf32, #tpu.memory_space<vmem_shared>>
        %dma_start3A_42 = arith.constant 0 : i32
        %dma_start3A_43 = tpu.memref_slice %arg7[%add3A_39, %dma_start3A_42] : memref<10368x16xf32, #tpu.memory_space<vmem_shared>> -> memref<81x16xf32, #tpu.memory_space<vmem_shared>>
        tpu.enqueue_dma source(%arg6 : memref<81x16xf32, #tpu.memory_space<vmem>>) target(%dma_start3A_43 : memref<81x16xf32, #tpu.memory_space<vmem_shared>>) target_semaphore(%run_scoped3A : memref<!tpu.dma_semaphore, #tpu.memory_space<semaphore_mem>>)
        %dma_wait3A = arith.constant 0 : i32
        %dma_wait3A_44 = tpu.memref_slice %arg7[%add3A_39, %dma_wait3A] : memref<10368x16xf32, #tpu.memory_space<vmem_shared>> -> memref<81x16xf32, #tpu.memory_space<vmem_shared>>
        %dma_wait3A_45 = arith.constant 0 : i32
        %dma_wait3A_46 = tpu.memref_slice %arg7[%add3A_39, %dma_wait3A_45] : memref<10368x16xf32, #tpu.memory_space<vmem_shared>> -> memref<81x16xf32, #tpu.memory_space<vmem_shared>>
        tpu.wait_dma2 semaphore(%run_scoped3A : memref<!tpu.dma_semaphore, #tpu.memory_space<semaphore_mem>>) src(%arg6 : memref<81x16xf32, #tpu.memory_space<vmem>>) dst(%dma_wait3A_46 : memref<81x16xf32, #tpu.memory_space<vmem_shared>>)
        tpu.yield
      }) : () -> ()
      %scan3A_40 = arith.constant 0 : i32
      scf.yield %scan3A_40 : i32
    }
    %scan3A_20 = arith.constant 8 : i32
    %barrier3A = arith.constant 0 : index
    tpu.barrier barrier_id(%barrier3A)
    "tpu.region"() ({
      %run_scoped3A = tpu.sem_alloc : memref<!tpu.dma_semaphore, #tpu.memory_space<semaphore_mem>>
      %dma_start3A = arith.constant 0 : i32
      %dma_start3A_33 = arith.constant 0 : i32
      %dma_start3A_34 = tpu.memref_slice %arg2[%add3A, %dma_start3A, %dma_start3A_33] : memref<32x79x128xi32, #tpu.memory_space<hbm>> -> memref<1x79x128xi32, #tpu.memory_space<hbm>>
      %dma_start3A_35 = tpu.memref_squeeze %dma_start3A_34 : memref<1x79x128xi32, #tpu.memory_space<hbm>> -> memref<79x128xi32, #tpu.memory_space<hbm>>
      %dma_start3A_36 = arith.constant 0 : i32
      %dma_start3A_37 = arith.constant 0 : i32
      %dma_start3A_38 = tpu.memref_slice %arg2[%add3A, %dma_start3A_36, %dma_start3A_37] : memref<32x79x128xi32, #tpu.memory_space<hbm>> -> memref<1x79x128xi32, #tpu.memory_space<hbm>>
      %dma_start3A_39 = tpu.memref_squeeze %dma_start3A_38 : memref<1x79x128xi32, #tpu.memory_space<hbm>> -> memref<79x128xi32, #tpu.memory_space<hbm>>
      tpu.enqueue_dma source(%dma_start3A_39 : memref<79x128xi32, #tpu.memory_space<hbm>>) target(%arg4 : memref<79x128xi32, #tpu.memory_space<vmem>>) target_semaphore(%run_scoped3A : memref<!tpu.dma_semaphore, #tpu.memory_space<semaphore_mem>>)
      %dma_wait3A = arith.constant 0 : i32
      %dma_wait3A_40 = arith.constant 0 : i32
      %dma_wait3A_41 = tpu.memref_slice %arg2[%add3A, %dma_wait3A, %dma_wait3A_40] : memref<32x79x128xi32, #tpu.memory_space<hbm>> -> memref<1x79x128xi32, #tpu.memory_space<hbm>>
      %dma_wait3A_42 = tpu.memref_squeeze %dma_wait3A_41 : memref<1x79x128xi32, #tpu.memory_space<hbm>> -> memref<79x128xi32, #tpu.memory_space<hbm>>
      %dma_wait3A_43 = arith.constant 0 : i32
      %dma_wait3A_44 = arith.constant 0 : i32
      %dma_wait3A_45 = tpu.memref_slice %arg2[%add3A, %dma_wait3A_43, %dma_wait3A_44] : memref<32x79x128xi32, #tpu.memory_space<hbm>> -> memref<1x79x128xi32, #tpu.memory_space<hbm>>
      %dma_wait3A_46 = tpu.memref_squeeze %dma_wait3A_45 : memref<1x79x128xi32, #tpu.memory_space<hbm>> -> memref<79x128xi32, #tpu.memory_space<hbm>>
      tpu.wait_dma2 semaphore(%run_scoped3A : memref<!tpu.dma_semaphore, #tpu.memory_space<semaphore_mem>>) src(%dma_wait3A_46 : memref<79x128xi32, #tpu.memory_space<hbm>>) dst(%arg4 : memref<79x128xi32, #tpu.memory_space<vmem>>)
      tpu.yield
    }) : () -> ()
    %scan3A_21 = arith.constant 0 : i32
    %scan3A_22 = arith.constant 0 : i32
    %scan3A_23 = arith.constant 79 : i32
    %scan3A_24 = arith.addi %scan3A_22, %scan3A_23 : i32
    %scan3A_25 = arith.constant 1 : i32
    %scan3A_26 = scf.for %scan3A_33 = %scan3A_22 to %scan3A_24 step %scan3A_25 iter_args(%scan3A_34 = %scan3A_21) -> (i32)  : i32 {
      "tpu.region"() ({
        %run_scoped3A = tpu.sem_alloc : memref<!tpu.dma_semaphore, #tpu.memory_space<semaphore_mem>>
        %dma_start3A = arith.constant 0 : i32
        %dma_start3A_36 = tpu.memref_slice %arg4[%scan3A_33, %dma_start3A] : memref<79x128xi32, #tpu.memory_space<vmem>> -> memref<1x128xi32, #tpu.memory_space<vmem>>
        %dma_start3A_37 = tpu.memref_squeeze %dma_start3A_36 : memref<1x128xi32, #tpu.memory_space<vmem>> -> memref<128xi32, #tpu.memory_space<vmem>>
        %dma_start3A_38 = arith.constant 0 : i32
        %dma_start3A_39 = arith.constant 0 : i32
        %dma_start3A_40 = tpu.memref_slice %arg7[%dma_start3A_38, %dma_start3A_39] : memref<10368x16xf32, #tpu.memory_space<vmem_shared>> -> memref<10368x16xf32, #tpu.memory_space<vmem_shared>>
        tpu.enqueue_indirect_dma source(%arg5 : memref<128x16xf32, #tpu.memory_space<vmem>>) target(%dma_start3A_40 : memref<10368x16xf32, #tpu.memory_space<vmem_shared>>) offsets(%dma_start3A_37 : memref<128xi32, #tpu.memory_space<vmem>>) semaphore(%run_scoped3A : memref<!tpu.dma_semaphore, #tpu.memory_space<semaphore_mem>>) {add = true}
        %dma_wait3A = arith.constant 0 : i32
        %dma_wait3A_41 = tpu.memref_slice %arg4[%scan3A_33, %dma_wait3A] : memref<79x128xi32, #tpu.memory_space<vmem>> -> memref<1x128xi32, #tpu.memory_space<vmem>>
        %dma_wait3A_42 = tpu.memref_squeeze %dma_wait3A_41 : memref<1x128xi32, #tpu.memory_space<vmem>> -> memref<128xi32, #tpu.memory_space<vmem>>
        %dma_wait3A_43 = arith.constant 0 : i32
        %dma_wait3A_44 = arith.constant 0 : i32
        %dma_wait3A_45 = tpu.memref_slice %arg7[%dma_wait3A_43, %dma_wait3A_44] : memref<10368x16xf32, #tpu.memory_space<vmem_shared>> -> memref<10368x16xf32, #tpu.memory_space<vmem_shared>>
        tpu.wait_indirect_dma semaphore(%run_scoped3A : memref<!tpu.dma_semaphore, #tpu.memory_space<semaphore_mem>>) src(%arg5 : memref<128x16xf32, #tpu.memory_space<vmem>>) dst(%dma_wait3A_45 : memref<10368x16xf32, #tpu.memory_space<vmem_shared>>)
        tpu.yield
      }) : () -> ()
      %scan3A_35 = arith.constant 0 : i32
      scf.yield %scan3A_35 : i32
    }
    %scan3A_27 = arith.constant 79 : i32
    %barrier3A_28 = arith.constant 0 : index
    tpu.barrier barrier_id(%barrier3A_28)
    %mul3A_29 = arith.constant 640 : i32
    %mul3A_30 = arith.muli %arg1, %mul3A_29 : i32
    %mul3A_31 = arith.constant 640 : i32
    %mul3A_32 = arith.muli %arg1, %mul3A_31 : i32
    "tpu.region"() ({
      %run_scoped3A = tpu.sem_alloc : memref<!tpu.dma_semaphore, #tpu.memory_space<semaphore_mem>>
      %dma_start3A = arith.constant 0 : i32
      %dma_start3A_33 = tpu.memref_slice %arg3[%arg0, %mul3A_32, %dma_start3A] : memref<2x10240x16xf32, #tpu.memory_space<hbm>> -> memref<1x640x16xf32, #tpu.memory_space<hbm>>
      %dma_start3A_34 = tpu.memref_squeeze %dma_start3A_33 : memref<1x640x16xf32, #tpu.memory_space<hbm>> -> memref<640x16xf32, #tpu.memory_space<hbm>>
      %dma_start3A_35 = arith.constant 0 : i32
      %dma_start3A_36 = tpu.memref_slice %arg7[%mul3A_30, %dma_start3A_35] : memref<10368x16xf32, #tpu.memory_space<vmem_shared>> -> memref<640x16xf32, #tpu.memory_space<vmem_shared>>
      tpu.enqueue_dma source(%dma_start3A_36 : memref<640x16xf32, #tpu.memory_space<vmem_shared>>) target(%dma_start3A_34 : memref<640x16xf32, #tpu.memory_space<hbm>>) target_semaphore(%run_scoped3A : memref<!tpu.dma_semaphore, #tpu.memory_space<semaphore_mem>>)
      %dma_wait3A = arith.constant 0 : i32
      %dma_wait3A_37 = tpu.memref_slice %arg3[%arg0, %mul3A_32, %dma_wait3A] : memref<2x10240x16xf32, #tpu.memory_space<hbm>> -> memref<1x640x16xf32, #tpu.memory_space<hbm>>
      %dma_wait3A_38 = tpu.memref_squeeze %dma_wait3A_37 : memref<1x640x16xf32, #tpu.memory_space<hbm>> -> memref<640x16xf32, #tpu.memory_space<hbm>>
      %dma_wait3A_39 = arith.constant 0 : i32
      %dma_wait3A_40 = tpu.memref_slice %arg7[%mul3A_30, %dma_wait3A_39] : memref<10368x16xf32, #tpu.memory_space<vmem_shared>> -> memref<640x16xf32, #tpu.memory_space<vmem_shared>>
      tpu.wait_dma2 semaphore(%run_scoped3A : memref<!tpu.dma_semaphore, #tpu.memory_space<semaphore_mem>>) src(%dma_wait3A_40 : memref<640x16xf32, #tpu.memory_space<vmem_shared>>) dst(%dma_wait3A_38 : memref<640x16xf32, #tpu.memory_space<hbm>>)
      tpu.yield
    }) : () -> ()
    return
  }
}

#map = affine_map<(d0, d1) -> (0, 0)>
#map1 = affine_map<(d0, d1) -> (0)>
#map2 = affine_map<(d0, d1) -> (0, 0, 0)>
module attributes {stable_mosaic.version = 14 : i64} {
  func.func @agg_kernel(%arg0: i32, %arg1: i32, %arg2: memref<10240x128xf32, #tpu.memory_space<hbm>>, %arg3: memref<321536xi32, #tpu.memory_space<hbm>>, %arg4: memref<2x10240x128xf32, #tpu.memory_space<hbm>>, %arg5: memref<12288xi32, #tpu.memory_space<vmem>>, %arg6: memref<1x128xi32, #tpu.memory_space<vmem>>, %arg7: memref<1x128xi32, #tpu.memory_space<vmem>>, %arg8: memref<128x128xf32, #tpu.memory_space<vmem>>, %arg9: memref<24x128xf32, #tpu.memory_space<vmem>>, %arg10: memref<10368x128xf32, #tpu.memory_space<vmem_shared>>, %arg11: memref<!tpu.dma_semaphore, #tpu.memory_space<semaphore_mem>>, %arg12: memref<!tpu.dma_semaphore, #tpu.memory_space<semaphore_mem>>) attributes {dimension_semantics = [#tpu.dimension_semantics<core_parallel>, #tpu.dimension_semantics<subcore_parallel>], iteration_bounds = array<i64: 2, 16>, scalar_prefetch = 0 : i64, scratch_operands = 8 : i64, tpu.core_type = #tpu.core_type<sc_vector_subcore>, window_params = [{transform_indices = #map}, {transform_indices = #map1}, {transform_indices = #map2}]} {
    %scan3A = arith.constant 0 : i32
    %scan3A_0 = arith.constant 0 : i32
    %scan3A_1 = arith.constant 192 : i32
    %scan3A_2 = arith.addi %scan3A_0, %scan3A_1 : i32
    %scan3A_3 = arith.constant 1 : i32
    %scan3A_4 = scf.for %scan3A_38 = %scan3A_0 to %scan3A_2 step %scan3A_3 iter_args(%scan3A_39 = %scan3A) -> (i32)  : i32 {
      %jit3A_40 = arith.constant 8 : i32
      %div3A = arith.divsi %scan3A_38, %jit3A_40 : i32
      %sign3A = arith.constant 0 : i32
      %sign3A_41 = arith.cmpi sgt, %scan3A_38, %sign3A : i32
      %sign3A_42 = arith.extui %sign3A_41 : i1 to i32
      %sign3A_43 = arith.constant 0 : i32
      %sign3A_44 = arith.cmpi slt, %scan3A_38, %sign3A_43 : i32
      %sign3A_45 = arith.extui %sign3A_44 : i1 to i32
      %sign3A_46 = arith.subi %sign3A_42, %sign3A_45 : i32
      %sign3A_47 = arith.constant 0 : i32
      %sign3A_48 = arith.cmpi sgt, %jit3A_40, %sign3A_47 : i32
      %sign3A_49 = arith.extui %sign3A_48 : i1 to i32
      %sign3A_50 = arith.constant 0 : i32
      %sign3A_51 = arith.cmpi slt, %jit3A_40, %sign3A_50 : i32
      %sign3A_52 = arith.extui %sign3A_51 : i1 to i32
      %sign3A_53 = arith.subi %sign3A_49, %sign3A_52 : i32
      %ne3A = arith.cmpi ne, %sign3A_46, %sign3A_53 : i32
      %rem3A = arith.remsi %scan3A_38, %jit3A_40 : i32
      %ne3A_54 = arith.constant 0 : i32
      %ne3A_55 = arith.cmpi ne, %rem3A, %ne3A_54 : i32
      %and3A = arith.andi %ne3A, %ne3A_55 : i1
      %sub3A = arith.constant 1 : i32
      %sub3A_56 = arith.subi %div3A, %sub3A : i32
      %select_n3A_57 = arith.select %and3A, %sub3A_56, %div3A : i32
      %jit3A_58 = arith.constant 8 : i32
      %eq3A_59 = arith.constant 0 : i32
      %eq3A_60 = arith.cmpi eq, %jit3A_58, %eq3A_59 : i32
      %jit3A_61 = arith.constant 1 : i32
      %select_n3A_62 = arith.select %eq3A_60, %jit3A_61, %jit3A_58 : i32
      %rem3A_63 = arith.remsi %scan3A_38, %select_n3A_62 : i32
      %ne3A_64 = arith.constant 0 : i32
      %ne3A_65 = arith.cmpi ne, %rem3A_63, %ne3A_64 : i32
      %lt3A = arith.constant 0 : i32
      %lt3A_66 = arith.cmpi slt, %rem3A_63, %lt3A : i32
      %lt3A_67 = arith.constant 0 : i32
      %lt3A_68 = arith.cmpi slt, %select_n3A_62, %lt3A_67 : i32
      %ne3A_69 = arith.xori %lt3A_66, %lt3A_68 : i1
      %and3A_70 = arith.andi %ne3A_69, %ne3A_65 : i1
      %add3A = arith.addi %rem3A_63, %select_n3A_62 : i32
      %select_n3A_71 = arith.select %and3A_70, %add3A, %rem3A_63 : i32
      %broadcast_in_dim3A = arith.constant 0.000000e+00 : f32
      %broadcast_in_dim3A_72 = vector.broadcast %broadcast_in_dim3A : f32 to vector<16xf32>
      %mul3A_73 = arith.constant 16 : i32
      %mul3A_74 = arith.muli %select_n3A_71, %mul3A_73 : i32
      %swap3A = arith.index_cast %select_n3A_57 : i32 to index
      %swap3A_75 = arith.index_cast %mul3A_74 : i32 to index
      %swap3A_76 = tpu.vector_load %arg9[%swap3A, %swap3A_75] {strides = array<i32>} : memref<24x128xf32, #tpu.memory_space<vmem>>, vector<1x16xf32>,
      %swap3A_77 = vector.shape_cast %swap3A_76 : vector<1x16xf32> to vector<16xf32>
      %swap3A_78 = vector.shape_cast %broadcast_in_dim3A_72 : vector<16xf32> to vector<1x16xf32>
      tpu.vector_store %arg9[%swap3A, %swap3A_75], %swap3A_78 {strides = array<i32>} : memref<24x128xf32, #tpu.memory_space<vmem>>, vector<1x16xf32>,
      %scan3A_79 = arith.constant 0 : i32
      scf.yield %scan3A_79 : i32
    }
    %scan3A_5 = arith.constant 192 : i32
    %scan3A_6 = arith.constant 0 : i32
    %scan3A_7 = arith.constant 0 : i32
    %scan3A_8 = arith.constant 27 : i32
    %scan3A_9 = arith.addi %scan3A_7, %scan3A_8 : i32
    %scan3A_10 = arith.constant 1 : i32
    %scan3A_11 = scf.for %scan3A_38 = %scan3A_7 to %scan3A_9 step %scan3A_10 iter_args(%scan3A_39 = %scan3A_6) -> (i32)  : i32 {
      %mul3A_40 = arith.constant 648 : i32
      %mul3A_41 = arith.muli %arg1, %mul3A_40 : i32
      %mul3A_42 = arith.constant 24 : i32
      %mul3A_43 = arith.muli %scan3A_38, %mul3A_42 : i32
      %add3A = arith.addi %mul3A_41, %mul3A_43 : i32
      "tpu.region"() ({
        %run_scoped3A = tpu.sem_alloc : memref<!tpu.dma_semaphore, #tpu.memory_space<semaphore_mem>>
        %dma_start3A = arith.constant 0 : i32
        %dma_start3A_45 = tpu.memref_slice %arg10[%add3A, %dma_start3A] : memref<10368x128xf32, #tpu.memory_space<vmem_shared>> -> memref<24x128xf32, #tpu.memory_space<vmem_shared>>
        %dma_start3A_46 = arith.constant 0 : i32
        %dma_start3A_47 = tpu.memref_slice %arg10[%add3A, %dma_start3A_46] : memref<10368x128xf32, #tpu.memory_space<vmem_shared>> -> memref<24x128xf32, #tpu.memory_space<vmem_shared>>
        tpu.enqueue_dma source(%arg9 : memref<24x128xf32, #tpu.memory_space<vmem>>) target(%dma_start3A_47 : memref<24x128xf32, #tpu.memory_space<vmem_shared>>) target_semaphore(%run_scoped3A : memref<!tpu.dma_semaphore, #tpu.memory_space<semaphore_mem>>)
        %dma_wait3A = arith.constant 0 : i32
        %dma_wait3A_48 = tpu.memref_slice %arg10[%add3A, %dma_wait3A] : memref<10368x128xf32, #tpu.memory_space<vmem_shared>> -> memref<24x128xf32, #tpu.memory_space<vmem_shared>>
        %dma_wait3A_49 = arith.constant 0 : i32
        %dma_wait3A_50 = tpu.memref_slice %arg10[%add3A, %dma_wait3A_49] : memref<10368x128xf32, #tpu.memory_space<vmem_shared>> -> memref<24x128xf32, #tpu.memory_space<vmem_shared>>
        tpu.wait_dma2 semaphore(%run_scoped3A : memref<!tpu.dma_semaphore, #tpu.memory_space<semaphore_mem>>) src(%arg9 : memref<24x128xf32, #tpu.memory_space<vmem>>) dst(%dma_wait3A_50 : memref<24x128xf32, #tpu.memory_space<vmem_shared>>)
        tpu.yield
      }) : () -> ()
      %scan3A_44 = arith.constant 0 : i32
      scf.yield %scan3A_44 : i32
    }
    %scan3A_12 = arith.constant 27 : i32
    %eq3A = arith.constant 0 : i32
    %eq3A_13 = arith.cmpi eq, %arg0, %eq3A : i32
    %jit3A = arith.constant 96 : i32
    %jit3A_14 = arith.constant 61 : i32
    %select_n3A = arith.select %eq3A_13, %jit3A, %jit3A_14 : i32
    %eq3A_15 = arith.constant 0 : i32
    %eq3A_16 = arith.cmpi eq, %arg0, %eq3A_15 : i32
    %convert_element_type3A = arith.extui %eq3A_16 : i1 to i32
    %cond3A = arith.constant 0 : i32
    %cond3A_17 = arith.cmpi ne, %convert_element_type3A, %cond3A : i32
    scf.if %cond3A_17 {
      %mul3A_38 = arith.constant 96 : i32
      %mul3A_39 = arith.muli %arg1, %mul3A_38 : i32
      %mul3A_40 = arith.constant 128 : i32
      %mul3A_41 = arith.muli %mul3A_39, %mul3A_40 : i32
      "tpu.region"() ({
        %run_scoped3A = tpu.sem_alloc : memref<!tpu.dma_semaphore, #tpu.memory_space<semaphore_mem>>
        %dma_start3A = tpu.memref_slice %arg3[%mul3A_41] : memref<321536xi32, #tpu.memory_space<hbm>> -> memref<12288xi32, #tpu.memory_space<hbm>>
        %dma_start3A_42 = tpu.memref_slice %arg3[%mul3A_41] : memref<321536xi32, #tpu.memory_space<hbm>> -> memref<12288xi32, #tpu.memory_space<hbm>>
        tpu.enqueue_dma source(%dma_start3A_42 : memref<12288xi32, #tpu.memory_space<hbm>>) target(%arg5 : memref<12288xi32, #tpu.memory_space<vmem>>) target_semaphore(%run_scoped3A : memref<!tpu.dma_semaphore, #tpu.memory_space<semaphore_mem>>)
        %dma_wait3A = tpu.memref_slice %arg3[%mul3A_41] : memref<321536xi32, #tpu.memory_space<hbm>> -> memref<12288xi32, #tpu.memory_space<hbm>>
        %dma_wait3A_43 = tpu.memref_slice %arg3[%mul3A_41] : memref<321536xi32, #tpu.memory_space<hbm>> -> memref<12288xi32, #tpu.memory_space<hbm>>
        tpu.wait_dma2 semaphore(%run_scoped3A : memref<!tpu.dma_semaphore, #tpu.memory_space<semaphore_mem>>) src(%dma_wait3A_43 : memref<12288xi32, #tpu.memory_space<hbm>>) dst(%arg5 : memref<12288xi32, #tpu.memory_space<vmem>>)
        tpu.yield
      }) : () -> ()
    } else {
    }
    %eq3A_18 = arith.constant 1 : i32
    %eq3A_19 = arith.cmpi eq, %arg0, %eq3A_18 : i32
    %convert_element_type3A_20 = arith.extui %eq3A_19 : i1 to i32
    %cond3A_21 = arith.constant 0 : i32
    %cond3A_22 = arith.cmpi ne, %convert_element_type3A_20, %cond3A_21 : i32
    scf.if %cond3A_22 {
      %mul3A_38 = arith.constant 61 : i32
      %mul3A_39 = arith.muli %arg1, %mul3A_38 : i32
      %add3A = arith.constant 1536 : i32
      %add3A_40 = arith.addi %add3A, %mul3A_39 : i32
      %mul3A_41 = arith.constant 128 : i32
      %mul3A_42 = arith.muli %add3A_40, %mul3A_41 : i32
      "tpu.region"() ({
        %run_scoped3A = tpu.sem_alloc : memref<!tpu.dma_semaphore, #tpu.memory_space<semaphore_mem>>
        %dma_start3A = arith.constant 0 : i32
        %dma_start3A_43 = tpu.memref_slice %arg5[%dma_start3A] : memref<12288xi32, #tpu.memory_space<vmem>> -> memref<7808xi32, #tpu.memory_space<vmem>>
        %dma_start3A_44 = tpu.memref_slice %arg3[%mul3A_42] : memref<321536xi32, #tpu.memory_space<hbm>> -> memref<7808xi32, #tpu.memory_space<hbm>>
        %dma_start3A_45 = arith.constant 0 : i32
        %dma_start3A_46 = tpu.memref_slice %arg5[%dma_start3A_45] : memref<12288xi32, #tpu.memory_space<vmem>> -> memref<7808xi32, #tpu.memory_space<vmem>>
        %dma_start3A_47 = tpu.memref_slice %arg3[%mul3A_42] : memref<321536xi32, #tpu.memory_space<hbm>> -> memref<7808xi32, #tpu.memory_space<hbm>>
        tpu.enqueue_dma source(%dma_start3A_47 : memref<7808xi32, #tpu.memory_space<hbm>>) target(%dma_start3A_46 : memref<7808xi32, #tpu.memory_space<vmem>>) target_semaphore(%run_scoped3A : memref<!tpu.dma_semaphore, #tpu.memory_space<semaphore_mem>>)
        %dma_wait3A = arith.constant 0 : i32
        %dma_wait3A_48 = tpu.memref_slice %arg5[%dma_wait3A] : memref<12288xi32, #tpu.memory_space<vmem>> -> memref<7808xi32, #tpu.memory_space<vmem>>
        %dma_wait3A_49 = tpu.memref_slice %arg3[%mul3A_42] : memref<321536xi32, #tpu.memory_space<hbm>> -> memref<7808xi32, #tpu.memory_space<hbm>>
        %dma_wait3A_50 = arith.constant 0 : i32
        %dma_wait3A_51 = tpu.memref_slice %arg5[%dma_wait3A_50] : memref<12288xi32, #tpu.memory_space<vmem>> -> memref<7808xi32, #tpu.memory_space<vmem>>
        %dma_wait3A_52 = tpu.memref_slice %arg3[%mul3A_42] : memref<321536xi32, #tpu.memory_space<hbm>> -> memref<7808xi32, #tpu.memory_space<hbm>>
        tpu.wait_dma2 semaphore(%run_scoped3A : memref<!tpu.dma_semaphore, #tpu.memory_space<semaphore_mem>>) src(%dma_wait3A_52 : memref<7808xi32, #tpu.memory_space<hbm>>) dst(%dma_wait3A_51 : memref<7808xi32, #tpu.memory_space<vmem>>)
        tpu.yield
      }) : () -> ()
    } else {
    }
    %barrier3A = arith.constant 0 : index
    tpu.barrier barrier_id(%barrier3A)
    %while3A = arith.constant 0 : i32
    %while3A_23 = arith.constant 0 : i32
    %while3A_24 = arith.subi %select_n3A, %while3A : i32
    %while3A_25 = arith.addi %while3A, %while3A_24 : i32
    %while3A_26 = arith.constant 1 : i32
    %while3A_27 = arith.divsi %while3A_24, %while3A_26 : i32
    %while3A_28 = arith.muli %while3A_27, %while3A_26 : i32
    %while3A_29 = arith.addi %while3A, %while3A_28 : i32
    %while3A_30 = arith.constant 1 : i32
    %while3A_31 = scf.for %while3A_38 = %while3A to %while3A_29 step %while3A_30 iter_args(%while3A_39 = %while3A_23) -> (i32)  : i32 {
      %mul3A_40 = arith.constant 128 : i32
      %mul3A_41 = arith.muli %while3A_38, %mul3A_40 : i32
      %multiple_of3A = tpu.assume_multiple %mul3A_41, 128 : i32
      %add3A = arith.constant 0 : i32
      %add3A_42 = arith.addi %multiple_of3A, %add3A : i32
      %get3A = arith.index_cast %add3A_42 : i32 to index
      %get3A_43 = tpu.vector_load %arg5[%get3A] {strides = array<i32>} : memref<12288xi32, #tpu.memory_space<vmem>>, vector<16xi32>,
      %get3A_44 = vector.shape_cast %get3A_43 : vector<16xi32> to vector<16xi32>
      %shift_right_arithmetic3A = arith.constant 14 : i32
      %shift_right_arithmetic3A_45 = vector.broadcast %shift_right_arithmetic3A : i32 to vector<16xi32>
      %shift_right_arithmetic3A_46 = arith.shrsi %get3A_44, %shift_right_arithmetic3A_45 : vector<16xi32>
      %swap3A = arith.constant 0 : i32
      %swap3A_47 = arith.index_cast %swap3A : i32 to index
      %swap3A_48 = arith.constant 0 : index
      %swap3A_49 = tpu.vector_load %arg6[%swap3A_47, %swap3A_48] {strides = array<i32>} : memref<1x128xi32, #tpu.memory_space<vmem>>, vector<1x16xi32>,
      %swap3A_50 = vector.shape_cast %swap3A_49 : vector<1x16xi32> to vector<16xi32>
      %swap3A_51 = vector.shape_cast %shift_right_arithmetic3A_46 : vector<16xi32> to vector<1x16xi32>
      tpu.vector_store %arg6[%swap3A_47, %swap3A_48], %swap3A_51 {strides = array<i32>} : memref<1x128xi32, #tpu.memory_space<vmem>>, vector<1x16xi32>,
      %and3A = arith.constant 16383 : i32
      %and3A_52 = vector.broadcast %and3A : i32 to vector<16xi32>
      %and3A_53 = arith.andi %get3A_44, %and3A_52 : vector<16xi32>
      %swap3A_54 = arith.constant 0 : i32
      %swap3A_55 = arith.index_cast %swap3A_54 : i32 to index
      %swap3A_56 = arith.constant 0 : index
      %swap3A_57 = tpu.vector_load %arg7[%swap3A_55, %swap3A_56] {strides = array<i32>} : memref<1x128xi32, #tpu.memory_space<vmem>>, vector<1x16xi32>,
      %swap3A_58 = vector.shape_cast %swap3A_57 : vector<1x16xi32> to vector<16xi32>
      %swap3A_59 = vector.shape_cast %and3A_53 : vector<16xi32> to vector<1x16xi32>
      tpu.vector_store %arg7[%swap3A_55, %swap3A_56], %swap3A_59 {strides = array<i32>} : memref<1x128xi32, #tpu.memory_space<vmem>>, vector<1x16xi32>,
      %add3A_60 = arith.constant 16 : i32
      %add3A_61 = arith.addi %multiple_of3A, %add3A_60 : i32
      %get3A_62 = arith.index_cast %add3A_61 : i32 to index
      %get3A_63 = tpu.vector_load %arg5[%get3A_62] {strides = array<i32>} : memref<12288xi32, #tpu.memory_space<vmem>>, vector<16xi32>,
      %get3A_64 = vector.shape_cast %get3A_63 : vector<16xi32> to vector<16xi32>
      %shift_right_arithmetic3A_65 = arith.constant 14 : i32
      %shift_right_arithmetic3A_66 = vector.broadcast %shift_right_arithmetic3A_65 : i32 to vector<16xi32>
      %shift_right_arithmetic3A_67 = arith.shrsi %get3A_64, %shift_right_arithmetic3A_66 : vector<16xi32>
      %swap3A_68 = arith.constant 0 : i32
      %swap3A_69 = arith.index_cast %swap3A_68 : i32 to index
      %swap3A_70 = arith.constant 16 : index
      %swap3A_71 = tpu.vector_load %arg6[%swap3A_69, %swap3A_70] {strides = array<i32>} : memref<1x128xi32, #tpu.memory_space<vmem>>, vector<1x16xi32>,
      %swap3A_72 = vector.shape_cast %swap3A_71 : vector<1x16xi32> to vector<16xi32>
      %swap3A_73 = vector.shape_cast %shift_right_arithmetic3A_67 : vector<16xi32> to vector<1x16xi32>
      tpu.vector_store %arg6[%swap3A_69, %swap3A_70], %swap3A_73 {strides = array<i32>} : memref<1x128xi32, #tpu.memory_space<vmem>>, vector<1x16xi32>,
      %and3A_74 = arith.constant 16383 : i32
      %and3A_75 = vector.broadcast %and3A_74 : i32 to vector<16xi32>
      %and3A_76 = arith.andi %get3A_64, %and3A_75 : vector<16xi32>
      %swap3A_77 = arith.constant 0 : i32
      %swap3A_78 = arith.index_cast %swap3A_77 : i32 to index
      %swap3A_79 = arith.constant 16 : index
      %swap3A_80 = tpu.vector_load %arg7[%swap3A_78, %swap3A_79] {strides = array<i32>} : memref<1x128xi32, #tpu.memory_space<vmem>>, vector<1x16xi32>,
      %swap3A_81 = vector.shape_cast %swap3A_80 : vector<1x16xi32> to vector<16xi32>
      %swap3A_82 = vector.shape_cast %and3A_76 : vector<16xi32> to vector<1x16xi32>
      tpu.vector_store %arg7[%swap3A_78, %swap3A_79], %swap3A_82 {strides = array<i32>} : memref<1x128xi32, #tpu.memory_space<vmem>>, vector<1x16xi32>,
      %add3A_83 = arith.constant 32 : i32
      %add3A_84 = arith.addi %multiple_of3A, %add3A_83 : i32
      %get3A_85 = arith.index_cast %add3A_84 : i32 to index
      %get3A_86 = tpu.vector_load %arg5[%get3A_85] {strides = array<i32>} : memref<12288xi32, #tpu.memory_space<vmem>>, vector<16xi32>,
      %get3A_87 = vector.shape_cast %get3A_86 : vector<16xi32> to vector<16xi32>
      %shift_right_arithmetic3A_88 = arith.constant 14 : i32
      %shift_right_arithmetic3A_89 = vector.broadcast %shift_right_arithmetic3A_88 : i32 to vector<16xi32>
      %shift_right_arithmetic3A_90 = arith.shrsi %get3A_87, %shift_right_arithmetic3A_89 : vector<16xi32>
      %swap3A_91 = arith.constant 0 : i32
      %swap3A_92 = arith.index_cast %swap3A_91 : i32 to index
      %swap3A_93 = arith.constant 32 : index
      %swap3A_94 = tpu.vector_load %arg6[%swap3A_92, %swap3A_93] {strides = array<i32>} : memref<1x128xi32, #tpu.memory_space<vmem>>, vector<1x16xi32>,
      %swap3A_95 = vector.shape_cast %swap3A_94 : vector<1x16xi32> to vector<16xi32>
      %swap3A_96 = vector.shape_cast %shift_right_arithmetic3A_90 : vector<16xi32> to vector<1x16xi32>
      tpu.vector_store %arg6[%swap3A_92, %swap3A_93], %swap3A_96 {strides = array<i32>} : memref<1x128xi32, #tpu.memory_space<vmem>>, vector<1x16xi32>,
      %and3A_97 = arith.constant 16383 : i32
      %and3A_98 = vector.broadcast %and3A_97 : i32 to vector<16xi32>
      %and3A_99 = arith.andi %get3A_87, %and3A_98 : vector<16xi32>
      %swap3A_100 = arith.constant 0 : i32
      %swap3A_101 = arith.index_cast %swap3A_100 : i32 to index
      %swap3A_102 = arith.constant 32 : index
      %swap3A_103 = tpu.vector_load %arg7[%swap3A_101, %swap3A_102] {strides = array<i32>} : memref<1x128xi32, #tpu.memory_space<vmem>>, vector<1x16xi32>,
      %swap3A_104 = vector.shape_cast %swap3A_103 : vector<1x16xi32> to vector<16xi32>
      %swap3A_105 = vector.shape_cast %and3A_99 : vector<16xi32> to vector<1x16xi32>
      tpu.vector_store %arg7[%swap3A_101, %swap3A_102], %swap3A_105 {strides = array<i32>} : memref<1x128xi32, #tpu.memory_space<vmem>>, vector<1x16xi32>,
      %add3A_106 = arith.constant 48 : i32
      %add3A_107 = arith.addi %multiple_of3A, %add3A_106 : i32
      %get3A_108 = arith.index_cast %add3A_107 : i32 to index
      %get3A_109 = tpu.vector_load %arg5[%get3A_108] {strides = array<i32>} : memref<12288xi32, #tpu.memory_space<vmem>>, vector<16xi32>,
      %get3A_110 = vector.shape_cast %get3A_109 : vector<16xi32> to vector<16xi32>
      %shift_right_arithmetic3A_111 = arith.constant 14 : i32
      %shift_right_arithmetic3A_112 = vector.broadcast %shift_right_arithmetic3A_111 : i32 to vector<16xi32>
      %shift_right_arithmetic3A_113 = arith.shrsi %get3A_110, %shift_right_arithmetic3A_112 : vector<16xi32>
      %swap3A_114 = arith.constant 0 : i32
      %swap3A_115 = arith.index_cast %swap3A_114 : i32 to index
      %swap3A_116 = arith.constant 48 : index
      %swap3A_117 = tpu.vector_load %arg6[%swap3A_115, %swap3A_116] {strides = array<i32>} : memref<1x128xi32, #tpu.memory_space<vmem>>, vector<1x16xi32>,
      %swap3A_118 = vector.shape_cast %swap3A_117 : vector<1x16xi32> to vector<16xi32>
      %swap3A_119 = vector.shape_cast %shift_right_arithmetic3A_113 : vector<16xi32> to vector<1x16xi32>
      tpu.vector_store %arg6[%swap3A_115, %swap3A_116], %swap3A_119 {strides = array<i32>} : memref<1x128xi32, #tpu.memory_space<vmem>>, vector<1x16xi32>,
      %and3A_120 = arith.constant 16383 : i32
      %and3A_121 = vector.broadcast %and3A_120 : i32 to vector<16xi32>
      %and3A_122 = arith.andi %get3A_110, %and3A_121 : vector<16xi32>
      %swap3A_123 = arith.constant 0 : i32
      %swap3A_124 = arith.index_cast %swap3A_123 : i32 to index
      %swap3A_125 = arith.constant 48 : index
      %swap3A_126 = tpu.vector_load %arg7[%swap3A_124, %swap3A_125] {strides = array<i32>} : memref<1x128xi32, #tpu.memory_space<vmem>>, vector<1x16xi32>,
      %swap3A_127 = vector.shape_cast %swap3A_126 : vector<1x16xi32> to vector<16xi32>
      %swap3A_128 = vector.shape_cast %and3A_122 : vector<16xi32> to vector<1x16xi32>
      tpu.vector_store %arg7[%swap3A_124, %swap3A_125], %swap3A_128 {strides = array<i32>} : memref<1x128xi32, #tpu.memory_space<vmem>>, vector<1x16xi32>,
      %add3A_129 = arith.constant 64 : i32
      %add3A_130 = arith.addi %multiple_of3A, %add3A_129 : i32
      %get3A_131 = arith.index_cast %add3A_130 : i32 to index
      %get3A_132 = tpu.vector_load %arg5[%get3A_131] {strides = array<i32>} : memref<12288xi32, #tpu.memory_space<vmem>>, vector<16xi32>,
      %get3A_133 = vector.shape_cast %get3A_132 : vector<16xi32> to vector<16xi32>
      %shift_right_arithmetic3A_134 = arith.constant 14 : i32
      %shift_right_arithmetic3A_135 = vector.broadcast %shift_right_arithmetic3A_134 : i32 to vector<16xi32>
      %shift_right_arithmetic3A_136 = arith.shrsi %get3A_133, %shift_right_arithmetic3A_135 : vector<16xi32>
      %swap3A_137 = arith.constant 0 : i32
      %swap3A_138 = arith.index_cast %swap3A_137 : i32 to index
      %swap3A_139 = arith.constant 64 : index
      %swap3A_140 = tpu.vector_load %arg6[%swap3A_138, %swap3A_139] {strides = array<i32>} : memref<1x128xi32, #tpu.memory_space<vmem>>, vector<1x16xi32>,
      %swap3A_141 = vector.shape_cast %swap3A_140 : vector<1x16xi32> to vector<16xi32>
      %swap3A_142 = vector.shape_cast %shift_right_arithmetic3A_136 : vector<16xi32> to vector<1x16xi32>
      tpu.vector_store %arg6[%swap3A_138, %swap3A_139], %swap3A_142 {strides = array<i32>} : memref<1x128xi32, #tpu.memory_space<vmem>>, vector<1x16xi32>,
      %and3A_143 = arith.constant 16383 : i32
      %and3A_144 = vector.broadcast %and3A_143 : i32 to vector<16xi32>
      %and3A_145 = arith.andi %get3A_133, %and3A_144 : vector<16xi32>
      %swap3A_146 = arith.constant 0 : i32
      %swap3A_147 = arith.index_cast %swap3A_146 : i32 to index
      %swap3A_148 = arith.constant 64 : index
      %swap3A_149 = tpu.vector_load %arg7[%swap3A_147, %swap3A_148] {strides = array<i32>} : memref<1x128xi32, #tpu.memory_space<vmem>>, vector<1x16xi32>,
      %swap3A_150 = vector.shape_cast %swap3A_149 : vector<1x16xi32> to vector<16xi32>
      %swap3A_151 = vector.shape_cast %and3A_145 : vector<16xi32> to vector<1x16xi32>
      tpu.vector_store %arg7[%swap3A_147, %swap3A_148], %swap3A_151 {strides = array<i32>} : memref<1x128xi32, #tpu.memory_space<vmem>>, vector<1x16xi32>,
      %add3A_152 = arith.constant 80 : i32
      %add3A_153 = arith.addi %multiple_of3A, %add3A_152 : i32
      %get3A_154 = arith.index_cast %add3A_153 : i32 to index
      %get3A_155 = tpu.vector_load %arg5[%get3A_154] {strides = array<i32>} : memref<12288xi32, #tpu.memory_space<vmem>>, vector<16xi32>,
      %get3A_156 = vector.shape_cast %get3A_155 : vector<16xi32> to vector<16xi32>
      %shift_right_arithmetic3A_157 = arith.constant 14 : i32
      %shift_right_arithmetic3A_158 = vector.broadcast %shift_right_arithmetic3A_157 : i32 to vector<16xi32>
      %shift_right_arithmetic3A_159 = arith.shrsi %get3A_156, %shift_right_arithmetic3A_158 : vector<16xi32>
      %swap3A_160 = arith.constant 0 : i32
      %swap3A_161 = arith.index_cast %swap3A_160 : i32 to index
      %swap3A_162 = arith.constant 80 : index
      %swap3A_163 = tpu.vector_load %arg6[%swap3A_161, %swap3A_162] {strides = array<i32>} : memref<1x128xi32, #tpu.memory_space<vmem>>, vector<1x16xi32>,
      %swap3A_164 = vector.shape_cast %swap3A_163 : vector<1x16xi32> to vector<16xi32>
      %swap3A_165 = vector.shape_cast %shift_right_arithmetic3A_159 : vector<16xi32> to vector<1x16xi32>
      tpu.vector_store %arg6[%swap3A_161, %swap3A_162], %swap3A_165 {strides = array<i32>} : memref<1x128xi32, #tpu.memory_space<vmem>>, vector<1x16xi32>,
      %and3A_166 = arith.constant 16383 : i32
      %and3A_167 = vector.broadcast %and3A_166 : i32 to vector<16xi32>
      %and3A_168 = arith.andi %get3A_156, %and3A_167 : vector<16xi32>
      %swap3A_169 = arith.constant 0 : i32
      %swap3A_170 = arith.index_cast %swap3A_169 : i32 to index
      %swap3A_171 = arith.constant 80 : index
      %swap3A_172 = tpu.vector_load %arg7[%swap3A_170, %swap3A_171] {strides = array<i32>} : memref<1x128xi32, #tpu.memory_space<vmem>>, vector<1x16xi32>,
      %swap3A_173 = vector.shape_cast %swap3A_172 : vector<1x16xi32> to vector<16xi32>
      %swap3A_174 = vector.shape_cast %and3A_168 : vector<16xi32> to vector<1x16xi32>
      tpu.vector_store %arg7[%swap3A_170, %swap3A_171], %swap3A_174 {strides = array<i32>} : memref<1x128xi32, #tpu.memory_space<vmem>>, vector<1x16xi32>,
      %add3A_175 = arith.constant 96 : i32
      %add3A_176 = arith.addi %multiple_of3A, %add3A_175 : i32
      %get3A_177 = arith.index_cast %add3A_176 : i32 to index
      %get3A_178 = tpu.vector_load %arg5[%get3A_177] {strides = array<i32>} : memref<12288xi32, #tpu.memory_space<vmem>>, vector<16xi32>,
      %get3A_179 = vector.shape_cast %get3A_178 : vector<16xi32> to vector<16xi32>
      %shift_right_arithmetic3A_180 = arith.constant 14 : i32
      %shift_right_arithmetic3A_181 = vector.broadcast %shift_right_arithmetic3A_180 : i32 to vector<16xi32>
      %shift_right_arithmetic3A_182 = arith.shrsi %get3A_179, %shift_right_arithmetic3A_181 : vector<16xi32>
      %swap3A_183 = arith.constant 0 : i32
      %swap3A_184 = arith.index_cast %swap3A_183 : i32 to index
      %swap3A_185 = arith.constant 96 : index
      %swap3A_186 = tpu.vector_load %arg6[%swap3A_184, %swap3A_185] {strides = array<i32>} : memref<1x128xi32, #tpu.memory_space<vmem>>, vector<1x16xi32>,
      %swap3A_187 = vector.shape_cast %swap3A_186 : vector<1x16xi32> to vector<16xi32>
      %swap3A_188 = vector.shape_cast %shift_right_arithmetic3A_182 : vector<16xi32> to vector<1x16xi32>
      tpu.vector_store %arg6[%swap3A_184, %swap3A_185], %swap3A_188 {strides = array<i32>} : memref<1x128xi32, #tpu.memory_space<vmem>>, vector<1x16xi32>,
      %and3A_189 = arith.constant 16383 : i32
      %and3A_190 = vector.broadcast %and3A_189 : i32 to vector<16xi32>
      %and3A_191 = arith.andi %get3A_179, %and3A_190 : vector<16xi32>
      %swap3A_192 = arith.constant 0 : i32
      %swap3A_193 = arith.index_cast %swap3A_192 : i32 to index
      %swap3A_194 = arith.constant 96 : index
      %swap3A_195 = tpu.vector_load %arg7[%swap3A_193, %swap3A_194] {strides = array<i32>} : memref<1x128xi32, #tpu.memory_space<vmem>>, vector<1x16xi32>,
      %swap3A_196 = vector.shape_cast %swap3A_195 : vector<1x16xi32> to vector<16xi32>
      %swap3A_197 = vector.shape_cast %and3A_191 : vector<16xi32> to vector<1x16xi32>
      tpu.vector_store %arg7[%swap3A_193, %swap3A_194], %swap3A_197 {strides = array<i32>} : memref<1x128xi32, #tpu.memory_space<vmem>>, vector<1x16xi32>,
      %add3A_198 = arith.constant 112 : i32
      %add3A_199 = arith.addi %multiple_of3A, %add3A_198 : i32
      %get3A_200 = arith.index_cast %add3A_199 : i32 to index
      %get3A_201 = tpu.vector_load %arg5[%get3A_200] {strides = array<i32>} : memref<12288xi32, #tpu.memory_space<vmem>>, vector<16xi32>,
      %get3A_202 = vector.shape_cast %get3A_201 : vector<16xi32> to vector<16xi32>
      %shift_right_arithmetic3A_203 = arith.constant 14 : i32
      %shift_right_arithmetic3A_204 = vector.broadcast %shift_right_arithmetic3A_203 : i32 to vector<16xi32>
      %shift_right_arithmetic3A_205 = arith.shrsi %get3A_202, %shift_right_arithmetic3A_204 : vector<16xi32>
      %swap3A_206 = arith.constant 0 : i32
      %swap3A_207 = arith.index_cast %swap3A_206 : i32 to index
      %swap3A_208 = arith.constant 112 : index
      %swap3A_209 = tpu.vector_load %arg6[%swap3A_207, %swap3A_208] {strides = array<i32>} : memref<1x128xi32, #tpu.memory_space<vmem>>, vector<1x16xi32>,
      %swap3A_210 = vector.shape_cast %swap3A_209 : vector<1x16xi32> to vector<16xi32>
      %swap3A_211 = vector.shape_cast %shift_right_arithmetic3A_205 : vector<16xi32> to vector<1x16xi32>
      tpu.vector_store %arg6[%swap3A_207, %swap3A_208], %swap3A_211 {strides = array<i32>} : memref<1x128xi32, #tpu.memory_space<vmem>>, vector<1x16xi32>,
      %and3A_212 = arith.constant 16383 : i32
      %and3A_213 = vector.broadcast %and3A_212 : i32 to vector<16xi32>
      %and3A_214 = arith.andi %get3A_202, %and3A_213 : vector<16xi32>
      %swap3A_215 = arith.constant 0 : i32
      %swap3A_216 = arith.index_cast %swap3A_215 : i32 to index
      %swap3A_217 = arith.constant 112 : index
      %swap3A_218 = tpu.vector_load %arg7[%swap3A_216, %swap3A_217] {strides = array<i32>} : memref<1x128xi32, #tpu.memory_space<vmem>>, vector<1x16xi32>,
      %swap3A_219 = vector.shape_cast %swap3A_218 : vector<1x16xi32> to vector<16xi32>
      %swap3A_220 = vector.shape_cast %and3A_214 : vector<16xi32> to vector<1x16xi32>
      tpu.vector_store %arg7[%swap3A_216, %swap3A_217], %swap3A_220 {strides = array<i32>} : memref<1x128xi32, #tpu.memory_space<vmem>>, vector<1x16xi32>,
      %dma_start3A = arith.constant 0 : i32
      %dma_start3A_221 = arith.constant 0 : i32
      %dma_start3A_222 = tpu.memref_slice %arg6[%dma_start3A, %dma_start3A_221] : memref<1x128xi32, #tpu.memory_space<vmem>> -> memref<1x128xi32, #tpu.memory_space<vmem>>
      %dma_start3A_223 = tpu.memref_squeeze %dma_start3A_222 : memref<1x128xi32, #tpu.memory_space<vmem>> -> memref<128xi32, #tpu.memory_space<vmem>>
      %dma_start3A_224 = arith.constant 0 : i32
      %dma_start3A_225 = arith.constant 0 : i32
      %dma_start3A_226 = tpu.memref_slice %arg2[%dma_start3A_224, %dma_start3A_225] : memref<10240x128xf32, #tpu.memory_space<hbm>> -> memref<10240x128xf32, #tpu.memory_space<hbm>>
      tpu.enqueue_indirect_dma source(%dma_start3A_226 : memref<10240x128xf32, #tpu.memory_space<hbm>>) target(%arg8 : memref<128x128xf32, #tpu.memory_space<vmem>>) offsets(%dma_start3A_223 : memref<128xi32, #tpu.memory_space<vmem>>) semaphore(%arg11 : memref<!tpu.dma_semaphore, #tpu.memory_space<semaphore_mem>>)
      %dma_wait3A = arith.constant 0 : i32
      %dma_wait3A_227 = arith.constant 0 : i32
      %dma_wait3A_228 = tpu.memref_slice %arg6[%dma_wait3A, %dma_wait3A_227] : memref<1x128xi32, #tpu.memory_space<vmem>> -> memref<1x128xi32, #tpu.memory_space<vmem>>
      %dma_wait3A_229 = tpu.memref_squeeze %dma_wait3A_228 : memref<1x128xi32, #tpu.memory_space<vmem>> -> memref<128xi32, #tpu.memory_space<vmem>>
      %dma_wait3A_230 = arith.constant 0 : i32
      %dma_wait3A_231 = arith.constant 0 : i32
      %dma_wait3A_232 = tpu.memref_slice %arg2[%dma_wait3A_230, %dma_wait3A_231] : memref<10240x128xf32, #tpu.memory_space<hbm>> -> memref<10240x128xf32, #tpu.memory_space<hbm>>
      tpu.wait_indirect_dma semaphore(%arg11 : memref<!tpu.dma_semaphore, #tpu.memory_space<semaphore_mem>>) src(%dma_wait3A_232 : memref<10240x128xf32, #tpu.memory_space<hbm>>) dst(%arg8 : memref<128x128xf32, #tpu.memory_space<vmem>>)
      %run_scoped3A = arith.constant 0 : i32
      "tpu.region"() ({
        %run_scoped3A_234 = tpu.sem_alloc : memref<!tpu.dma_semaphore, #tpu.memory_space<semaphore_mem>>
        %dma_start3A_235 = arith.constant 0 : i32
        %dma_start3A_236 = tpu.memref_slice %arg7[%run_scoped3A, %dma_start3A_235] : memref<1x128xi32, #tpu.memory_space<vmem>> -> memref<1x128xi32, #tpu.memory_space<vmem>>
        %dma_start3A_237 = tpu.memref_squeeze %dma_start3A_236 : memref<1x128xi32, #tpu.memory_space<vmem>> -> memref<128xi32, #tpu.memory_space<vmem>>
        %dma_start3A_238 = arith.constant 0 : i32
        %dma_start3A_239 = arith.constant 0 : i32
        %dma_start3A_240 = tpu.memref_slice %arg10[%dma_start3A_238, %dma_start3A_239] : memref<10368x128xf32, #tpu.memory_space<vmem_shared>> -> memref<10368x128xf32, #tpu.memory_space<vmem_shared>>
        tpu.enqueue_indirect_dma source(%arg8 : memref<128x128xf32, #tpu.memory_space<vmem>>) target(%dma_start3A_240 : memref<10368x128xf32, #tpu.memory_space<vmem_shared>>) offsets(%dma_start3A_237 : memref<128xi32, #tpu.memory_space<vmem>>) semaphore(%run_scoped3A_234 : memref<!tpu.dma_semaphore, #tpu.memory_space<semaphore_mem>>) {add = true}
        %dma_wait3A_241 = arith.constant 0 : i32
        %dma_wait3A_242 = tpu.memref_slice %arg7[%run_scoped3A, %dma_wait3A_241] : memref<1x128xi32, #tpu.memory_space<vmem>> -> memref<1x128xi32, #tpu.memory_space<vmem>>
        %dma_wait3A_243 = tpu.memref_squeeze %dma_wait3A_242 : memref<1x128xi32, #tpu.memory_space<vmem>> -> memref<128xi32, #tpu.memory_space<vmem>>
        %dma_wait3A_244 = arith.constant 0 : i32
        %dma_wait3A_245 = arith.constant 0 : i32
        %dma_wait3A_246 = tpu.memref_slice %arg10[%dma_wait3A_244, %dma_wait3A_245] : memref<10368x128xf32, #tpu.memory_space<vmem_shared>> -> memref<10368x128xf32, #tpu.memory_space<vmem_shared>>
        tpu.wait_indirect_dma semaphore(%run_scoped3A_234 : memref<!tpu.dma_semaphore, #tpu.memory_space<semaphore_mem>>) src(%arg8 : memref<128x128xf32, #tpu.memory_space<vmem>>) dst(%dma_wait3A_246 : memref<10368x128xf32, #tpu.memory_space<vmem_shared>>)
        tpu.yield
      }) : () -> ()
      %while3A_233 = arith.constant 0 : i32
      scf.yield %while3A_233 : i32
    }
    %while3A_32 = arith.constant 1 : i32
    %while3A_33 = scf.for %while3A_38 = %while3A_29 to %while3A_25 step %while3A_32 iter_args(%while3A_39 = %while3A_31) -> (i32)  : i32 {
      %mul3A_40 = arith.constant 128 : i32
      %mul3A_41 = arith.muli %while3A_38, %mul3A_40 : i32
      %multiple_of3A = tpu.assume_multiple %mul3A_41, 128 : i32
      %add3A = arith.constant 0 : i32
      %add3A_42 = arith.addi %multiple_of3A, %add3A : i32
      %get3A = arith.index_cast %add3A_42 : i32 to index
      %get3A_43 = tpu.vector_load %arg5[%get3A] {strides = array<i32>} : memref<12288xi32, #tpu.memory_space<vmem>>, vector<16xi32>,
      %get3A_44 = vector.shape_cast %get3A_43 : vector<16xi32> to vector<16xi32>
      %shift_right_arithmetic3A = arith.constant 14 : i32
      %shift_right_arithmetic3A_45 = vector.broadcast %shift_right_arithmetic3A : i32 to vector<16xi32>
      %shift_right_arithmetic3A_46 = arith.shrsi %get3A_44, %shift_right_arithmetic3A_45 : vector<16xi32>
      %swap3A = arith.constant 0 : i32
      %swap3A_47 = arith.index_cast %swap3A : i32 to index
      %swap3A_48 = arith.constant 0 : index
      %swap3A_49 = tpu.vector_load %arg6[%swap3A_47, %swap3A_48] {strides = array<i32>} : memref<1x128xi32, #tpu.memory_space<vmem>>, vector<1x16xi32>,
      %swap3A_50 = vector.shape_cast %swap3A_49 : vector<1x16xi32> to vector<16xi32>
      %swap3A_51 = vector.shape_cast %shift_right_arithmetic3A_46 : vector<16xi32> to vector<1x16xi32>
      tpu.vector_store %arg6[%swap3A_47, %swap3A_48], %swap3A_51 {strides = array<i32>} : memref<1x128xi32, #tpu.memory_space<vmem>>, vector<1x16xi32>,
      %and3A = arith.constant 16383 : i32
      %and3A_52 = vector.broadcast %and3A : i32 to vector<16xi32>
      %and3A_53 = arith.andi %get3A_44, %and3A_52 : vector<16xi32>
      %swap3A_54 = arith.constant 0 : i32
      %swap3A_55 = arith.index_cast %swap3A_54 : i32 to index
      %swap3A_56 = arith.constant 0 : index
      %swap3A_57 = tpu.vector_load %arg7[%swap3A_55, %swap3A_56] {strides = array<i32>} : memref<1x128xi32, #tpu.memory_space<vmem>>, vector<1x16xi32>,
      %swap3A_58 = vector.shape_cast %swap3A_57 : vector<1x16xi32> to vector<16xi32>
      %swap3A_59 = vector.shape_cast %and3A_53 : vector<16xi32> to vector<1x16xi32>
      tpu.vector_store %arg7[%swap3A_55, %swap3A_56], %swap3A_59 {strides = array<i32>} : memref<1x128xi32, #tpu.memory_space<vmem>>, vector<1x16xi32>,
      %add3A_60 = arith.constant 16 : i32
      %add3A_61 = arith.addi %multiple_of3A, %add3A_60 : i32
      %get3A_62 = arith.index_cast %add3A_61 : i32 to index
      %get3A_63 = tpu.vector_load %arg5[%get3A_62] {strides = array<i32>} : memref<12288xi32, #tpu.memory_space<vmem>>, vector<16xi32>,
      %get3A_64 = vector.shape_cast %get3A_63 : vector<16xi32> to vector<16xi32>
      %shift_right_arithmetic3A_65 = arith.constant 14 : i32
      %shift_right_arithmetic3A_66 = vector.broadcast %shift_right_arithmetic3A_65 : i32 to vector<16xi32>
      %shift_right_arithmetic3A_67 = arith.shrsi %get3A_64, %shift_right_arithmetic3A_66 : vector<16xi32>
      %swap3A_68 = arith.constant 0 : i32
      %swap3A_69 = arith.index_cast %swap3A_68 : i32 to index
      %swap3A_70 = arith.constant 16 : index
      %swap3A_71 = tpu.vector_load %arg6[%swap3A_69, %swap3A_70] {strides = array<i32>} : memref<1x128xi32, #tpu.memory_space<vmem>>, vector<1x16xi32>,
      %swap3A_72 = vector.shape_cast %swap3A_71 : vector<1x16xi32> to vector<16xi32>
      %swap3A_73 = vector.shape_cast %shift_right_arithmetic3A_67 : vector<16xi32> to vector<1x16xi32>
      tpu.vector_store %arg6[%swap3A_69, %swap3A_70], %swap3A_73 {strides = array<i32>} : memref<1x128xi32, #tpu.memory_space<vmem>>, vector<1x16xi32>,
      %and3A_74 = arith.constant 16383 : i32
      %and3A_75 = vector.broadcast %and3A_74 : i32 to vector<16xi32>
      %and3A_76 = arith.andi %get3A_64, %and3A_75 : vector<16xi32>
      %swap3A_77 = arith.constant 0 : i32
      %swap3A_78 = arith.index_cast %swap3A_77 : i32 to index
      %swap3A_79 = arith.constant 16 : index
      %swap3A_80 = tpu.vector_load %arg7[%swap3A_78, %swap3A_79] {strides = array<i32>} : memref<1x128xi32, #tpu.memory_space<vmem>>, vector<1x16xi32>,
      %swap3A_81 = vector.shape_cast %swap3A_80 : vector<1x16xi32> to vector<16xi32>
      %swap3A_82 = vector.shape_cast %and3A_76 : vector<16xi32> to vector<1x16xi32>
      tpu.vector_store %arg7[%swap3A_78, %swap3A_79], %swap3A_82 {strides = array<i32>} : memref<1x128xi32, #tpu.memory_space<vmem>>, vector<1x16xi32>,
      %add3A_83 = arith.constant 32 : i32
      %add3A_84 = arith.addi %multiple_of3A, %add3A_83 : i32
      %get3A_85 = arith.index_cast %add3A_84 : i32 to index
      %get3A_86 = tpu.vector_load %arg5[%get3A_85] {strides = array<i32>} : memref<12288xi32, #tpu.memory_space<vmem>>, vector<16xi32>,
      %get3A_87 = vector.shape_cast %get3A_86 : vector<16xi32> to vector<16xi32>
      %shift_right_arithmetic3A_88 = arith.constant 14 : i32
      %shift_right_arithmetic3A_89 = vector.broadcast %shift_right_arithmetic3A_88 : i32 to vector<16xi32>
      %shift_right_arithmetic3A_90 = arith.shrsi %get3A_87, %shift_right_arithmetic3A_89 : vector<16xi32>
      %swap3A_91 = arith.constant 0 : i32
      %swap3A_92 = arith.index_cast %swap3A_91 : i32 to index
      %swap3A_93 = arith.constant 32 : index
      %swap3A_94 = tpu.vector_load %arg6[%swap3A_92, %swap3A_93] {strides = array<i32>} : memref<1x128xi32, #tpu.memory_space<vmem>>, vector<1x16xi32>,
      %swap3A_95 = vector.shape_cast %swap3A_94 : vector<1x16xi32> to vector<16xi32>
      %swap3A_96 = vector.shape_cast %shift_right_arithmetic3A_90 : vector<16xi32> to vector<1x16xi32>
      tpu.vector_store %arg6[%swap3A_92, %swap3A_93], %swap3A_96 {strides = array<i32>} : memref<1x128xi32, #tpu.memory_space<vmem>>, vector<1x16xi32>,
      %and3A_97 = arith.constant 16383 : i32
      %and3A_98 = vector.broadcast %and3A_97 : i32 to vector<16xi32>
      %and3A_99 = arith.andi %get3A_87, %and3A_98 : vector<16xi32>
      %swap3A_100 = arith.constant 0 : i32
      %swap3A_101 = arith.index_cast %swap3A_100 : i32 to index
      %swap3A_102 = arith.constant 32 : index
      %swap3A_103 = tpu.vector_load %arg7[%swap3A_101, %swap3A_102] {strides = array<i32>} : memref<1x128xi32, #tpu.memory_space<vmem>>, vector<1x16xi32>,
      %swap3A_104 = vector.shape_cast %swap3A_103 : vector<1x16xi32> to vector<16xi32>
      %swap3A_105 = vector.shape_cast %and3A_99 : vector<16xi32> to vector<1x16xi32>
      tpu.vector_store %arg7[%swap3A_101, %swap3A_102], %swap3A_105 {strides = array<i32>} : memref<1x128xi32, #tpu.memory_space<vmem>>, vector<1x16xi32>,
      %add3A_106 = arith.constant 48 : i32
      %add3A_107 = arith.addi %multiple_of3A, %add3A_106 : i32
      %get3A_108 = arith.index_cast %add3A_107 : i32 to index
      %get3A_109 = tpu.vector_load %arg5[%get3A_108] {strides = array<i32>} : memref<12288xi32, #tpu.memory_space<vmem>>, vector<16xi32>,
      %get3A_110 = vector.shape_cast %get3A_109 : vector<16xi32> to vector<16xi32>
      %shift_right_arithmetic3A_111 = arith.constant 14 : i32
      %shift_right_arithmetic3A_112 = vector.broadcast %shift_right_arithmetic3A_111 : i32 to vector<16xi32>
      %shift_right_arithmetic3A_113 = arith.shrsi %get3A_110, %shift_right_arithmetic3A_112 : vector<16xi32>
      %swap3A_114 = arith.constant 0 : i32
      %swap3A_115 = arith.index_cast %swap3A_114 : i32 to index
      %swap3A_116 = arith.constant 48 : index
      %swap3A_117 = tpu.vector_load %arg6[%swap3A_115, %swap3A_116] {strides = array<i32>} : memref<1x128xi32, #tpu.memory_space<vmem>>, vector<1x16xi32>,
      %swap3A_118 = vector.shape_cast %swap3A_117 : vector<1x16xi32> to vector<16xi32>
      %swap3A_119 = vector.shape_cast %shift_right_arithmetic3A_113 : vector<16xi32> to vector<1x16xi32>
      tpu.vector_store %arg6[%swap3A_115, %swap3A_116], %swap3A_119 {strides = array<i32>} : memref<1x128xi32, #tpu.memory_space<vmem>>, vector<1x16xi32>,
      %and3A_120 = arith.constant 16383 : i32
      %and3A_121 = vector.broadcast %and3A_120 : i32 to vector<16xi32>
      %and3A_122 = arith.andi %get3A_110, %and3A_121 : vector<16xi32>
      %swap3A_123 = arith.constant 0 : i32
      %swap3A_124 = arith.index_cast %swap3A_123 : i32 to index
      %swap3A_125 = arith.constant 48 : index
      %swap3A_126 = tpu.vector_load %arg7[%swap3A_124, %swap3A_125] {strides = array<i32>} : memref<1x128xi32, #tpu.memory_space<vmem>>, vector<1x16xi32>,
      %swap3A_127 = vector.shape_cast %swap3A_126 : vector<1x16xi32> to vector<16xi32>
      %swap3A_128 = vector.shape_cast %and3A_122 : vector<16xi32> to vector<1x16xi32>
      tpu.vector_store %arg7[%swap3A_124, %swap3A_125], %swap3A_128 {strides = array<i32>} : memref<1x128xi32, #tpu.memory_space<vmem>>, vector<1x16xi32>,
      %add3A_129 = arith.constant 64 : i32
      %add3A_130 = arith.addi %multiple_of3A, %add3A_129 : i32
      %get3A_131 = arith.index_cast %add3A_130 : i32 to index
      %get3A_132 = tpu.vector_load %arg5[%get3A_131] {strides = array<i32>} : memref<12288xi32, #tpu.memory_space<vmem>>, vector<16xi32>,
      %get3A_133 = vector.shape_cast %get3A_132 : vector<16xi32> to vector<16xi32>
      %shift_right_arithmetic3A_134 = arith.constant 14 : i32
      %shift_right_arithmetic3A_135 = vector.broadcast %shift_right_arithmetic3A_134 : i32 to vector<16xi32>
      %shift_right_arithmetic3A_136 = arith.shrsi %get3A_133, %shift_right_arithmetic3A_135 : vector<16xi32>
      %swap3A_137 = arith.constant 0 : i32
      %swap3A_138 = arith.index_cast %swap3A_137 : i32 to index
      %swap3A_139 = arith.constant 64 : index
      %swap3A_140 = tpu.vector_load %arg6[%swap3A_138, %swap3A_139] {strides = array<i32>} : memref<1x128xi32, #tpu.memory_space<vmem>>, vector<1x16xi32>,
      %swap3A_141 = vector.shape_cast %swap3A_140 : vector<1x16xi32> to vector<16xi32>
      %swap3A_142 = vector.shape_cast %shift_right_arithmetic3A_136 : vector<16xi32> to vector<1x16xi32>
      tpu.vector_store %arg6[%swap3A_138, %swap3A_139], %swap3A_142 {strides = array<i32>} : memref<1x128xi32, #tpu.memory_space<vmem>>, vector<1x16xi32>,
      %and3A_143 = arith.constant 16383 : i32
      %and3A_144 = vector.broadcast %and3A_143 : i32 to vector<16xi32>
      %and3A_145 = arith.andi %get3A_133, %and3A_144 : vector<16xi32>
      %swap3A_146 = arith.constant 0 : i32
      %swap3A_147 = arith.index_cast %swap3A_146 : i32 to index
      %swap3A_148 = arith.constant 64 : index
      %swap3A_149 = tpu.vector_load %arg7[%swap3A_147, %swap3A_148] {strides = array<i32>} : memref<1x128xi32, #tpu.memory_space<vmem>>, vector<1x16xi32>,
      %swap3A_150 = vector.shape_cast %swap3A_149 : vector<1x16xi32> to vector<16xi32>
      %swap3A_151 = vector.shape_cast %and3A_145 : vector<16xi32> to vector<1x16xi32>
      tpu.vector_store %arg7[%swap3A_147, %swap3A_148], %swap3A_151 {strides = array<i32>} : memref<1x128xi32, #tpu.memory_space<vmem>>, vector<1x16xi32>,
      %add3A_152 = arith.constant 80 : i32
      %add3A_153 = arith.addi %multiple_of3A, %add3A_152 : i32
      %get3A_154 = arith.index_cast %add3A_153 : i32 to index
      %get3A_155 = tpu.vector_load %arg5[%get3A_154] {strides = array<i32>} : memref<12288xi32, #tpu.memory_space<vmem>>, vector<16xi32>,
      %get3A_156 = vector.shape_cast %get3A_155 : vector<16xi32> to vector<16xi32>
      %shift_right_arithmetic3A_157 = arith.constant 14 : i32
      %shift_right_arithmetic3A_158 = vector.broadcast %shift_right_arithmetic3A_157 : i32 to vector<16xi32>
      %shift_right_arithmetic3A_159 = arith.shrsi %get3A_156, %shift_right_arithmetic3A_158 : vector<16xi32>
      %swap3A_160 = arith.constant 0 : i32
      %swap3A_161 = arith.index_cast %swap3A_160 : i32 to index
      %swap3A_162 = arith.constant 80 : index
      %swap3A_163 = tpu.vector_load %arg6[%swap3A_161, %swap3A_162] {strides = array<i32>} : memref<1x128xi32, #tpu.memory_space<vmem>>, vector<1x16xi32>,
      %swap3A_164 = vector.shape_cast %swap3A_163 : vector<1x16xi32> to vector<16xi32>
      %swap3A_165 = vector.shape_cast %shift_right_arithmetic3A_159 : vector<16xi32> to vector<1x16xi32>
      tpu.vector_store %arg6[%swap3A_161, %swap3A_162], %swap3A_165 {strides = array<i32>} : memref<1x128xi32, #tpu.memory_space<vmem>>, vector<1x16xi32>,
      %and3A_166 = arith.constant 16383 : i32
      %and3A_167 = vector.broadcast %and3A_166 : i32 to vector<16xi32>
      %and3A_168 = arith.andi %get3A_156, %and3A_167 : vector<16xi32>
      %swap3A_169 = arith.constant 0 : i32
      %swap3A_170 = arith.index_cast %swap3A_169 : i32 to index
      %swap3A_171 = arith.constant 80 : index
      %swap3A_172 = tpu.vector_load %arg7[%swap3A_170, %swap3A_171] {strides = array<i32>} : memref<1x128xi32, #tpu.memory_space<vmem>>, vector<1x16xi32>,
      %swap3A_173 = vector.shape_cast %swap3A_172 : vector<1x16xi32> to vector<16xi32>
      %swap3A_174 = vector.shape_cast %and3A_168 : vector<16xi32> to vector<1x16xi32>
      tpu.vector_store %arg7[%swap3A_170, %swap3A_171], %swap3A_174 {strides = array<i32>} : memref<1x128xi32, #tpu.memory_space<vmem>>, vector<1x16xi32>,
      %add3A_175 = arith.constant 96 : i32
      %add3A_176 = arith.addi %multiple_of3A, %add3A_175 : i32
      %get3A_177 = arith.index_cast %add3A_176 : i32 to index
      %get3A_178 = tpu.vector_load %arg5[%get3A_177] {strides = array<i32>} : memref<12288xi32, #tpu.memory_space<vmem>>, vector<16xi32>,
      %get3A_179 = vector.shape_cast %get3A_178 : vector<16xi32> to vector<16xi32>
      %shift_right_arithmetic3A_180 = arith.constant 14 : i32
      %shift_right_arithmetic3A_181 = vector.broadcast %shift_right_arithmetic3A_180 : i32 to vector<16xi32>
      %shift_right_arithmetic3A_182 = arith.shrsi %get3A_179, %shift_right_arithmetic3A_181 : vector<16xi32>
      %swap3A_183 = arith.constant 0 : i32
      %swap3A_184 = arith.index_cast %swap3A_183 : i32 to index
      %swap3A_185 = arith.constant 96 : index
      %swap3A_186 = tpu.vector_load %arg6[%swap3A_184, %swap3A_185] {strides = array<i32>} : memref<1x128xi32, #tpu.memory_space<vmem>>, vector<1x16xi32>,
      %swap3A_187 = vector.shape_cast %swap3A_186 : vector<1x16xi32> to vector<16xi32>
      %swap3A_188 = vector.shape_cast %shift_right_arithmetic3A_182 : vector<16xi32> to vector<1x16xi32>
      tpu.vector_store %arg6[%swap3A_184, %swap3A_185], %swap3A_188 {strides = array<i32>} : memref<1x128xi32, #tpu.memory_space<vmem>>, vector<1x16xi32>,
      %and3A_189 = arith.constant 16383 : i32
      %and3A_190 = vector.broadcast %and3A_189 : i32 to vector<16xi32>
      %and3A_191 = arith.andi %get3A_179, %and3A_190 : vector<16xi32>
      %swap3A_192 = arith.constant 0 : i32
      %swap3A_193 = arith.index_cast %swap3A_192 : i32 to index
      %swap3A_194 = arith.constant 96 : index
      %swap3A_195 = tpu.vector_load %arg7[%swap3A_193, %swap3A_194] {strides = array<i32>} : memref<1x128xi32, #tpu.memory_space<vmem>>, vector<1x16xi32>,
      %swap3A_196 = vector.shape_cast %swap3A_195 : vector<1x16xi32> to vector<16xi32>
      %swap3A_197 = vector.shape_cast %and3A_191 : vector<16xi32> to vector<1x16xi32>
      tpu.vector_store %arg7[%swap3A_193, %swap3A_194], %swap3A_197 {strides = array<i32>} : memref<1x128xi32, #tpu.memory_space<vmem>>, vector<1x16xi32>,
      %add3A_198 = arith.constant 112 : i32
      %add3A_199 = arith.addi %multiple_of3A, %add3A_198 : i32
      %get3A_200 = arith.index_cast %add3A_199 : i32 to index
      %get3A_201 = tpu.vector_load %arg5[%get3A_200] {strides = array<i32>} : memref<12288xi32, #tpu.memory_space<vmem>>, vector<16xi32>,
      %get3A_202 = vector.shape_cast %get3A_201 : vector<16xi32> to vector<16xi32>
      %shift_right_arithmetic3A_203 = arith.constant 14 : i32
      %shift_right_arithmetic3A_204 = vector.broadcast %shift_right_arithmetic3A_203 : i32 to vector<16xi32>
      %shift_right_arithmetic3A_205 = arith.shrsi %get3A_202, %shift_right_arithmetic3A_204 : vector<16xi32>
      %swap3A_206 = arith.constant 0 : i32
      %swap3A_207 = arith.index_cast %swap3A_206 : i32 to index
      %swap3A_208 = arith.constant 112 : index
      %swap3A_209 = tpu.vector_load %arg6[%swap3A_207, %swap3A_208] {strides = array<i32>} : memref<1x128xi32, #tpu.memory_space<vmem>>, vector<1x16xi32>,
      %swap3A_210 = vector.shape_cast %swap3A_209 : vector<1x16xi32> to vector<16xi32>
      %swap3A_211 = vector.shape_cast %shift_right_arithmetic3A_205 : vector<16xi32> to vector<1x16xi32>
      tpu.vector_store %arg6[%swap3A_207, %swap3A_208], %swap3A_211 {strides = array<i32>} : memref<1x128xi32, #tpu.memory_space<vmem>>, vector<1x16xi32>,
      %and3A_212 = arith.constant 16383 : i32
      %and3A_213 = vector.broadcast %and3A_212 : i32 to vector<16xi32>
      %and3A_214 = arith.andi %get3A_202, %and3A_213 : vector<16xi32>
      %swap3A_215 = arith.constant 0 : i32
      %swap3A_216 = arith.index_cast %swap3A_215 : i32 to index
      %swap3A_217 = arith.constant 112 : index
      %swap3A_218 = tpu.vector_load %arg7[%swap3A_216, %swap3A_217] {strides = array<i32>} : memref<1x128xi32, #tpu.memory_space<vmem>>, vector<1x16xi32>,
      %swap3A_219 = vector.shape_cast %swap3A_218 : vector<1x16xi32> to vector<16xi32>
      %swap3A_220 = vector.shape_cast %and3A_214 : vector<16xi32> to vector<1x16xi32>
      tpu.vector_store %arg7[%swap3A_216, %swap3A_217], %swap3A_220 {strides = array<i32>} : memref<1x128xi32, #tpu.memory_space<vmem>>, vector<1x16xi32>,
      %dma_start3A = arith.constant 0 : i32
      %dma_start3A_221 = arith.constant 0 : i32
      %dma_start3A_222 = tpu.memref_slice %arg6[%dma_start3A, %dma_start3A_221] : memref<1x128xi32, #tpu.memory_space<vmem>> -> memref<1x128xi32, #tpu.memory_space<vmem>>
      %dma_start3A_223 = tpu.memref_squeeze %dma_start3A_222 : memref<1x128xi32, #tpu.memory_space<vmem>> -> memref<128xi32, #tpu.memory_space<vmem>>
      %dma_start3A_224 = arith.constant 0 : i32
      %dma_start3A_225 = arith.constant 0 : i32
      %dma_start3A_226 = tpu.memref_slice %arg2[%dma_start3A_224, %dma_start3A_225] : memref<10240x128xf32, #tpu.memory_space<hbm>> -> memref<10240x128xf32, #tpu.memory_space<hbm>>
      tpu.enqueue_indirect_dma source(%dma_start3A_226 : memref<10240x128xf32, #tpu.memory_space<hbm>>) target(%arg8 : memref<128x128xf32, #tpu.memory_space<vmem>>) offsets(%dma_start3A_223 : memref<128xi32, #tpu.memory_space<vmem>>) semaphore(%arg11 : memref<!tpu.dma_semaphore, #tpu.memory_space<semaphore_mem>>)
      %dma_wait3A = arith.constant 0 : i32
      %dma_wait3A_227 = arith.constant 0 : i32
      %dma_wait3A_228 = tpu.memref_slice %arg6[%dma_wait3A, %dma_wait3A_227] : memref<1x128xi32, #tpu.memory_space<vmem>> -> memref<1x128xi32, #tpu.memory_space<vmem>>
      %dma_wait3A_229 = tpu.memref_squeeze %dma_wait3A_228 : memref<1x128xi32, #tpu.memory_space<vmem>> -> memref<128xi32, #tpu.memory_space<vmem>>
      %dma_wait3A_230 = arith.constant 0 : i32
      %dma_wait3A_231 = arith.constant 0 : i32
      %dma_wait3A_232 = tpu.memref_slice %arg2[%dma_wait3A_230, %dma_wait3A_231] : memref<10240x128xf32, #tpu.memory_space<hbm>> -> memref<10240x128xf32, #tpu.memory_space<hbm>>
      tpu.wait_indirect_dma semaphore(%arg11 : memref<!tpu.dma_semaphore, #tpu.memory_space<semaphore_mem>>) src(%dma_wait3A_232 : memref<10240x128xf32, #tpu.memory_space<hbm>>) dst(%arg8 : memref<128x128xf32, #tpu.memory_space<vmem>>)
      %run_scoped3A = arith.constant 0 : i32
      "tpu.region"() ({
        %run_scoped3A_234 = tpu.sem_alloc : memref<!tpu.dma_semaphore, #tpu.memory_space<semaphore_mem>>
        %dma_start3A_235 = arith.constant 0 : i32
        %dma_start3A_236 = tpu.memref_slice %arg7[%run_scoped3A, %dma_start3A_235] : memref<1x128xi32, #tpu.memory_space<vmem>> -> memref<1x128xi32, #tpu.memory_space<vmem>>
        %dma_start3A_237 = tpu.memref_squeeze %dma_start3A_236 : memref<1x128xi32, #tpu.memory_space<vmem>> -> memref<128xi32, #tpu.memory_space<vmem>>
        %dma_start3A_238 = arith.constant 0 : i32
        %dma_start3A_239 = arith.constant 0 : i32
        %dma_start3A_240 = tpu.memref_slice %arg10[%dma_start3A_238, %dma_start3A_239] : memref<10368x128xf32, #tpu.memory_space<vmem_shared>> -> memref<10368x128xf32, #tpu.memory_space<vmem_shared>>
        tpu.enqueue_indirect_dma source(%arg8 : memref<128x128xf32, #tpu.memory_space<vmem>>) target(%dma_start3A_240 : memref<10368x128xf32, #tpu.memory_space<vmem_shared>>) offsets(%dma_start3A_237 : memref<128xi32, #tpu.memory_space<vmem>>) semaphore(%run_scoped3A_234 : memref<!tpu.dma_semaphore, #tpu.memory_space<semaphore_mem>>) {add = true}
        %dma_wait3A_241 = arith.constant 0 : i32
        %dma_wait3A_242 = tpu.memref_slice %arg7[%run_scoped3A, %dma_wait3A_241] : memref<1x128xi32, #tpu.memory_space<vmem>> -> memref<1x128xi32, #tpu.memory_space<vmem>>
        %dma_wait3A_243 = tpu.memref_squeeze %dma_wait3A_242 : memref<1x128xi32, #tpu.memory_space<vmem>> -> memref<128xi32, #tpu.memory_space<vmem>>
        %dma_wait3A_244 = arith.constant 0 : i32
        %dma_wait3A_245 = arith.constant 0 : i32
        %dma_wait3A_246 = tpu.memref_slice %arg10[%dma_wait3A_244, %dma_wait3A_245] : memref<10368x128xf32, #tpu.memory_space<vmem_shared>> -> memref<10368x128xf32, #tpu.memory_space<vmem_shared>>
        tpu.wait_indirect_dma semaphore(%run_scoped3A_234 : memref<!tpu.dma_semaphore, #tpu.memory_space<semaphore_mem>>) src(%arg8 : memref<128x128xf32, #tpu.memory_space<vmem>>) dst(%dma_wait3A_246 : memref<10368x128xf32, #tpu.memory_space<vmem_shared>>)
        tpu.yield
      }) : () -> ()
      %while3A_233 = arith.constant 0 : i32
      scf.yield %while3A_233 : i32
    }
    %barrier3A_34 = arith.constant 0 : index
    tpu.barrier barrier_id(%barrier3A_34)
    %mul3A = arith.constant 640 : i32
    %mul3A_35 = arith.muli %arg1, %mul3A : i32
    %mul3A_36 = arith.constant 640 : i32
    %mul3A_37 = arith.muli %arg1, %mul3A_36 : i32
    "tpu.region"() ({
      %run_scoped3A = tpu.sem_alloc : memref<!tpu.dma_semaphore, #tpu.memory_space<semaphore_mem>>
      %dma_start3A = arith.constant 0 : i32
      %dma_start3A_38 = tpu.memref_slice %arg4[%arg0, %mul3A_37, %dma_start3A] : memref<2x10240x128xf32, #tpu.memory_space<hbm>> -> memref<1x640x128xf32, #tpu.memory_space<hbm>>
      %dma_start3A_39 = tpu.memref_squeeze %dma_start3A_38 : memref<1x640x128xf32, #tpu.memory_space<hbm>> -> memref<640x128xf32, #tpu.memory_space<hbm>>
      %dma_start3A_40 = arith.constant 0 : i32
      %dma_start3A_41 = tpu.memref_slice %arg10[%mul3A_35, %dma_start3A_40] : memref<10368x128xf32, #tpu.memory_space<vmem_shared>> -> memref<640x128xf32, #tpu.memory_space<vmem_shared>>
      tpu.enqueue_dma source(%dma_start3A_41 : memref<640x128xf32, #tpu.memory_space<vmem_shared>>) target(%dma_start3A_39 : memref<640x128xf32, #tpu.memory_space<hbm>>) target_semaphore(%run_scoped3A : memref<!tpu.dma_semaphore, #tpu.memory_space<semaphore_mem>>)
      %dma_wait3A = arith.constant 0 : i32
      %dma_wait3A_42 = tpu.memref_slice %arg4[%arg0, %mul3A_37, %dma_wait3A] : memref<2x10240x128xf32, #tpu.memory_space<hbm>> -> memref<1x640x128xf32, #tpu.memory_space<hbm>>
      %dma_wait3A_43 = tpu.memref_squeeze %dma_wait3A_42 : memref<1x640x128xf32, #tpu.memory_space<hbm>> -> memref<640x128xf32, #tpu.memory_space<hbm>>
      %dma_wait3A_44 = arith.constant 0 : i32
      %dma_wait3A_45 = tpu.memref_slice %arg10[%mul3A_35, %dma_wait3A_44] : memref<10368x128xf32, #tpu.memory_space<vmem_shared>> -> memref<640x128xf32, #tpu.memory_space<vmem_shared>>
      tpu.wait_dma2 semaphore(%run_scoped3A : memref<!tpu.dma_semaphore, #tpu.memory_space<semaphore_mem>>) src(%dma_wait3A_45 : memref<640x128xf32, #tpu.memory_space<vmem_shared>>) dst(%dma_wait3A_43 : memref<640x128xf32, #tpu.memory_space<hbm>>)
      tpu.yield
    }) : () -> ()
    return
  }
}

#map = affine_map<(d0, d1) -> (0, 0)>
#map1 = affine_map<(d0, d1) -> (0)>
#map2 = affine_map<(d0, d1) -> (0, 0, 0)>
module attributes {stable_mosaic.version = 14 : i64} {
  func.func @agg_kernel(%arg0: i32, %arg1: i32, %arg2: memref<10240x128xf32, #tpu.memory_space<hbm>>, %arg3: memref<321536xi32, #tpu.memory_space<hbm>>, %arg4: memref<2x10240x128xf32, #tpu.memory_space<hbm>>, %arg5: memref<12288xi32, #tpu.memory_space<vmem>>, %arg6: memref<1x128xi32, #tpu.memory_space<vmem>>, %arg7: memref<1x128xi32, #tpu.memory_space<vmem>>, %arg8: memref<128x128xf32, #tpu.memory_space<vmem>>, %arg9: memref<24x128xf32, #tpu.memory_space<vmem>>, %arg10: memref<10368x128xf32, #tpu.memory_space<vmem_shared>>, %arg11: memref<!tpu.dma_semaphore, #tpu.memory_space<semaphore_mem>>, %arg12: memref<!tpu.dma_semaphore, #tpu.memory_space<semaphore_mem>>) attributes {dimension_semantics = [#tpu.dimension_semantics<core_parallel>, #tpu.dimension_semantics<subcore_parallel>], iteration_bounds = array<i64: 2, 16>, scalar_prefetch = 0 : i64, scratch_operands = 8 : i64, tpu.core_type = #tpu.core_type<sc_vector_subcore>, window_params = [{transform_indices = #map}, {transform_indices = #map1}, {transform_indices = #map2}]} {
    %scan3A = arith.constant 0 : i32
    %scan3A_0 = arith.constant 0 : i32
    %scan3A_1 = arith.constant 192 : i32
    %scan3A_2 = arith.addi %scan3A_0, %scan3A_1 : i32
    %scan3A_3 = arith.constant 1 : i32
    %scan3A_4 = scf.for %scan3A_38 = %scan3A_0 to %scan3A_2 step %scan3A_3 iter_args(%scan3A_39 = %scan3A) -> (i32)  : i32 {
      %jit3A_40 = arith.constant 8 : i32
      %div3A = arith.divsi %scan3A_38, %jit3A_40 : i32
      %sign3A = arith.constant 0 : i32
      %sign3A_41 = arith.cmpi sgt, %scan3A_38, %sign3A : i32
      %sign3A_42 = arith.extui %sign3A_41 : i1 to i32
      %sign3A_43 = arith.constant 0 : i32
      %sign3A_44 = arith.cmpi slt, %scan3A_38, %sign3A_43 : i32
      %sign3A_45 = arith.extui %sign3A_44 : i1 to i32
      %sign3A_46 = arith.subi %sign3A_42, %sign3A_45 : i32
      %sign3A_47 = arith.constant 0 : i32
      %sign3A_48 = arith.cmpi sgt, %jit3A_40, %sign3A_47 : i32
      %sign3A_49 = arith.extui %sign3A_48 : i1 to i32
      %sign3A_50 = arith.constant 0 : i32
      %sign3A_51 = arith.cmpi slt, %jit3A_40, %sign3A_50 : i32
      %sign3A_52 = arith.extui %sign3A_51 : i1 to i32
      %sign3A_53 = arith.subi %sign3A_49, %sign3A_52 : i32
      %ne3A = arith.cmpi ne, %sign3A_46, %sign3A_53 : i32
      %rem3A = arith.remsi %scan3A_38, %jit3A_40 : i32
      %ne3A_54 = arith.constant 0 : i32
      %ne3A_55 = arith.cmpi ne, %rem3A, %ne3A_54 : i32
      %and3A = arith.andi %ne3A, %ne3A_55 : i1
      %sub3A = arith.constant 1 : i32
      %sub3A_56 = arith.subi %div3A, %sub3A : i32
      %select_n3A_57 = arith.select %and3A, %sub3A_56, %div3A : i32
      %jit3A_58 = arith.constant 8 : i32
      %eq3A_59 = arith.constant 0 : i32
      %eq3A_60 = arith.cmpi eq, %jit3A_58, %eq3A_59 : i32
      %jit3A_61 = arith.constant 1 : i32
      %select_n3A_62 = arith.select %eq3A_60, %jit3A_61, %jit3A_58 : i32
      %rem3A_63 = arith.remsi %scan3A_38, %select_n3A_62 : i32
      %ne3A_64 = arith.constant 0 : i32
      %ne3A_65 = arith.cmpi ne, %rem3A_63, %ne3A_64 : i32
      %lt3A = arith.constant 0 : i32
      %lt3A_66 = arith.cmpi slt, %rem3A_63, %lt3A : i32
      %lt3A_67 = arith.constant 0 : i32
      %lt3A_68 = arith.cmpi slt, %select_n3A_62, %lt3A_67 : i32
      %ne3A_69 = arith.xori %lt3A_66, %lt3A_68 : i1
      %and3A_70 = arith.andi %ne3A_69, %ne3A_65 : i1
      %add3A = arith.addi %rem3A_63, %select_n3A_62 : i32
      %select_n3A_71 = arith.select %and3A_70, %add3A, %rem3A_63 : i32
      %broadcast_in_dim3A = arith.constant 0.000000e+00 : f32
      %broadcast_in_dim3A_72 = vector.broadcast %broadcast_in_dim3A : f32 to vector<16xf32>
      %mul3A_73 = arith.constant 16 : i32
      %mul3A_74 = arith.muli %select_n3A_71, %mul3A_73 : i32
      %swap3A = arith.index_cast %select_n3A_57 : i32 to index
      %swap3A_75 = arith.index_cast %mul3A_74 : i32 to index
      %swap3A_76 = tpu.vector_load %arg9[%swap3A, %swap3A_75] {strides = array<i32>} : memref<24x128xf32, #tpu.memory_space<vmem>>, vector<1x16xf32>,
      %swap3A_77 = vector.shape_cast %swap3A_76 : vector<1x16xf32> to vector<16xf32>
      %swap3A_78 = vector.shape_cast %broadcast_in_dim3A_72 : vector<16xf32> to vector<1x16xf32>
      tpu.vector_store %arg9[%swap3A, %swap3A_75], %swap3A_78 {strides = array<i32>} : memref<24x128xf32, #tpu.memory_space<vmem>>, vector<1x16xf32>,
      %scan3A_79 = arith.constant 0 : i32
      scf.yield %scan3A_79 : i32
    }
    %scan3A_5 = arith.constant 192 : i32
    %scan3A_6 = arith.constant 0 : i32
    %scan3A_7 = arith.constant 0 : i32
    %scan3A_8 = arith.constant 27 : i32
    %scan3A_9 = arith.addi %scan3A_7, %scan3A_8 : i32
    %scan3A_10 = arith.constant 1 : i32
    %scan3A_11 = scf.for %scan3A_38 = %scan3A_7 to %scan3A_9 step %scan3A_10 iter_args(%scan3A_39 = %scan3A_6) -> (i32)  : i32 {
      %mul3A_40 = arith.constant 648 : i32
      %mul3A_41 = arith.muli %arg1, %mul3A_40 : i32
      %mul3A_42 = arith.constant 24 : i32
      %mul3A_43 = arith.muli %scan3A_38, %mul3A_42 : i32
      %add3A = arith.addi %mul3A_41, %mul3A_43 : i32
      "tpu.region"() ({
        %run_scoped3A = tpu.sem_alloc : memref<!tpu.dma_semaphore, #tpu.memory_space<semaphore_mem>>
        %dma_start3A = arith.constant 0 : i32
        %dma_start3A_45 = tpu.memref_slice %arg10[%add3A, %dma_start3A] : memref<10368x128xf32, #tpu.memory_space<vmem_shared>> -> memref<24x128xf32, #tpu.memory_space<vmem_shared>>
        %dma_start3A_46 = arith.constant 0 : i32
        %dma_start3A_47 = tpu.memref_slice %arg10[%add3A, %dma_start3A_46] : memref<10368x128xf32, #tpu.memory_space<vmem_shared>> -> memref<24x128xf32, #tpu.memory_space<vmem_shared>>
        tpu.enqueue_dma source(%arg9 : memref<24x128xf32, #tpu.memory_space<vmem>>) target(%dma_start3A_47 : memref<24x128xf32, #tpu.memory_space<vmem_shared>>) target_semaphore(%run_scoped3A : memref<!tpu.dma_semaphore, #tpu.memory_space<semaphore_mem>>)
        %dma_wait3A = arith.constant 0 : i32
        %dma_wait3A_48 = tpu.memref_slice %arg10[%add3A, %dma_wait3A] : memref<10368x128xf32, #tpu.memory_space<vmem_shared>> -> memref<24x128xf32, #tpu.memory_space<vmem_shared>>
        %dma_wait3A_49 = arith.constant 0 : i32
        %dma_wait3A_50 = tpu.memref_slice %arg10[%add3A, %dma_wait3A_49] : memref<10368x128xf32, #tpu.memory_space<vmem_shared>> -> memref<24x128xf32, #tpu.memory_space<vmem_shared>>
        tpu.wait_dma2 semaphore(%run_scoped3A : memref<!tpu.dma_semaphore, #tpu.memory_space<semaphore_mem>>) src(%arg9 : memref<24x128xf32, #tpu.memory_space<vmem>>) dst(%dma_wait3A_50 : memref<24x128xf32, #tpu.memory_space<vmem_shared>>)
        tpu.yield
      }) : () -> ()
      %scan3A_44 = arith.constant 0 : i32
      scf.yield %scan3A_44 : i32
    }
    %scan3A_12 = arith.constant 27 : i32
    %eq3A = arith.constant 0 : i32
    %eq3A_13 = arith.cmpi eq, %arg0, %eq3A : i32
    %jit3A = arith.constant 96 : i32
    %jit3A_14 = arith.constant 61 : i32
    %select_n3A = arith.select %eq3A_13, %jit3A, %jit3A_14 : i32
    %eq3A_15 = arith.constant 0 : i32
    %eq3A_16 = arith.cmpi eq, %arg0, %eq3A_15 : i32
    %convert_element_type3A = arith.extui %eq3A_16 : i1 to i32
    %cond3A = arith.constant 0 : i32
    %cond3A_17 = arith.cmpi ne, %convert_element_type3A, %cond3A : i32
    scf.if %cond3A_17 {
      %mul3A_38 = arith.constant 96 : i32
      %mul3A_39 = arith.muli %arg1, %mul3A_38 : i32
      %mul3A_40 = arith.constant 128 : i32
      %mul3A_41 = arith.muli %mul3A_39, %mul3A_40 : i32
      "tpu.region"() ({
        %run_scoped3A = tpu.sem_alloc : memref<!tpu.dma_semaphore, #tpu.memory_space<semaphore_mem>>
        %dma_start3A = tpu.memref_slice %arg3[%mul3A_41] : memref<321536xi32, #tpu.memory_space<hbm>> -> memref<12288xi32, #tpu.memory_space<hbm>>
        %dma_start3A_42 = tpu.memref_slice %arg3[%mul3A_41] : memref<321536xi32, #tpu.memory_space<hbm>> -> memref<12288xi32, #tpu.memory_space<hbm>>
        tpu.enqueue_dma source(%dma_start3A_42 : memref<12288xi32, #tpu.memory_space<hbm>>) target(%arg5 : memref<12288xi32, #tpu.memory_space<vmem>>) target_semaphore(%run_scoped3A : memref<!tpu.dma_semaphore, #tpu.memory_space<semaphore_mem>>)
        %dma_wait3A = tpu.memref_slice %arg3[%mul3A_41] : memref<321536xi32, #tpu.memory_space<hbm>> -> memref<12288xi32, #tpu.memory_space<hbm>>
        %dma_wait3A_43 = tpu.memref_slice %arg3[%mul3A_41] : memref<321536xi32, #tpu.memory_space<hbm>> -> memref<12288xi32, #tpu.memory_space<hbm>>
        tpu.wait_dma2 semaphore(%run_scoped3A : memref<!tpu.dma_semaphore, #tpu.memory_space<semaphore_mem>>) src(%dma_wait3A_43 : memref<12288xi32, #tpu.memory_space<hbm>>) dst(%arg5 : memref<12288xi32, #tpu.memory_space<vmem>>)
        tpu.yield
      }) : () -> ()
    } else {
    }
    %eq3A_18 = arith.constant 1 : i32
    %eq3A_19 = arith.cmpi eq, %arg0, %eq3A_18 : i32
    %convert_element_type3A_20 = arith.extui %eq3A_19 : i1 to i32
    %cond3A_21 = arith.constant 0 : i32
    %cond3A_22 = arith.cmpi ne, %convert_element_type3A_20, %cond3A_21 : i32
    scf.if %cond3A_22 {
      %mul3A_38 = arith.constant 61 : i32
      %mul3A_39 = arith.muli %arg1, %mul3A_38 : i32
      %add3A = arith.constant 1536 : i32
      %add3A_40 = arith.addi %add3A, %mul3A_39 : i32
      %mul3A_41 = arith.constant 128 : i32
      %mul3A_42 = arith.muli %add3A_40, %mul3A_41 : i32
      "tpu.region"() ({
        %run_scoped3A = tpu.sem_alloc : memref<!tpu.dma_semaphore, #tpu.memory_space<semaphore_mem>>
        %dma_start3A = arith.constant 0 : i32
        %dma_start3A_43 = tpu.memref_slice %arg5[%dma_start3A] : memref<12288xi32, #tpu.memory_space<vmem>> -> memref<7808xi32, #tpu.memory_space<vmem>>
        %dma_start3A_44 = tpu.memref_slice %arg3[%mul3A_42] : memref<321536xi32, #tpu.memory_space<hbm>> -> memref<7808xi32, #tpu.memory_space<hbm>>
        %dma_start3A_45 = arith.constant 0 : i32
        %dma_start3A_46 = tpu.memref_slice %arg5[%dma_start3A_45] : memref<12288xi32, #tpu.memory_space<vmem>> -> memref<7808xi32, #tpu.memory_space<vmem>>
        %dma_start3A_47 = tpu.memref_slice %arg3[%mul3A_42] : memref<321536xi32, #tpu.memory_space<hbm>> -> memref<7808xi32, #tpu.memory_space<hbm>>
        tpu.enqueue_dma source(%dma_start3A_47 : memref<7808xi32, #tpu.memory_space<hbm>>) target(%dma_start3A_46 : memref<7808xi32, #tpu.memory_space<vmem>>) target_semaphore(%run_scoped3A : memref<!tpu.dma_semaphore, #tpu.memory_space<semaphore_mem>>)
        %dma_wait3A = arith.constant 0 : i32
        %dma_wait3A_48 = tpu.memref_slice %arg5[%dma_wait3A] : memref<12288xi32, #tpu.memory_space<vmem>> -> memref<7808xi32, #tpu.memory_space<vmem>>
        %dma_wait3A_49 = tpu.memref_slice %arg3[%mul3A_42] : memref<321536xi32, #tpu.memory_space<hbm>> -> memref<7808xi32, #tpu.memory_space<hbm>>
        %dma_wait3A_50 = arith.constant 0 : i32
        %dma_wait3A_51 = tpu.memref_slice %arg5[%dma_wait3A_50] : memref<12288xi32, #tpu.memory_space<vmem>> -> memref<7808xi32, #tpu.memory_space<vmem>>
        %dma_wait3A_52 = tpu.memref_slice %arg3[%mul3A_42] : memref<321536xi32, #tpu.memory_space<hbm>> -> memref<7808xi32, #tpu.memory_space<hbm>>
        tpu.wait_dma2 semaphore(%run_scoped3A : memref<!tpu.dma_semaphore, #tpu.memory_space<semaphore_mem>>) src(%dma_wait3A_52 : memref<7808xi32, #tpu.memory_space<hbm>>) dst(%dma_wait3A_51 : memref<7808xi32, #tpu.memory_space<vmem>>)
        tpu.yield
      }) : () -> ()
    } else {
    }
    %barrier3A = arith.constant 0 : index
    tpu.barrier barrier_id(%barrier3A)
    %while3A = arith.constant 0 : i32
    %while3A_23 = arith.constant 0 : i32
    %while3A_24 = arith.subi %select_n3A, %while3A : i32
    %while3A_25 = arith.addi %while3A, %while3A_24 : i32
    %while3A_26 = arith.constant 1 : i32
    %while3A_27 = arith.divsi %while3A_24, %while3A_26 : i32
    %while3A_28 = arith.muli %while3A_27, %while3A_26 : i32
    %while3A_29 = arith.addi %while3A, %while3A_28 : i32
    %while3A_30 = arith.constant 1 : i32
    %while3A_31 = scf.for %while3A_38 = %while3A to %while3A_29 step %while3A_30 iter_args(%while3A_39 = %while3A_23) -> (i32)  : i32 {
      %mul3A_40 = arith.constant 128 : i32
      %mul3A_41 = arith.muli %while3A_38, %mul3A_40 : i32
      %multiple_of3A = tpu.assume_multiple %mul3A_41, 128 : i32
      %add3A = arith.constant 0 : i32
      %add3A_42 = arith.addi %multiple_of3A, %add3A : i32
      %get3A = arith.index_cast %add3A_42 : i32 to index
      %get3A_43 = tpu.vector_load %arg5[%get3A] {strides = array<i32>} : memref<12288xi32, #tpu.memory_space<vmem>>, vector<16xi32>,
      %get3A_44 = vector.shape_cast %get3A_43 : vector<16xi32> to vector<16xi32>
      %shift_right_arithmetic3A = arith.constant 14 : i32
      %shift_right_arithmetic3A_45 = vector.broadcast %shift_right_arithmetic3A : i32 to vector<16xi32>
      %shift_right_arithmetic3A_46 = arith.shrsi %get3A_44, %shift_right_arithmetic3A_45 : vector<16xi32>
      %swap3A = arith.constant 0 : i32
      %swap3A_47 = arith.index_cast %swap3A : i32 to index
      %swap3A_48 = arith.constant 0 : index
      %swap3A_49 = tpu.vector_load %arg6[%swap3A_47, %swap3A_48] {strides = array<i32>} : memref<1x128xi32, #tpu.memory_space<vmem>>, vector<1x16xi32>,
      %swap3A_50 = vector.shape_cast %swap3A_49 : vector<1x16xi32> to vector<16xi32>
      %swap3A_51 = vector.shape_cast %shift_right_arithmetic3A_46 : vector<16xi32> to vector<1x16xi32>
      tpu.vector_store %arg6[%swap3A_47, %swap3A_48], %swap3A_51 {strides = array<i32>} : memref<1x128xi32, #tpu.memory_space<vmem>>, vector<1x16xi32>,
      %and3A = arith.constant 16383 : i32
      %and3A_52 = vector.broadcast %and3A : i32 to vector<16xi32>
      %and3A_53 = arith.andi %get3A_44, %and3A_52 : vector<16xi32>
      %swap3A_54 = arith.constant 0 : i32
      %swap3A_55 = arith.index_cast %swap3A_54 : i32 to index
      %swap3A_56 = arith.constant 0 : index
      %swap3A_57 = tpu.vector_load %arg7[%swap3A_55, %swap3A_56] {strides = array<i32>} : memref<1x128xi32, #tpu.memory_space<vmem>>, vector<1x16xi32>,
      %swap3A_58 = vector.shape_cast %swap3A_57 : vector<1x16xi32> to vector<16xi32>
      %swap3A_59 = vector.shape_cast %and3A_53 : vector<16xi32> to vector<1x16xi32>
      tpu.vector_store %arg7[%swap3A_55, %swap3A_56], %swap3A_59 {strides = array<i32>} : memref<1x128xi32, #tpu.memory_space<vmem>>, vector<1x16xi32>,
      %add3A_60 = arith.constant 16 : i32
      %add3A_61 = arith.addi %multiple_of3A, %add3A_60 : i32
      %get3A_62 = arith.index_cast %add3A_61 : i32 to index
      %get3A_63 = tpu.vector_load %arg5[%get3A_62] {strides = array<i32>} : memref<12288xi32, #tpu.memory_space<vmem>>, vector<16xi32>,
      %get3A_64 = vector.shape_cast %get3A_63 : vector<16xi32> to vector<16xi32>
      %shift_right_arithmetic3A_65 = arith.constant 14 : i32
      %shift_right_arithmetic3A_66 = vector.broadcast %shift_right_arithmetic3A_65 : i32 to vector<16xi32>
      %shift_right_arithmetic3A_67 = arith.shrsi %get3A_64, %shift_right_arithmetic3A_66 : vector<16xi32>
      %swap3A_68 = arith.constant 0 : i32
      %swap3A_69 = arith.index_cast %swap3A_68 : i32 to index
      %swap3A_70 = arith.constant 16 : index
      %swap3A_71 = tpu.vector_load %arg6[%swap3A_69, %swap3A_70] {strides = array<i32>} : memref<1x128xi32, #tpu.memory_space<vmem>>, vector<1x16xi32>,
      %swap3A_72 = vector.shape_cast %swap3A_71 : vector<1x16xi32> to vector<16xi32>
      %swap3A_73 = vector.shape_cast %shift_right_arithmetic3A_67 : vector<16xi32> to vector<1x16xi32>
      tpu.vector_store %arg6[%swap3A_69, %swap3A_70], %swap3A_73 {strides = array<i32>} : memref<1x128xi32, #tpu.memory_space<vmem>>, vector<1x16xi32>,
      %and3A_74 = arith.constant 16383 : i32
      %and3A_75 = vector.broadcast %and3A_74 : i32 to vector<16xi32>
      %and3A_76 = arith.andi %get3A_64, %and3A_75 : vector<16xi32>
      %swap3A_77 = arith.constant 0 : i32
      %swap3A_78 = arith.index_cast %swap3A_77 : i32 to index
      %swap3A_79 = arith.constant 16 : index
      %swap3A_80 = tpu.vector_load %arg7[%swap3A_78, %swap3A_79] {strides = array<i32>} : memref<1x128xi32, #tpu.memory_space<vmem>>, vector<1x16xi32>,
      %swap3A_81 = vector.shape_cast %swap3A_80 : vector<1x16xi32> to vector<16xi32>
      %swap3A_82 = vector.shape_cast %and3A_76 : vector<16xi32> to vector<1x16xi32>
      tpu.vector_store %arg7[%swap3A_78, %swap3A_79], %swap3A_82 {strides = array<i32>} : memref<1x128xi32, #tpu.memory_space<vmem>>, vector<1x16xi32>,
      %add3A_83 = arith.constant 32 : i32
      %add3A_84 = arith.addi %multiple_of3A, %add3A_83 : i32
      %get3A_85 = arith.index_cast %add3A_84 : i32 to index
      %get3A_86 = tpu.vector_load %arg5[%get3A_85] {strides = array<i32>} : memref<12288xi32, #tpu.memory_space<vmem>>, vector<16xi32>,
      %get3A_87 = vector.shape_cast %get3A_86 : vector<16xi32> to vector<16xi32>
      %shift_right_arithmetic3A_88 = arith.constant 14 : i32
      %shift_right_arithmetic3A_89 = vector.broadcast %shift_right_arithmetic3A_88 : i32 to vector<16xi32>
      %shift_right_arithmetic3A_90 = arith.shrsi %get3A_87, %shift_right_arithmetic3A_89 : vector<16xi32>
      %swap3A_91 = arith.constant 0 : i32
      %swap3A_92 = arith.index_cast %swap3A_91 : i32 to index
      %swap3A_93 = arith.constant 32 : index
      %swap3A_94 = tpu.vector_load %arg6[%swap3A_92, %swap3A_93] {strides = array<i32>} : memref<1x128xi32, #tpu.memory_space<vmem>>, vector<1x16xi32>,
      %swap3A_95 = vector.shape_cast %swap3A_94 : vector<1x16xi32> to vector<16xi32>
      %swap3A_96 = vector.shape_cast %shift_right_arithmetic3A_90 : vector<16xi32> to vector<1x16xi32>
      tpu.vector_store %arg6[%swap3A_92, %swap3A_93], %swap3A_96 {strides = array<i32>} : memref<1x128xi32, #tpu.memory_space<vmem>>, vector<1x16xi32>,
      %and3A_97 = arith.constant 16383 : i32
      %and3A_98 = vector.broadcast %and3A_97 : i32 to vector<16xi32>
      %and3A_99 = arith.andi %get3A_87, %and3A_98 : vector<16xi32>
      %swap3A_100 = arith.constant 0 : i32
      %swap3A_101 = arith.index_cast %swap3A_100 : i32 to index
      %swap3A_102 = arith.constant 32 : index
      %swap3A_103 = tpu.vector_load %arg7[%swap3A_101, %swap3A_102] {strides = array<i32>} : memref<1x128xi32, #tpu.memory_space<vmem>>, vector<1x16xi32>,
      %swap3A_104 = vector.shape_cast %swap3A_103 : vector<1x16xi32> to vector<16xi32>
      %swap3A_105 = vector.shape_cast %and3A_99 : vector<16xi32> to vector<1x16xi32>
      tpu.vector_store %arg7[%swap3A_101, %swap3A_102], %swap3A_105 {strides = array<i32>} : memref<1x128xi32, #tpu.memory_space<vmem>>, vector<1x16xi32>,
      %add3A_106 = arith.constant 48 : i32
      %add3A_107 = arith.addi %multiple_of3A, %add3A_106 : i32
      %get3A_108 = arith.index_cast %add3A_107 : i32 to index
      %get3A_109 = tpu.vector_load %arg5[%get3A_108] {strides = array<i32>} : memref<12288xi32, #tpu.memory_space<vmem>>, vector<16xi32>,
      %get3A_110 = vector.shape_cast %get3A_109 : vector<16xi32> to vector<16xi32>
      %shift_right_arithmetic3A_111 = arith.constant 14 : i32
      %shift_right_arithmetic3A_112 = vector.broadcast %shift_right_arithmetic3A_111 : i32 to vector<16xi32>
      %shift_right_arithmetic3A_113 = arith.shrsi %get3A_110, %shift_right_arithmetic3A_112 : vector<16xi32>
      %swap3A_114 = arith.constant 0 : i32
      %swap3A_115 = arith.index_cast %swap3A_114 : i32 to index
      %swap3A_116 = arith.constant 48 : index
      %swap3A_117 = tpu.vector_load %arg6[%swap3A_115, %swap3A_116] {strides = array<i32>} : memref<1x128xi32, #tpu.memory_space<vmem>>, vector<1x16xi32>,
      %swap3A_118 = vector.shape_cast %swap3A_117 : vector<1x16xi32> to vector<16xi32>
      %swap3A_119 = vector.shape_cast %shift_right_arithmetic3A_113 : vector<16xi32> to vector<1x16xi32>
      tpu.vector_store %arg6[%swap3A_115, %swap3A_116], %swap3A_119 {strides = array<i32>} : memref<1x128xi32, #tpu.memory_space<vmem>>, vector<1x16xi32>,
      %and3A_120 = arith.constant 16383 : i32
      %and3A_121 = vector.broadcast %and3A_120 : i32 to vector<16xi32>
      %and3A_122 = arith.andi %get3A_110, %and3A_121 : vector<16xi32>
      %swap3A_123 = arith.constant 0 : i32
      %swap3A_124 = arith.index_cast %swap3A_123 : i32 to index
      %swap3A_125 = arith.constant 48 : index
      %swap3A_126 = tpu.vector_load %arg7[%swap3A_124, %swap3A_125] {strides = array<i32>} : memref<1x128xi32, #tpu.memory_space<vmem>>, vector<1x16xi32>,
      %swap3A_127 = vector.shape_cast %swap3A_126 : vector<1x16xi32> to vector<16xi32>
      %swap3A_128 = vector.shape_cast %and3A_122 : vector<16xi32> to vector<1x16xi32>
      tpu.vector_store %arg7[%swap3A_124, %swap3A_125], %swap3A_128 {strides = array<i32>} : memref<1x128xi32, #tpu.memory_space<vmem>>, vector<1x16xi32>,
      %add3A_129 = arith.constant 64 : i32
      %add3A_130 = arith.addi %multiple_of3A, %add3A_129 : i32
      %get3A_131 = arith.index_cast %add3A_130 : i32 to index
      %get3A_132 = tpu.vector_load %arg5[%get3A_131] {strides = array<i32>} : memref<12288xi32, #tpu.memory_space<vmem>>, vector<16xi32>,
      %get3A_133 = vector.shape_cast %get3A_132 : vector<16xi32> to vector<16xi32>
      %shift_right_arithmetic3A_134 = arith.constant 14 : i32
      %shift_right_arithmetic3A_135 = vector.broadcast %shift_right_arithmetic3A_134 : i32 to vector<16xi32>
      %shift_right_arithmetic3A_136 = arith.shrsi %get3A_133, %shift_right_arithmetic3A_135 : vector<16xi32>
      %swap3A_137 = arith.constant 0 : i32
      %swap3A_138 = arith.index_cast %swap3A_137 : i32 to index
      %swap3A_139 = arith.constant 64 : index
      %swap3A_140 = tpu.vector_load %arg6[%swap3A_138, %swap3A_139] {strides = array<i32>} : memref<1x128xi32, #tpu.memory_space<vmem>>, vector<1x16xi32>,
      %swap3A_141 = vector.shape_cast %swap3A_140 : vector<1x16xi32> to vector<16xi32>
      %swap3A_142 = vector.shape_cast %shift_right_arithmetic3A_136 : vector<16xi32> to vector<1x16xi32>
      tpu.vector_store %arg6[%swap3A_138, %swap3A_139], %swap3A_142 {strides = array<i32>} : memref<1x128xi32, #tpu.memory_space<vmem>>, vector<1x16xi32>,
      %and3A_143 = arith.constant 16383 : i32
      %and3A_144 = vector.broadcast %and3A_143 : i32 to vector<16xi32>
      %and3A_145 = arith.andi %get3A_133, %and3A_144 : vector<16xi32>
      %swap3A_146 = arith.constant 0 : i32
      %swap3A_147 = arith.index_cast %swap3A_146 : i32 to index
      %swap3A_148 = arith.constant 64 : index
      %swap3A_149 = tpu.vector_load %arg7[%swap3A_147, %swap3A_148] {strides = array<i32>} : memref<1x128xi32, #tpu.memory_space<vmem>>, vector<1x16xi32>,
      %swap3A_150 = vector.shape_cast %swap3A_149 : vector<1x16xi32> to vector<16xi32>
      %swap3A_151 = vector.shape_cast %and3A_145 : vector<16xi32> to vector<1x16xi32>
      tpu.vector_store %arg7[%swap3A_147, %swap3A_148], %swap3A_151 {strides = array<i32>} : memref<1x128xi32, #tpu.memory_space<vmem>>, vector<1x16xi32>,
      %add3A_152 = arith.constant 80 : i32
      %add3A_153 = arith.addi %multiple_of3A, %add3A_152 : i32
      %get3A_154 = arith.index_cast %add3A_153 : i32 to index
      %get3A_155 = tpu.vector_load %arg5[%get3A_154] {strides = array<i32>} : memref<12288xi32, #tpu.memory_space<vmem>>, vector<16xi32>,
      %get3A_156 = vector.shape_cast %get3A_155 : vector<16xi32> to vector<16xi32>
      %shift_right_arithmetic3A_157 = arith.constant 14 : i32
      %shift_right_arithmetic3A_158 = vector.broadcast %shift_right_arithmetic3A_157 : i32 to vector<16xi32>
      %shift_right_arithmetic3A_159 = arith.shrsi %get3A_156, %shift_right_arithmetic3A_158 : vector<16xi32>
      %swap3A_160 = arith.constant 0 : i32
      %swap3A_161 = arith.index_cast %swap3A_160 : i32 to index
      %swap3A_162 = arith.constant 80 : index
      %swap3A_163 = tpu.vector_load %arg6[%swap3A_161, %swap3A_162] {strides = array<i32>} : memref<1x128xi32, #tpu.memory_space<vmem>>, vector<1x16xi32>,
      %swap3A_164 = vector.shape_cast %swap3A_163 : vector<1x16xi32> to vector<16xi32>
      %swap3A_165 = vector.shape_cast %shift_right_arithmetic3A_159 : vector<16xi32> to vector<1x16xi32>
      tpu.vector_store %arg6[%swap3A_161, %swap3A_162], %swap3A_165 {strides = array<i32>} : memref<1x128xi32, #tpu.memory_space<vmem>>, vector<1x16xi32>,
      %and3A_166 = arith.constant 16383 : i32
      %and3A_167 = vector.broadcast %and3A_166 : i32 to vector<16xi32>
      %and3A_168 = arith.andi %get3A_156, %and3A_167 : vector<16xi32>
      %swap3A_169 = arith.constant 0 : i32
      %swap3A_170 = arith.index_cast %swap3A_169 : i32 to index
      %swap3A_171 = arith.constant 80 : index
      %swap3A_172 = tpu.vector_load %arg7[%swap3A_170, %swap3A_171] {strides = array<i32>} : memref<1x128xi32, #tpu.memory_space<vmem>>, vector<1x16xi32>,
      %swap3A_173 = vector.shape_cast %swap3A_172 : vector<1x16xi32> to vector<16xi32>
      %swap3A_174 = vector.shape_cast %and3A_168 : vector<16xi32> to vector<1x16xi32>
      tpu.vector_store %arg7[%swap3A_170, %swap3A_171], %swap3A_174 {strides = array<i32>} : memref<1x128xi32, #tpu.memory_space<vmem>>, vector<1x16xi32>,
      %add3A_175 = arith.constant 96 : i32
      %add3A_176 = arith.addi %multiple_of3A, %add3A_175 : i32
      %get3A_177 = arith.index_cast %add3A_176 : i32 to index
      %get3A_178 = tpu.vector_load %arg5[%get3A_177] {strides = array<i32>} : memref<12288xi32, #tpu.memory_space<vmem>>, vector<16xi32>,
      %get3A_179 = vector.shape_cast %get3A_178 : vector<16xi32> to vector<16xi32>
      %shift_right_arithmetic3A_180 = arith.constant 14 : i32
      %shift_right_arithmetic3A_181 = vector.broadcast %shift_right_arithmetic3A_180 : i32 to vector<16xi32>
      %shift_right_arithmetic3A_182 = arith.shrsi %get3A_179, %shift_right_arithmetic3A_181 : vector<16xi32>
      %swap3A_183 = arith.constant 0 : i32
      %swap3A_184 = arith.index_cast %swap3A_183 : i32 to index
      %swap3A_185 = arith.constant 96 : index
      %swap3A_186 = tpu.vector_load %arg6[%swap3A_184, %swap3A_185] {strides = array<i32>} : memref<1x128xi32, #tpu.memory_space<vmem>>, vector<1x16xi32>,
      %swap3A_187 = vector.shape_cast %swap3A_186 : vector<1x16xi32> to vector<16xi32>
      %swap3A_188 = vector.shape_cast %shift_right_arithmetic3A_182 : vector<16xi32> to vector<1x16xi32>
      tpu.vector_store %arg6[%swap3A_184, %swap3A_185], %swap3A_188 {strides = array<i32>} : memref<1x128xi32, #tpu.memory_space<vmem>>, vector<1x16xi32>,
      %and3A_189 = arith.constant 16383 : i32
      %and3A_190 = vector.broadcast %and3A_189 : i32 to vector<16xi32>
      %and3A_191 = arith.andi %get3A_179, %and3A_190 : vector<16xi32>
      %swap3A_192 = arith.constant 0 : i32
      %swap3A_193 = arith.index_cast %swap3A_192 : i32 to index
      %swap3A_194 = arith.constant 96 : index
      %swap3A_195 = tpu.vector_load %arg7[%swap3A_193, %swap3A_194] {strides = array<i32>} : memref<1x128xi32, #tpu.memory_space<vmem>>, vector<1x16xi32>,
      %swap3A_196 = vector.shape_cast %swap3A_195 : vector<1x16xi32> to vector<16xi32>
      %swap3A_197 = vector.shape_cast %and3A_191 : vector<16xi32> to vector<1x16xi32>
      tpu.vector_store %arg7[%swap3A_193, %swap3A_194], %swap3A_197 {strides = array<i32>} : memref<1x128xi32, #tpu.memory_space<vmem>>, vector<1x16xi32>,
      %add3A_198 = arith.constant 112 : i32
      %add3A_199 = arith.addi %multiple_of3A, %add3A_198 : i32
      %get3A_200 = arith.index_cast %add3A_199 : i32 to index
      %get3A_201 = tpu.vector_load %arg5[%get3A_200] {strides = array<i32>} : memref<12288xi32, #tpu.memory_space<vmem>>, vector<16xi32>,
      %get3A_202 = vector.shape_cast %get3A_201 : vector<16xi32> to vector<16xi32>
      %shift_right_arithmetic3A_203 = arith.constant 14 : i32
      %shift_right_arithmetic3A_204 = vector.broadcast %shift_right_arithmetic3A_203 : i32 to vector<16xi32>
      %shift_right_arithmetic3A_205 = arith.shrsi %get3A_202, %shift_right_arithmetic3A_204 : vector<16xi32>
      %swap3A_206 = arith.constant 0 : i32
      %swap3A_207 = arith.index_cast %swap3A_206 : i32 to index
      %swap3A_208 = arith.constant 112 : index
      %swap3A_209 = tpu.vector_load %arg6[%swap3A_207, %swap3A_208] {strides = array<i32>} : memref<1x128xi32, #tpu.memory_space<vmem>>, vector<1x16xi32>,
      %swap3A_210 = vector.shape_cast %swap3A_209 : vector<1x16xi32> to vector<16xi32>
      %swap3A_211 = vector.shape_cast %shift_right_arithmetic3A_205 : vector<16xi32> to vector<1x16xi32>
      tpu.vector_store %arg6[%swap3A_207, %swap3A_208], %swap3A_211 {strides = array<i32>} : memref<1x128xi32, #tpu.memory_space<vmem>>, vector<1x16xi32>,
      %and3A_212 = arith.constant 16383 : i32
      %and3A_213 = vector.broadcast %and3A_212 : i32 to vector<16xi32>
      %and3A_214 = arith.andi %get3A_202, %and3A_213 : vector<16xi32>
      %swap3A_215 = arith.constant 0 : i32
      %swap3A_216 = arith.index_cast %swap3A_215 : i32 to index
      %swap3A_217 = arith.constant 112 : index
      %swap3A_218 = tpu.vector_load %arg7[%swap3A_216, %swap3A_217] {strides = array<i32>} : memref<1x128xi32, #tpu.memory_space<vmem>>, vector<1x16xi32>,
      %swap3A_219 = vector.shape_cast %swap3A_218 : vector<1x16xi32> to vector<16xi32>
      %swap3A_220 = vector.shape_cast %and3A_214 : vector<16xi32> to vector<1x16xi32>
      tpu.vector_store %arg7[%swap3A_216, %swap3A_217], %swap3A_220 {strides = array<i32>} : memref<1x128xi32, #tpu.memory_space<vmem>>, vector<1x16xi32>,
      %dma_start3A = arith.constant 0 : i32
      %dma_start3A_221 = arith.constant 0 : i32
      %dma_start3A_222 = tpu.memref_slice %arg6[%dma_start3A, %dma_start3A_221] : memref<1x128xi32, #tpu.memory_space<vmem>> -> memref<1x128xi32, #tpu.memory_space<vmem>>
      %dma_start3A_223 = tpu.memref_squeeze %dma_start3A_222 : memref<1x128xi32, #tpu.memory_space<vmem>> -> memref<128xi32, #tpu.memory_space<vmem>>
      %dma_start3A_224 = arith.constant 0 : i32
      %dma_start3A_225 = arith.constant 0 : i32
      %dma_start3A_226 = tpu.memref_slice %arg2[%dma_start3A_224, %dma_start3A_225] : memref<10240x128xf32, #tpu.memory_space<hbm>> -> memref<10240x128xf32, #tpu.memory_space<hbm>>
      tpu.enqueue_indirect_dma source(%dma_start3A_226 : memref<10240x128xf32, #tpu.memory_space<hbm>>) target(%arg8 : memref<128x128xf32, #tpu.memory_space<vmem>>) offsets(%dma_start3A_223 : memref<128xi32, #tpu.memory_space<vmem>>) semaphore(%arg11 : memref<!tpu.dma_semaphore, #tpu.memory_space<semaphore_mem>>)
      %dma_wait3A = arith.constant 0 : i32
      %dma_wait3A_227 = arith.constant 0 : i32
      %dma_wait3A_228 = tpu.memref_slice %arg6[%dma_wait3A, %dma_wait3A_227] : memref<1x128xi32, #tpu.memory_space<vmem>> -> memref<1x128xi32, #tpu.memory_space<vmem>>
      %dma_wait3A_229 = tpu.memref_squeeze %dma_wait3A_228 : memref<1x128xi32, #tpu.memory_space<vmem>> -> memref<128xi32, #tpu.memory_space<vmem>>
      %dma_wait3A_230 = arith.constant 0 : i32
      %dma_wait3A_231 = arith.constant 0 : i32
      %dma_wait3A_232 = tpu.memref_slice %arg2[%dma_wait3A_230, %dma_wait3A_231] : memref<10240x128xf32, #tpu.memory_space<hbm>> -> memref<10240x128xf32, #tpu.memory_space<hbm>>
      tpu.wait_indirect_dma semaphore(%arg11 : memref<!tpu.dma_semaphore, #tpu.memory_space<semaphore_mem>>) src(%dma_wait3A_232 : memref<10240x128xf32, #tpu.memory_space<hbm>>) dst(%arg8 : memref<128x128xf32, #tpu.memory_space<vmem>>)
      %run_scoped3A = arith.constant 0 : i32
      "tpu.region"() ({
        %run_scoped3A_234 = tpu.sem_alloc : memref<!tpu.dma_semaphore, #tpu.memory_space<semaphore_mem>>
        %dma_start3A_235 = arith.constant 0 : i32
        %dma_start3A_236 = tpu.memref_slice %arg7[%run_scoped3A, %dma_start3A_235] : memref<1x128xi32, #tpu.memory_space<vmem>> -> memref<1x128xi32, #tpu.memory_space<vmem>>
        %dma_start3A_237 = tpu.memref_squeeze %dma_start3A_236 : memref<1x128xi32, #tpu.memory_space<vmem>> -> memref<128xi32, #tpu.memory_space<vmem>>
        %dma_start3A_238 = arith.constant 0 : i32
        %dma_start3A_239 = arith.constant 0 : i32
        %dma_start3A_240 = tpu.memref_slice %arg10[%dma_start3A_238, %dma_start3A_239] : memref<10368x128xf32, #tpu.memory_space<vmem_shared>> -> memref<10368x128xf32, #tpu.memory_space<vmem_shared>>
        tpu.enqueue_indirect_dma source(%arg8 : memref<128x128xf32, #tpu.memory_space<vmem>>) target(%dma_start3A_240 : memref<10368x128xf32, #tpu.memory_space<vmem_shared>>) offsets(%dma_start3A_237 : memref<128xi32, #tpu.memory_space<vmem>>) semaphore(%run_scoped3A_234 : memref<!tpu.dma_semaphore, #tpu.memory_space<semaphore_mem>>) {add = true}
        %dma_wait3A_241 = arith.constant 0 : i32
        %dma_wait3A_242 = tpu.memref_slice %arg7[%run_scoped3A, %dma_wait3A_241] : memref<1x128xi32, #tpu.memory_space<vmem>> -> memref<1x128xi32, #tpu.memory_space<vmem>>
        %dma_wait3A_243 = tpu.memref_squeeze %dma_wait3A_242 : memref<1x128xi32, #tpu.memory_space<vmem>> -> memref<128xi32, #tpu.memory_space<vmem>>
        %dma_wait3A_244 = arith.constant 0 : i32
        %dma_wait3A_245 = arith.constant 0 : i32
        %dma_wait3A_246 = tpu.memref_slice %arg10[%dma_wait3A_244, %dma_wait3A_245] : memref<10368x128xf32, #tpu.memory_space<vmem_shared>> -> memref<10368x128xf32, #tpu.memory_space<vmem_shared>>
        tpu.wait_indirect_dma semaphore(%run_scoped3A_234 : memref<!tpu.dma_semaphore, #tpu.memory_space<semaphore_mem>>) src(%arg8 : memref<128x128xf32, #tpu.memory_space<vmem>>) dst(%dma_wait3A_246 : memref<10368x128xf32, #tpu.memory_space<vmem_shared>>)
        tpu.yield
      }) : () -> ()
      %while3A_233 = arith.constant 0 : i32
      scf.yield %while3A_233 : i32
    }
    %while3A_32 = arith.constant 1 : i32
    %while3A_33 = scf.for %while3A_38 = %while3A_29 to %while3A_25 step %while3A_32 iter_args(%while3A_39 = %while3A_31) -> (i32)  : i32 {
      %mul3A_40 = arith.constant 128 : i32
      %mul3A_41 = arith.muli %while3A_38, %mul3A_40 : i32
      %multiple_of3A = tpu.assume_multiple %mul3A_41, 128 : i32
      %add3A = arith.constant 0 : i32
      %add3A_42 = arith.addi %multiple_of3A, %add3A : i32
      %get3A = arith.index_cast %add3A_42 : i32 to index
      %get3A_43 = tpu.vector_load %arg5[%get3A] {strides = array<i32>} : memref<12288xi32, #tpu.memory_space<vmem>>, vector<16xi32>,
      %get3A_44 = vector.shape_cast %get3A_43 : vector<16xi32> to vector<16xi32>
      %shift_right_arithmetic3A = arith.constant 14 : i32
      %shift_right_arithmetic3A_45 = vector.broadcast %shift_right_arithmetic3A : i32 to vector<16xi32>
      %shift_right_arithmetic3A_46 = arith.shrsi %get3A_44, %shift_right_arithmetic3A_45 : vector<16xi32>
      %swap3A = arith.constant 0 : i32
      %swap3A_47 = arith.index_cast %swap3A : i32 to index
      %swap3A_48 = arith.constant 0 : index
      %swap3A_49 = tpu.vector_load %arg6[%swap3A_47, %swap3A_48] {strides = array<i32>} : memref<1x128xi32, #tpu.memory_space<vmem>>, vector<1x16xi32>,
      %swap3A_50 = vector.shape_cast %swap3A_49 : vector<1x16xi32> to vector<16xi32>
      %swap3A_51 = vector.shape_cast %shift_right_arithmetic3A_46 : vector<16xi32> to vector<1x16xi32>
      tpu.vector_store %arg6[%swap3A_47, %swap3A_48], %swap3A_51 {strides = array<i32>} : memref<1x128xi32, #tpu.memory_space<vmem>>, vector<1x16xi32>,
      %and3A = arith.constant 16383 : i32
      %and3A_52 = vector.broadcast %and3A : i32 to vector<16xi32>
      %and3A_53 = arith.andi %get3A_44, %and3A_52 : vector<16xi32>
      %swap3A_54 = arith.constant 0 : i32
      %swap3A_55 = arith.index_cast %swap3A_54 : i32 to index
      %swap3A_56 = arith.constant 0 : index
      %swap3A_57 = tpu.vector_load %arg7[%swap3A_55, %swap3A_56] {strides = array<i32>} : memref<1x128xi32, #tpu.memory_space<vmem>>, vector<1x16xi32>,
      %swap3A_58 = vector.shape_cast %swap3A_57 : vector<1x16xi32> to vector<16xi32>
      %swap3A_59 = vector.shape_cast %and3A_53 : vector<16xi32> to vector<1x16xi32>
      tpu.vector_store %arg7[%swap3A_55, %swap3A_56], %swap3A_59 {strides = array<i32>} : memref<1x128xi32, #tpu.memory_space<vmem>>, vector<1x16xi32>,
      %add3A_60 = arith.constant 16 : i32
      %add3A_61 = arith.addi %multiple_of3A, %add3A_60 : i32
      %get3A_62 = arith.index_cast %add3A_61 : i32 to index
      %get3A_63 = tpu.vector_load %arg5[%get3A_62] {strides = array<i32>} : memref<12288xi32, #tpu.memory_space<vmem>>, vector<16xi32>,
      %get3A_64 = vector.shape_cast %get3A_63 : vector<16xi32> to vector<16xi32>
      %shift_right_arithmetic3A_65 = arith.constant 14 : i32
      %shift_right_arithmetic3A_66 = vector.broadcast %shift_right_arithmetic3A_65 : i32 to vector<16xi32>
      %shift_right_arithmetic3A_67 = arith.shrsi %get3A_64, %shift_right_arithmetic3A_66 : vector<16xi32>
      %swap3A_68 = arith.constant 0 : i32
      %swap3A_69 = arith.index_cast %swap3A_68 : i32 to index
      %swap3A_70 = arith.constant 16 : index
      %swap3A_71 = tpu.vector_load %arg6[%swap3A_69, %swap3A_70] {strides = array<i32>} : memref<1x128xi32, #tpu.memory_space<vmem>>, vector<1x16xi32>,
      %swap3A_72 = vector.shape_cast %swap3A_71 : vector<1x16xi32> to vector<16xi32>
      %swap3A_73 = vector.shape_cast %shift_right_arithmetic3A_67 : vector<16xi32> to vector<1x16xi32>
      tpu.vector_store %arg6[%swap3A_69, %swap3A_70], %swap3A_73 {strides = array<i32>} : memref<1x128xi32, #tpu.memory_space<vmem>>, vector<1x16xi32>,
      %and3A_74 = arith.constant 16383 : i32
      %and3A_75 = vector.broadcast %and3A_74 : i32 to vector<16xi32>
      %and3A_76 = arith.andi %get3A_64, %and3A_75 : vector<16xi32>
      %swap3A_77 = arith.constant 0 : i32
      %swap3A_78 = arith.index_cast %swap3A_77 : i32 to index
      %swap3A_79 = arith.constant 16 : index
      %swap3A_80 = tpu.vector_load %arg7[%swap3A_78, %swap3A_79] {strides = array<i32>} : memref<1x128xi32, #tpu.memory_space<vmem>>, vector<1x16xi32>,
      %swap3A_81 = vector.shape_cast %swap3A_80 : vector<1x16xi32> to vector<16xi32>
      %swap3A_82 = vector.shape_cast %and3A_76 : vector<16xi32> to vector<1x16xi32>
      tpu.vector_store %arg7[%swap3A_78, %swap3A_79], %swap3A_82 {strides = array<i32>} : memref<1x128xi32, #tpu.memory_space<vmem>>, vector<1x16xi32>,
      %add3A_83 = arith.constant 32 : i32
      %add3A_84 = arith.addi %multiple_of3A, %add3A_83 : i32
      %get3A_85 = arith.index_cast %add3A_84 : i32 to index
      %get3A_86 = tpu.vector_load %arg5[%get3A_85] {strides = array<i32>} : memref<12288xi32, #tpu.memory_space<vmem>>, vector<16xi32>,
      %get3A_87 = vector.shape_cast %get3A_86 : vector<16xi32> to vector<16xi32>
      %shift_right_arithmetic3A_88 = arith.constant 14 : i32
      %shift_right_arithmetic3A_89 = vector.broadcast %shift_right_arithmetic3A_88 : i32 to vector<16xi32>
      %shift_right_arithmetic3A_90 = arith.shrsi %get3A_87, %shift_right_arithmetic3A_89 : vector<16xi32>
      %swap3A_91 = arith.constant 0 : i32
      %swap3A_92 = arith.index_cast %swap3A_91 : i32 to index
      %swap3A_93 = arith.constant 32 : index
      %swap3A_94 = tpu.vector_load %arg6[%swap3A_92, %swap3A_93] {strides = array<i32>} : memref<1x128xi32, #tpu.memory_space<vmem>>, vector<1x16xi32>,
      %swap3A_95 = vector.shape_cast %swap3A_94 : vector<1x16xi32> to vector<16xi32>
      %swap3A_96 = vector.shape_cast %shift_right_arithmetic3A_90 : vector<16xi32> to vector<1x16xi32>
      tpu.vector_store %arg6[%swap3A_92, %swap3A_93], %swap3A_96 {strides = array<i32>} : memref<1x128xi32, #tpu.memory_space<vmem>>, vector<1x16xi32>,
      %and3A_97 = arith.constant 16383 : i32
      %and3A_98 = vector.broadcast %and3A_97 : i32 to vector<16xi32>
      %and3A_99 = arith.andi %get3A_87, %and3A_98 : vector<16xi32>
      %swap3A_100 = arith.constant 0 : i32
      %swap3A_101 = arith.index_cast %swap3A_100 : i32 to index
      %swap3A_102 = arith.constant 32 : index
      %swap3A_103 = tpu.vector_load %arg7[%swap3A_101, %swap3A_102] {strides = array<i32>} : memref<1x128xi32, #tpu.memory_space<vmem>>, vector<1x16xi32>,
      %swap3A_104 = vector.shape_cast %swap3A_103 : vector<1x16xi32> to vector<16xi32>
      %swap3A_105 = vector.shape_cast %and3A_99 : vector<16xi32> to vector<1x16xi32>
      tpu.vector_store %arg7[%swap3A_101, %swap3A_102], %swap3A_105 {strides = array<i32>} : memref<1x128xi32, #tpu.memory_space<vmem>>, vector<1x16xi32>,
      %add3A_106 = arith.constant 48 : i32
      %add3A_107 = arith.addi %multiple_of3A, %add3A_106 : i32
      %get3A_108 = arith.index_cast %add3A_107 : i32 to index
      %get3A_109 = tpu.vector_load %arg5[%get3A_108] {strides = array<i32>} : memref<12288xi32, #tpu.memory_space<vmem>>, vector<16xi32>,
      %get3A_110 = vector.shape_cast %get3A_109 : vector<16xi32> to vector<16xi32>
      %shift_right_arithmetic3A_111 = arith.constant 14 : i32
      %shift_right_arithmetic3A_112 = vector.broadcast %shift_right_arithmetic3A_111 : i32 to vector<16xi32>
      %shift_right_arithmetic3A_113 = arith.shrsi %get3A_110, %shift_right_arithmetic3A_112 : vector<16xi32>
      %swap3A_114 = arith.constant 0 : i32
      %swap3A_115 = arith.index_cast %swap3A_114 : i32 to index
      %swap3A_116 = arith.constant 48 : index
      %swap3A_117 = tpu.vector_load %arg6[%swap3A_115, %swap3A_116] {strides = array<i32>} : memref<1x128xi32, #tpu.memory_space<vmem>>, vector<1x16xi32>,
      %swap3A_118 = vector.shape_cast %swap3A_117 : vector<1x16xi32> to vector<16xi32>
      %swap3A_119 = vector.shape_cast %shift_right_arithmetic3A_113 : vector<16xi32> to vector<1x16xi32>
      tpu.vector_store %arg6[%swap3A_115, %swap3A_116], %swap3A_119 {strides = array<i32>} : memref<1x128xi32, #tpu.memory_space<vmem>>, vector<1x16xi32>,
      %and3A_120 = arith.constant 16383 : i32
      %and3A_121 = vector.broadcast %and3A_120 : i32 to vector<16xi32>
      %and3A_122 = arith.andi %get3A_110, %and3A_121 : vector<16xi32>
      %swap3A_123 = arith.constant 0 : i32
      %swap3A_124 = arith.index_cast %swap3A_123 : i32 to index
      %swap3A_125 = arith.constant 48 : index
      %swap3A_126 = tpu.vector_load %arg7[%swap3A_124, %swap3A_125] {strides = array<i32>} : memref<1x128xi32, #tpu.memory_space<vmem>>, vector<1x16xi32>,
      %swap3A_127 = vector.shape_cast %swap3A_126 : vector<1x16xi32> to vector<16xi32>
      %swap3A_128 = vector.shape_cast %and3A_122 : vector<16xi32> to vector<1x16xi32>
      tpu.vector_store %arg7[%swap3A_124, %swap3A_125], %swap3A_128 {strides = array<i32>} : memref<1x128xi32, #tpu.memory_space<vmem>>, vector<1x16xi32>,
      %add3A_129 = arith.constant 64 : i32
      %add3A_130 = arith.addi %multiple_of3A, %add3A_129 : i32
      %get3A_131 = arith.index_cast %add3A_130 : i32 to index
      %get3A_132 = tpu.vector_load %arg5[%get3A_131] {strides = array<i32>} : memref<12288xi32, #tpu.memory_space<vmem>>, vector<16xi32>,
      %get3A_133 = vector.shape_cast %get3A_132 : vector<16xi32> to vector<16xi32>
      %shift_right_arithmetic3A_134 = arith.constant 14 : i32
      %shift_right_arithmetic3A_135 = vector.broadcast %shift_right_arithmetic3A_134 : i32 to vector<16xi32>
      %shift_right_arithmetic3A_136 = arith.shrsi %get3A_133, %shift_right_arithmetic3A_135 : vector<16xi32>
      %swap3A_137 = arith.constant 0 : i32
      %swap3A_138 = arith.index_cast %swap3A_137 : i32 to index
      %swap3A_139 = arith.constant 64 : index
      %swap3A_140 = tpu.vector_load %arg6[%swap3A_138, %swap3A_139] {strides = array<i32>} : memref<1x128xi32, #tpu.memory_space<vmem>>, vector<1x16xi32>,
      %swap3A_141 = vector.shape_cast %swap3A_140 : vector<1x16xi32> to vector<16xi32>
      %swap3A_142 = vector.shape_cast %shift_right_arithmetic3A_136 : vector<16xi32> to vector<1x16xi32>
      tpu.vector_store %arg6[%swap3A_138, %swap3A_139], %swap3A_142 {strides = array<i32>} : memref<1x128xi32, #tpu.memory_space<vmem>>, vector<1x16xi32>,
      %and3A_143 = arith.constant 16383 : i32
      %and3A_144 = vector.broadcast %and3A_143 : i32 to vector<16xi32>
      %and3A_145 = arith.andi %get3A_133, %and3A_144 : vector<16xi32>
      %swap3A_146 = arith.constant 0 : i32
      %swap3A_147 = arith.index_cast %swap3A_146 : i32 to index
      %swap3A_148 = arith.constant 64 : index
      %swap3A_149 = tpu.vector_load %arg7[%swap3A_147, %swap3A_148] {strides = array<i32>} : memref<1x128xi32, #tpu.memory_space<vmem>>, vector<1x16xi32>,
      %swap3A_150 = vector.shape_cast %swap3A_149 : vector<1x16xi32> to vector<16xi32>
      %swap3A_151 = vector.shape_cast %and3A_145 : vector<16xi32> to vector<1x16xi32>
      tpu.vector_store %arg7[%swap3A_147, %swap3A_148], %swap3A_151 {strides = array<i32>} : memref<1x128xi32, #tpu.memory_space<vmem>>, vector<1x16xi32>,
      %add3A_152 = arith.constant 80 : i32
      %add3A_153 = arith.addi %multiple_of3A, %add3A_152 : i32
      %get3A_154 = arith.index_cast %add3A_153 : i32 to index
      %get3A_155 = tpu.vector_load %arg5[%get3A_154] {strides = array<i32>} : memref<12288xi32, #tpu.memory_space<vmem>>, vector<16xi32>,
      %get3A_156 = vector.shape_cast %get3A_155 : vector<16xi32> to vector<16xi32>
      %shift_right_arithmetic3A_157 = arith.constant 14 : i32
      %shift_right_arithmetic3A_158 = vector.broadcast %shift_right_arithmetic3A_157 : i32 to vector<16xi32>
      %shift_right_arithmetic3A_159 = arith.shrsi %get3A_156, %shift_right_arithmetic3A_158 : vector<16xi32>
      %swap3A_160 = arith.constant 0 : i32
      %swap3A_161 = arith.index_cast %swap3A_160 : i32 to index
      %swap3A_162 = arith.constant 80 : index
      %swap3A_163 = tpu.vector_load %arg6[%swap3A_161, %swap3A_162] {strides = array<i32>} : memref<1x128xi32, #tpu.memory_space<vmem>>, vector<1x16xi32>,
      %swap3A_164 = vector.shape_cast %swap3A_163 : vector<1x16xi32> to vector<16xi32>
      %swap3A_165 = vector.shape_cast %shift_right_arithmetic3A_159 : vector<16xi32> to vector<1x16xi32>
      tpu.vector_store %arg6[%swap3A_161, %swap3A_162], %swap3A_165 {strides = array<i32>} : memref<1x128xi32, #tpu.memory_space<vmem>>, vector<1x16xi32>,
      %and3A_166 = arith.constant 16383 : i32
      %and3A_167 = vector.broadcast %and3A_166 : i32 to vector<16xi32>
      %and3A_168 = arith.andi %get3A_156, %and3A_167 : vector<16xi32>
      %swap3A_169 = arith.constant 0 : i32
      %swap3A_170 = arith.index_cast %swap3A_169 : i32 to index
      %swap3A_171 = arith.constant 80 : index
      %swap3A_172 = tpu.vector_load %arg7[%swap3A_170, %swap3A_171] {strides = array<i32>} : memref<1x128xi32, #tpu.memory_space<vmem>>, vector<1x16xi32>,
      %swap3A_173 = vector.shape_cast %swap3A_172 : vector<1x16xi32> to vector<16xi32>
      %swap3A_174 = vector.shape_cast %and3A_168 : vector<16xi32> to vector<1x16xi32>
      tpu.vector_store %arg7[%swap3A_170, %swap3A_171], %swap3A_174 {strides = array<i32>} : memref<1x128xi32, #tpu.memory_space<vmem>>, vector<1x16xi32>,
      %add3A_175 = arith.constant 96 : i32
      %add3A_176 = arith.addi %multiple_of3A, %add3A_175 : i32
      %get3A_177 = arith.index_cast %add3A_176 : i32 to index
      %get3A_178 = tpu.vector_load %arg5[%get3A_177] {strides = array<i32>} : memref<12288xi32, #tpu.memory_space<vmem>>, vector<16xi32>,
      %get3A_179 = vector.shape_cast %get3A_178 : vector<16xi32> to vector<16xi32>
      %shift_right_arithmetic3A_180 = arith.constant 14 : i32
      %shift_right_arithmetic3A_181 = vector.broadcast %shift_right_arithmetic3A_180 : i32 to vector<16xi32>
      %shift_right_arithmetic3A_182 = arith.shrsi %get3A_179, %shift_right_arithmetic3A_181 : vector<16xi32>
      %swap3A_183 = arith.constant 0 : i32
      %swap3A_184 = arith.index_cast %swap3A_183 : i32 to index
      %swap3A_185 = arith.constant 96 : index
      %swap3A_186 = tpu.vector_load %arg6[%swap3A_184, %swap3A_185] {strides = array<i32>} : memref<1x128xi32, #tpu.memory_space<vmem>>, vector<1x16xi32>,
      %swap3A_187 = vector.shape_cast %swap3A_186 : vector<1x16xi32> to vector<16xi32>
      %swap3A_188 = vector.shape_cast %shift_right_arithmetic3A_182 : vector<16xi32> to vector<1x16xi32>
      tpu.vector_store %arg6[%swap3A_184, %swap3A_185], %swap3A_188 {strides = array<i32>} : memref<1x128xi32, #tpu.memory_space<vmem>>, vector<1x16xi32>,
      %and3A_189 = arith.constant 16383 : i32
      %and3A_190 = vector.broadcast %and3A_189 : i32 to vector<16xi32>
      %and3A_191 = arith.andi %get3A_179, %and3A_190 : vector<16xi32>
      %swap3A_192 = arith.constant 0 : i32
      %swap3A_193 = arith.index_cast %swap3A_192 : i32 to index
      %swap3A_194 = arith.constant 96 : index
      %swap3A_195 = tpu.vector_load %arg7[%swap3A_193, %swap3A_194] {strides = array<i32>} : memref<1x128xi32, #tpu.memory_space<vmem>>, vector<1x16xi32>,
      %swap3A_196 = vector.shape_cast %swap3A_195 : vector<1x16xi32> to vector<16xi32>
      %swap3A_197 = vector.shape_cast %and3A_191 : vector<16xi32> to vector<1x16xi32>
      tpu.vector_store %arg7[%swap3A_193, %swap3A_194], %swap3A_197 {strides = array<i32>} : memref<1x128xi32, #tpu.memory_space<vmem>>, vector<1x16xi32>,
      %add3A_198 = arith.constant 112 : i32
      %add3A_199 = arith.addi %multiple_of3A, %add3A_198 : i32
      %get3A_200 = arith.index_cast %add3A_199 : i32 to index
      %get3A_201 = tpu.vector_load %arg5[%get3A_200] {strides = array<i32>} : memref<12288xi32, #tpu.memory_space<vmem>>, vector<16xi32>,
      %get3A_202 = vector.shape_cast %get3A_201 : vector<16xi32> to vector<16xi32>
      %shift_right_arithmetic3A_203 = arith.constant 14 : i32
      %shift_right_arithmetic3A_204 = vector.broadcast %shift_right_arithmetic3A_203 : i32 to vector<16xi32>
      %shift_right_arithmetic3A_205 = arith.shrsi %get3A_202, %shift_right_arithmetic3A_204 : vector<16xi32>
      %swap3A_206 = arith.constant 0 : i32
      %swap3A_207 = arith.index_cast %swap3A_206 : i32 to index
      %swap3A_208 = arith.constant 112 : index
      %swap3A_209 = tpu.vector_load %arg6[%swap3A_207, %swap3A_208] {strides = array<i32>} : memref<1x128xi32, #tpu.memory_space<vmem>>, vector<1x16xi32>,
      %swap3A_210 = vector.shape_cast %swap3A_209 : vector<1x16xi32> to vector<16xi32>
      %swap3A_211 = vector.shape_cast %shift_right_arithmetic3A_205 : vector<16xi32> to vector<1x16xi32>
      tpu.vector_store %arg6[%swap3A_207, %swap3A_208], %swap3A_211 {strides = array<i32>} : memref<1x128xi32, #tpu.memory_space<vmem>>, vector<1x16xi32>,
      %and3A_212 = arith.constant 16383 : i32
      %and3A_213 = vector.broadcast %and3A_212 : i32 to vector<16xi32>
      %and3A_214 = arith.andi %get3A_202, %and3A_213 : vector<16xi32>
      %swap3A_215 = arith.constant 0 : i32
      %swap3A_216 = arith.index_cast %swap3A_215 : i32 to index
      %swap3A_217 = arith.constant 112 : index
      %swap3A_218 = tpu.vector_load %arg7[%swap3A_216, %swap3A_217] {strides = array<i32>} : memref<1x128xi32, #tpu.memory_space<vmem>>, vector<1x16xi32>,
      %swap3A_219 = vector.shape_cast %swap3A_218 : vector<1x16xi32> to vector<16xi32>
      %swap3A_220 = vector.shape_cast %and3A_214 : vector<16xi32> to vector<1x16xi32>
      tpu.vector_store %arg7[%swap3A_216, %swap3A_217], %swap3A_220 {strides = array<i32>} : memref<1x128xi32, #tpu.memory_space<vmem>>, vector<1x16xi32>,
      %dma_start3A = arith.constant 0 : i32
      %dma_start3A_221 = arith.constant 0 : i32
      %dma_start3A_222 = tpu.memref_slice %arg6[%dma_start3A, %dma_start3A_221] : memref<1x128xi32, #tpu.memory_space<vmem>> -> memref<1x128xi32, #tpu.memory_space<vmem>>
      %dma_start3A_223 = tpu.memref_squeeze %dma_start3A_222 : memref<1x128xi32, #tpu.memory_space<vmem>> -> memref<128xi32, #tpu.memory_space<vmem>>
      %dma_start3A_224 = arith.constant 0 : i32
      %dma_start3A_225 = arith.constant 0 : i32
      %dma_start3A_226 = tpu.memref_slice %arg2[%dma_start3A_224, %dma_start3A_225] : memref<10240x128xf32, #tpu.memory_space<hbm>> -> memref<10240x128xf32, #tpu.memory_space<hbm>>
      tpu.enqueue_indirect_dma source(%dma_start3A_226 : memref<10240x128xf32, #tpu.memory_space<hbm>>) target(%arg8 : memref<128x128xf32, #tpu.memory_space<vmem>>) offsets(%dma_start3A_223 : memref<128xi32, #tpu.memory_space<vmem>>) semaphore(%arg11 : memref<!tpu.dma_semaphore, #tpu.memory_space<semaphore_mem>>)
      %dma_wait3A = arith.constant 0 : i32
      %dma_wait3A_227 = arith.constant 0 : i32
      %dma_wait3A_228 = tpu.memref_slice %arg6[%dma_wait3A, %dma_wait3A_227] : memref<1x128xi32, #tpu.memory_space<vmem>> -> memref<1x128xi32, #tpu.memory_space<vmem>>
      %dma_wait3A_229 = tpu.memref_squeeze %dma_wait3A_228 : memref<1x128xi32, #tpu.memory_space<vmem>> -> memref<128xi32, #tpu.memory_space<vmem>>
      %dma_wait3A_230 = arith.constant 0 : i32
      %dma_wait3A_231 = arith.constant 0 : i32
      %dma_wait3A_232 = tpu.memref_slice %arg2[%dma_wait3A_230, %dma_wait3A_231] : memref<10240x128xf32, #tpu.memory_space<hbm>> -> memref<10240x128xf32, #tpu.memory_space<hbm>>
      tpu.wait_indirect_dma semaphore(%arg11 : memref<!tpu.dma_semaphore, #tpu.memory_space<semaphore_mem>>) src(%dma_wait3A_232 : memref<10240x128xf32, #tpu.memory_space<hbm>>) dst(%arg8 : memref<128x128xf32, #tpu.memory_space<vmem>>)
      %run_scoped3A = arith.constant 0 : i32
      "tpu.region"() ({
        %run_scoped3A_234 = tpu.sem_alloc : memref<!tpu.dma_semaphore, #tpu.memory_space<semaphore_mem>>
        %dma_start3A_235 = arith.constant 0 : i32
        %dma_start3A_236 = tpu.memref_slice %arg7[%run_scoped3A, %dma_start3A_235] : memref<1x128xi32, #tpu.memory_space<vmem>> -> memref<1x128xi32, #tpu.memory_space<vmem>>
        %dma_start3A_237 = tpu.memref_squeeze %dma_start3A_236 : memref<1x128xi32, #tpu.memory_space<vmem>> -> memref<128xi32, #tpu.memory_space<vmem>>
        %dma_start3A_238 = arith.constant 0 : i32
        %dma_start3A_239 = arith.constant 0 : i32
        %dma_start3A_240 = tpu.memref_slice %arg10[%dma_start3A_238, %dma_start3A_239] : memref<10368x128xf32, #tpu.memory_space<vmem_shared>> -> memref<10368x128xf32, #tpu.memory_space<vmem_shared>>
        tpu.enqueue_indirect_dma source(%arg8 : memref<128x128xf32, #tpu.memory_space<vmem>>) target(%dma_start3A_240 : memref<10368x128xf32, #tpu.memory_space<vmem_shared>>) offsets(%dma_start3A_237 : memref<128xi32, #tpu.memory_space<vmem>>) semaphore(%run_scoped3A_234 : memref<!tpu.dma_semaphore, #tpu.memory_space<semaphore_mem>>) {add = true}
        %dma_wait3A_241 = arith.constant 0 : i32
        %dma_wait3A_242 = tpu.memref_slice %arg7[%run_scoped3A, %dma_wait3A_241] : memref<1x128xi32, #tpu.memory_space<vmem>> -> memref<1x128xi32, #tpu.memory_space<vmem>>
        %dma_wait3A_243 = tpu.memref_squeeze %dma_wait3A_242 : memref<1x128xi32, #tpu.memory_space<vmem>> -> memref<128xi32, #tpu.memory_space<vmem>>
        %dma_wait3A_244 = arith.constant 0 : i32
        %dma_wait3A_245 = arith.constant 0 : i32
        %dma_wait3A_246 = tpu.memref_slice %arg10[%dma_wait3A_244, %dma_wait3A_245] : memref<10368x128xf32, #tpu.memory_space<vmem_shared>> -> memref<10368x128xf32, #tpu.memory_space<vmem_shared>>
        tpu.wait_indirect_dma semaphore(%run_scoped3A_234 : memref<!tpu.dma_semaphore, #tpu.memory_space<semaphore_mem>>) src(%arg8 : memref<128x128xf32, #tpu.memory_space<vmem>>) dst(%dma_wait3A_246 : memref<10368x128xf32, #tpu.memory_space<vmem_shared>>)
        tpu.yield
      }) : () -> ()
      %while3A_233 = arith.constant 0 : i32
      scf.yield %while3A_233 : i32
    }
    %barrier3A_34 = arith.constant 0 : index
    tpu.barrier barrier_id(%barrier3A_34)
    %mul3A = arith.constant 640 : i32
    %mul3A_35 = arith.muli %arg1, %mul3A : i32
    %mul3A_36 = arith.constant 640 : i32
    %mul3A_37 = arith.muli %arg1, %mul3A_36 : i32
    "tpu.region"() ({
      %run_scoped3A = tpu.sem_alloc : memref<!tpu.dma_semaphore, #tpu.memory_space<semaphore_mem>>
      %dma_start3A = arith.constant 0 : i32
      %dma_start3A_38 = tpu.memref_slice %arg4[%arg0, %mul3A_37, %dma_start3A] : memref<2x10240x128xf32, #tpu.memory_space<hbm>> -> memref<1x640x128xf32, #tpu.memory_space<hbm>>
      %dma_start3A_39 = tpu.memref_squeeze %dma_start3A_38 : memref<1x640x128xf32, #tpu.memory_space<hbm>> -> memref<640x128xf32, #tpu.memory_space<hbm>>
      %dma_start3A_40 = arith.constant 0 : i32
      %dma_start3A_41 = tpu.memref_slice %arg10[%mul3A_35, %dma_start3A_40] : memref<10368x128xf32, #tpu.memory_space<vmem_shared>> -> memref<640x128xf32, #tpu.memory_space<vmem_shared>>
      tpu.enqueue_dma source(%dma_start3A_41 : memref<640x128xf32, #tpu.memory_space<vmem_shared>>) target(%dma_start3A_39 : memref<640x128xf32, #tpu.memory_space<hbm>>) target_semaphore(%run_scoped3A : memref<!tpu.dma_semaphore, #tpu.memory_space<semaphore_mem>>)
      %dma_wait3A = arith.constant 0 : i32
      %dma_wait3A_42 = tpu.memref_slice %arg4[%arg0, %mul3A_37, %dma_wait3A] : memref<2x10240x128xf32, #tpu.memory_space<hbm>> -> memref<1x640x128xf32, #tpu.memory_space<hbm>>
      %dma_wait3A_43 = tpu.memref_squeeze %dma_wait3A_42 : memref<1x640x128xf32, #tpu.memory_space<hbm>> -> memref<640x128xf32, #tpu.memory_space<hbm>>
      %dma_wait3A_44 = arith.constant 0 : i32
      %dma_wait3A_45 = tpu.memref_slice %arg10[%mul3A_35, %dma_wait3A_44] : memref<10368x128xf32, #tpu.memory_space<vmem_shared>> -> memref<640x128xf32, #tpu.memory_space<vmem_shared>>
      tpu.wait_dma2 semaphore(%run_scoped3A : memref<!tpu.dma_semaphore, #tpu.memory_space<semaphore_mem>>) src(%dma_wait3A_45 : memref<640x128xf32, #tpu.memory_space<vmem_shared>>) dst(%dma_wait3A_43 : memref<640x128xf32, #tpu.memory_space<hbm>>)
      tpu.yield
    }) : () -> ()
    return
  }
}

module attributes {stable_mosaic.version = 14 : i64} {
  func.func @_prep_body(%arg0: i32, %arg1: memref<2x256x16xf32, #tpu.memory_space<vmem>>, %arg2: memref<256x1xf32, #tpu.memory_space<vmem>>, %arg3: memref<1x128xf32, #tpu.memory_space<vmem>>, %arg4: memref<128x128xf32, #tpu.memory_space<vmem>>, %arg5: memref<1x128xf32, #tpu.memory_space<vmem>>, %arg6: memref<256x128xf32, #tpu.memory_space<vmem>>) attributes {dimension_semantics = [#tpu.dimension_semantics<arbitrary>], iteration_bounds = array<i64: 40>, scalar_prefetch = 0 : i64, scratch_operands = 0 : i64, tpu.core_type = #tpu.core_type<tc>, window_params = [{transform_indices = @transform_0, window_bounds = array<i64: 2, 256, 16>}, {transform_indices = @transform_1, window_bounds = array<i64: 256, 1>}, {pipeline_mode = #tpu.pipeline_mode<synchronous>, transform_indices = @transform_2, window_bounds = array<i64: 1, 128>}, {pipeline_mode = #tpu.pipeline_mode<synchronous>, transform_indices = @transform_3, window_bounds = array<i64: 128, 128>}, {pipeline_mode = #tpu.pipeline_mode<synchronous>, transform_indices = @transform_4, window_bounds = array<i64: 1, 128>}, {transform_indices = @transform_5, window_bounds = array<i64: 256, 128>}]} {
    %get3A = arith.constant 0 : index
    %get3A_0 = arith.constant 0 : index
    %get3A_1 = arith.constant 0 : index
    %get3A_2 = vector.load %arg1[%get3A, %get3A_0, %get3A_1] : memref<2x256x16xf32, #tpu.memory_space<vmem>>, vector<1x256x1xf32>
    %get3A_3 = vector.shape_cast %get3A_2 : vector<1x256x1xf32> to vector<256x1xf32>
    %get3A_4 = arith.constant 1 : index
    %get3A_5 = arith.constant 0 : index
    %get3A_6 = arith.constant 0 : index
    %get3A_7 = vector.load %arg1[%get3A_4, %get3A_5, %get3A_6] : memref<2x256x16xf32, #tpu.memory_space<vmem>>, vector<1x256x1xf32>
    %get3A_8 = vector.shape_cast %get3A_7 : vector<1x256x1xf32> to vector<256x1xf32>
    %add3A = arith.addf %get3A_3, %get3A_8 : vector<256x1xf32>
    %add3A_9 = arith.constant 1.000000e+00 : f32
    %add3A_10 = vector.broadcast %add3A_9 : f32 to vector<256x1xf32>
    %add3A_11 = arith.addf %add3A, %add3A_10 : vector<256x1xf32>
    %rsqrt3A = math.rsqrt %add3A_11 : vector<256x1xf32>
    %get3A_12 = arith.constant 0 : index
    %get3A_13 = arith.constant 0 : index
    %get3A_14 = vector.load %arg3[%get3A_12, %get3A_13] : memref<1x128xf32, #tpu.memory_space<vmem>>, vector<1x128xf32>
    %get3A_15 = arith.constant 0 : index
    %get3A_16 = arith.constant 0 : index
    %get3A_17 = vector.load %arg4[%get3A_15, %get3A_16] : memref<128x128xf32, #tpu.memory_space<vmem>>, vector<128x128xf32>
    %dot_general3A = arith.constant dense<0.000000e+00> : vector<1x128xf32>
    %dot_general3A_18 = tpu.matmul %get3A_14, %get3A_17, %dot_general3A {dimension_numbers = #tpu.dot_dimension_numbers<[1], [0], [0], [1], [0, 0, 1, 1], [], []>, transpose_lhs_hint = false} : vector<1x128xf32>, vector<128x128xf32>, vector<1x128xf32> -> vector<1x128xf32>
    %get3A_19 = arith.constant 0 : index
    %get3A_20 = arith.constant 0 : index
    %get3A_21 = vector.load %arg2[%get3A_19, %get3A_20] : memref<256x1xf32, #tpu.memory_space<vmem>>, vector<256x1xf32>
    %get3A_22 = arith.constant 0 : index
    %get3A_23 = arith.constant 0 : index
    %get3A_24 = vector.load %arg5[%get3A_22, %get3A_23] : memref<1x128xf32, #tpu.memory_space<vmem>>, vector<1x128xf32>
    %mul3A = vector.broadcast %get3A_21 : vector<256x1xf32> to vector<256x128xf32>
    %mul3A_25 = vector.broadcast %get3A_24 : vector<1x128xf32> to vector<256x128xf32>
    %mul3A_26 = arith.mulf %mul3A, %mul3A_25 : vector<256x128xf32>
    %add3A_27 = vector.broadcast %dot_general3A_18 : vector<1x128xf32> to vector<256x128xf32>
    %add3A_28 = arith.addf %add3A_27, %mul3A_26 : vector<256x128xf32>
    %mul3A_29 = vector.broadcast %rsqrt3A : vector<256x1xf32> to vector<256x128xf32>
    %mul3A_30 = arith.mulf %mul3A_29, %add3A_28 : vector<256x128xf32>
    %swap3A = arith.constant 0 : index
    %swap3A_31 = arith.constant 0 : index
    %swap3A_32 = vector.load %arg6[%swap3A, %swap3A_31] : memref<256x128xf32, #tpu.memory_space<vmem>>, vector<256x128xf32>
    tpu.vector_store %arg6[%swap3A, %swap3A_31], %mul3A_30 {strides = array<i32>} : memref<256x128xf32, #tpu.memory_space<vmem>>, vector<256x128xf32>,
    return
  }
  func.func @transform_0(%arg0: i32) -> (i32, i32, i32) {
    %c0_i32 = arith.constant 0 : i32
    %c0_i32_0 = arith.constant 0 : i32
    %c0_i32_1 = arith.constant 0 : i32
    return %c0_i32, %arg0, %c0_i32_0 : i32, i32, i32
  }
  func.func @transform_1(%arg0: i32) -> (i32, i32) {
    %c0_i32 = arith.constant 0 : i32
    %c0_i32_0 = arith.constant 0 : i32
    return %arg0, %c0_i32 : i32, i32
  }
  func.func @transform_2(%arg0: i32) -> (i32, i32) {
    %c0_i32 = arith.constant 0 : i32
    %c0_i32_0 = arith.constant 0 : i32
    %c0_i32_1 = arith.constant 0 : i32
    return %c0_i32, %c0_i32_0 : i32, i32
  }
  func.func @transform_3(%arg0: i32) -> (i32, i32) {
    %c0_i32 = arith.constant 0 : i32
    %c0_i32_0 = arith.constant 0 : i32
    %c0_i32_1 = arith.constant 0 : i32
    return %c0_i32, %c0_i32_0 : i32, i32
  }
  func.func @transform_4(%arg0: i32) -> (i32, i32) {
    %c0_i32 = arith.constant 0 : i32
    %c0_i32_0 = arith.constant 0 : i32
    %c0_i32_1 = arith.constant 0 : i32
    return %c0_i32, %c0_i32_0 : i32, i32
  }
  func.func @transform_5(%arg0: i32) -> (i32, i32) {
    %c0_i32 = arith.constant 0 : i32
    %c0_i32_0 = arith.constant 0 : i32
    return %arg0, %c0_i32 : i32, i32
  }
}

module attributes {stable_mosaic.version = 14 : i64} {
  func.func @_step_body(%arg0: i32, %arg1: memref<2x256x128xf32, #tpu.memory_space<vmem>>, %arg2: memref<256x128xf32, #tpu.memory_space<vmem>>, %arg3: memref<2x256x16xf32, #tpu.memory_space<vmem>>, %arg4: memref<256x1xf32, #tpu.memory_space<vmem>>, %arg5: memref<128x128xf32, #tpu.memory_space<vmem>>, %arg6: memref<1x128xf32, #tpu.memory_space<vmem>>, %arg7: memref<1x128xf32, #tpu.memory_space<vmem>>, %arg8: memref<128x128xf32, #tpu.memory_space<vmem>>, %arg9: memref<1x128xf32, #tpu.memory_space<vmem>>, %arg10: memref<128x128xf32, #tpu.memory_space<vmem>>, %arg11: memref<1x128xf32, #tpu.memory_space<vmem>>, %arg12: memref<256x128xf32, #tpu.memory_space<vmem>>, %arg13: memref<256x128xf32, #tpu.memory_space<vmem>>) attributes {dimension_semantics = [#tpu.dimension_semantics<arbitrary>], iteration_bounds = array<i64: 40>, scalar_prefetch = 0 : i64, scratch_operands = 0 : i64, tpu.core_type = #tpu.core_type<tc>, window_params = [{transform_indices = @transform_0, window_bounds = array<i64: 2, 256, 128>}, {transform_indices = @transform_1, window_bounds = array<i64: 256, 128>}, {transform_indices = @transform_2, window_bounds = array<i64: 2, 256, 16>}, {transform_indices = @transform_3, window_bounds = array<i64: 256, 1>}, {pipeline_mode = #tpu.pipeline_mode<synchronous>, transform_indices = @transform_4, window_bounds = array<i64: 128, 128>}, {pipeline_mode = #tpu.pipeline_mode<synchronous>, transform_indices = @transform_5, window_bounds = array<i64: 1, 128>}, {pipeline_mode = #tpu.pipeline_mode<synchronous>, transform_indices = @transform_6, window_bounds = array<i64: 1, 128>}, {pipeline_mode = #tpu.pipeline_mode<synchronous>, transform_indices = @transform_7, window_bounds = array<i64: 128, 128>}, {pipeline_mode = #tpu.pipeline_mode<synchronous>, transform_indices = @transform_8, window_bounds = array<i64: 1, 128>}, {pipeline_mode = #tpu.pipeline_mode<synchronous>, transform_indices = @transform_9, window_bounds = array<i64: 128, 128>}, {pipeline_mode = #tpu.pipeline_mode<synchronous>, transform_indices = @transform_10, window_bounds = array<i64: 1, 128>}, {transform_indices = @transform_11, window_bounds = array<i64: 256, 128>}, {transform_indices = @transform_12, window_bounds = array<i64: 256, 128>}]} {
    %get3A = arith.constant 0 : index
    %get3A_0 = arith.constant 0 : index
    %get3A_1 = arith.constant 0 : index
    %get3A_2 = vector.load %arg3[%get3A, %get3A_0, %get3A_1] : memref<2x256x16xf32, #tpu.memory_space<vmem>>, vector<1x256x1xf32>
    %get3A_3 = vector.shape_cast %get3A_2 : vector<1x256x1xf32> to vector<256x1xf32>
    %get3A_4 = arith.constant 1 : index
    %get3A_5 = arith.constant 0 : index
    %get3A_6 = arith.constant 0 : index
    %get3A_7 = vector.load %arg3[%get3A_4, %get3A_5, %get3A_6] : memref<2x256x16xf32, #tpu.memory_space<vmem>>, vector<1x256x1xf32>
    %get3A_8 = vector.shape_cast %get3A_7 : vector<1x256x1xf32> to vector<256x1xf32>
    %add3A = arith.addf %get3A_3, %get3A_8 : vector<256x1xf32>
    %add3A_9 = arith.constant 1.000000e+00 : f32
    %add3A_10 = vector.broadcast %add3A_9 : f32 to vector<256x1xf32>
    %add3A_11 = arith.addf %add3A, %add3A_10 : vector<256x1xf32>
    %rsqrt3A = math.rsqrt %add3A_11 : vector<256x1xf32>
    %get3A_12 = arith.constant 0 : index
    %get3A_13 = arith.constant 0 : index
    %get3A_14 = arith.constant 0 : index
    %get3A_15 = vector.load %arg1[%get3A_12, %get3A_13, %get3A_14] : memref<2x256x128xf32, #tpu.memory_space<vmem>>, vector<1x256x128xf32>
    %get3A_16 = vector.shape_cast %get3A_15 : vector<1x256x128xf32> to vector<256x128xf32>
    %get3A_17 = arith.constant 1 : index
    %get3A_18 = arith.constant 0 : index
    %get3A_19 = arith.constant 0 : index
    %get3A_20 = vector.load %arg1[%get3A_17, %get3A_18, %get3A_19] : memref<2x256x128xf32, #tpu.memory_space<vmem>>, vector<1x256x128xf32>
    %get3A_21 = vector.shape_cast %get3A_20 : vector<1x256x128xf32> to vector<256x128xf32>
    %add3A_22 = arith.addf %get3A_16, %get3A_21 : vector<256x128xf32>
    %get3A_23 = arith.constant 0 : index
    %get3A_24 = arith.constant 0 : index
    %get3A_25 = vector.load %arg2[%get3A_23, %get3A_24] : memref<256x128xf32, #tpu.memory_space<vmem>>, vector<256x128xf32>
    %add3A_26 = arith.addf %add3A_22, %get3A_25 : vector<256x128xf32>
    %mul3A = vector.broadcast %rsqrt3A : vector<256x1xf32> to vector<256x128xf32>
    %mul3A_27 = arith.mulf %mul3A, %add3A_26 : vector<256x128xf32>
    %get3A_28 = arith.constant 0 : index
    %get3A_29 = arith.constant 0 : index
    %get3A_30 = vector.load %arg7[%get3A_28, %get3A_29] : memref<1x128xf32, #tpu.memory_space<vmem>>, vector<1x128xf32>
    %add3A_31 = vector.broadcast %get3A_30 : vector<1x128xf32> to vector<256x128xf32>
    %add3A_32 = arith.addf %mul3A_27, %add3A_31 : vector<256x128xf32>
    %get3A_33 = arith.constant 0 : index
    %get3A_34 = arith.constant 0 : index
    %get3A_35 = vector.load %arg8[%get3A_33, %get3A_34] : memref<128x128xf32, #tpu.memory_space<vmem>>, vector<128x128xf32>
    %dot_general3A = arith.constant dense<0.000000e+00> : vector<256x128xf32>
    %dot_general3A_36 = tpu.matmul %add3A_32, %get3A_35, %dot_general3A {dimension_numbers = #tpu.dot_dimension_numbers<[1], [0], [0], [1], [0, 0, 1, 1], [], []>, transpose_lhs_hint = false} : vector<256x128xf32>, vector<128x128xf32>, vector<256x128xf32> -> vector<256x128xf32>
    %get3A_37 = arith.constant 0 : index
    %get3A_38 = arith.constant 0 : index
    %get3A_39 = vector.load %arg9[%get3A_37, %get3A_38] : memref<1x128xf32, #tpu.memory_space<vmem>>, vector<1x128xf32>
    %add3A_40 = vector.broadcast %get3A_39 : vector<1x128xf32> to vector<256x128xf32>
    %add3A_41 = arith.addf %dot_general3A_36, %add3A_40 : vector<256x128xf32>
    %max3A = arith.constant 0.000000e+00 : f32
    %max3A_42 = vector.broadcast %max3A : f32 to vector<256x128xf32>
    %max3A_43 = arith.maximumf %add3A_41, %max3A_42 : vector<256x128xf32>
    %get3A_44 = arith.constant 0 : index
    %get3A_45 = arith.constant 0 : index
    %get3A_46 = vector.load %arg10[%get3A_44, %get3A_45] : memref<128x128xf32, #tpu.memory_space<vmem>>, vector<128x128xf32>
    %dot_general3A_47 = arith.constant dense<0.000000e+00> : vector<256x128xf32>
    %dot_general3A_48 = tpu.matmul %max3A_43, %get3A_46, %dot_general3A_47 {dimension_numbers = #tpu.dot_dimension_numbers<[1], [0], [0], [1], [0, 0, 1, 1], [], []>, transpose_lhs_hint = false} : vector<256x128xf32>, vector<128x128xf32>, vector<256x128xf32> -> vector<256x128xf32>
    %get3A_49 = arith.constant 0 : index
    %get3A_50 = arith.constant 0 : index
    %get3A_51 = vector.load %arg11[%get3A_49, %get3A_50] : memref<1x128xf32, #tpu.memory_space<vmem>>, vector<1x128xf32>
    %add3A_52 = vector.broadcast %get3A_51 : vector<1x128xf32> to vector<256x128xf32>
    %add3A_53 = arith.addf %dot_general3A_48, %add3A_52 : vector<256x128xf32>
    %swap3A = arith.constant 0 : index
    %swap3A_54 = arith.constant 0 : index
    %swap3A_55 = vector.load %arg12[%swap3A, %swap3A_54] : memref<256x128xf32, #tpu.memory_space<vmem>>, vector<256x128xf32>
    tpu.vector_store %arg12[%swap3A, %swap3A_54], %add3A_53 {strides = array<i32>} : memref<256x128xf32, #tpu.memory_space<vmem>>, vector<256x128xf32>,
    %get3A_56 = arith.constant 0 : index
    %get3A_57 = arith.constant 0 : index
    %get3A_58 = vector.load %arg5[%get3A_56, %get3A_57] : memref<128x128xf32, #tpu.memory_space<vmem>>, vector<128x128xf32>
    %dot_general3A_59 = arith.constant dense<0.000000e+00> : vector<256x128xf32>
    %dot_general3A_60 = tpu.matmul %add3A_32, %get3A_58, %dot_general3A_59 {dimension_numbers = #tpu.dot_dimension_numbers<[1], [0], [0], [1], [0, 0, 1, 1], [], []>, transpose_lhs_hint = false} : vector<256x128xf32>, vector<128x128xf32>, vector<256x128xf32> -> vector<256x128xf32>
    %get3A_61 = arith.constant 0 : index
    %get3A_62 = arith.constant 0 : index
    %get3A_63 = vector.load %arg4[%get3A_61, %get3A_62] : memref<256x1xf32, #tpu.memory_space<vmem>>, vector<256x1xf32>
    %get3A_64 = arith.constant 0 : index
    %get3A_65 = arith.constant 0 : index
    %get3A_66 = vector.load %arg6[%get3A_64, %get3A_65] : memref<1x128xf32, #tpu.memory_space<vmem>>, vector<1x128xf32>
    %mul3A_67 = vector.broadcast %get3A_63 : vector<256x1xf32> to vector<256x128xf32>
    %mul3A_68 = vector.broadcast %get3A_66 : vector<1x128xf32> to vector<256x128xf32>
    %mul3A_69 = arith.mulf %mul3A_67, %mul3A_68 : vector<256x128xf32>
    %add3A_70 = arith.addf %dot_general3A_60, %mul3A_69 : vector<256x128xf32>
    %mul3A_71 = vector.broadcast %rsqrt3A : vector<256x1xf32> to vector<256x128xf32>
    %mul3A_72 = arith.mulf %mul3A_71, %add3A_70 : vector<256x128xf32>
    %swap3A_73 = arith.constant 0 : index
    %swap3A_74 = arith.constant 0 : index
    %swap3A_75 = vector.load %arg13[%swap3A_73, %swap3A_74] : memref<256x128xf32, #tpu.memory_space<vmem>>, vector<256x128xf32>
    tpu.vector_store %arg13[%swap3A_73, %swap3A_74], %mul3A_72 {strides = array<i32>} : memref<256x128xf32, #tpu.memory_space<vmem>>, vector<256x128xf32>,
    return
  }
  func.func @transform_0(%arg0: i32) -> (i32, i32, i32) {
    %c0_i32 = arith.constant 0 : i32
    %c0_i32_0 = arith.constant 0 : i32
    %c0_i32_1 = arith.constant 0 : i32
    return %c0_i32, %arg0, %c0_i32_0 : i32, i32, i32
  }
  func.func @transform_1(%arg0: i32) -> (i32, i32) {
    %c0_i32 = arith.constant 0 : i32
    %c0_i32_0 = arith.constant 0 : i32
    return %arg0, %c0_i32 : i32, i32
  }
  func.func @transform_2(%arg0: i32) -> (i32, i32, i32) {
    %c0_i32 = arith.constant 0 : i32
    %c0_i32_0 = arith.constant 0 : i32
    %c0_i32_1 = arith.constant 0 : i32
    return %c0_i32, %arg0, %c0_i32_0 : i32, i32, i32
  }
  func.func @transform_3(%arg0: i32) -> (i32, i32) {
    %c0_i32 = arith.constant 0 : i32
    %c0_i32_0 = arith.constant 0 : i32
    return %arg0, %c0_i32 : i32, i32
  }
  func.func @transform_4(%arg0: i32) -> (i32, i32) {
    %c0_i32 = arith.constant 0 : i32
    %c0_i32_0 = arith.constant 0 : i32
    %c0_i32_1 = arith.constant 0 : i32
    return %c0_i32, %c0_i32_0 : i32, i32
  }
  func.func @transform_5(%arg0: i32) -> (i32, i32) {
    %c0_i32 = arith.constant 0 : i32
    %c0_i32_0 = arith.constant 0 : i32
    %c0_i32_1 = arith.constant 0 : i32
    return %c0_i32, %c0_i32_0 : i32, i32
  }
  func.func @transform_6(%arg0: i32) -> (i32, i32) {
    %c0_i32 = arith.constant 0 : i32
    %c0_i32_0 = arith.constant 0 : i32
    %c0_i32_1 = arith.constant 0 : i32
    return %c0_i32, %c0_i32_0 : i32, i32
  }
  func.func @transform_7(%arg0: i32) -> (i32, i32) {
    %c0_i32 = arith.constant 0 : i32
    %c0_i32_0 = arith.constant 0 : i32
    %c0_i32_1 = arith.constant 0 : i32
    return %c0_i32, %c0_i32_0 : i32, i32
  }
  func.func @transform_8(%arg0: i32) -> (i32, i32) {
    %c0_i32 = arith.constant 0 : i32
    %c0_i32_0 = arith.constant 0 : i32
    %c0_i32_1 = arith.constant 0 : i32
    return %c0_i32, %c0_i32_0 : i32, i32
  }
  func.func @transform_9(%arg0: i32) -> (i32, i32) {
    %c0_i32 = arith.constant 0 : i32
    %c0_i32_0 = arith.constant 0 : i32
    %c0_i32_1 = arith.constant 0 : i32
    return %c0_i32, %c0_i32_0 : i32, i32
  }
  func.func @transform_10(%arg0: i32) -> (i32, i32) {
    %c0_i32 = arith.constant 0 : i32
    %c0_i32_0 = arith.constant 0 : i32
    %c0_i32_1 = arith.constant 0 : i32
    return %c0_i32, %c0_i32_0 : i32, i32
  }
  func.func @transform_11(%arg0: i32) -> (i32, i32) {
    %c0_i32 = arith.constant 0 : i32
    %c0_i32_0 = arith.constant 0 : i32
    return %arg0, %c0_i32 : i32, i32
  }
  func.func @transform_12(%arg0: i32) -> (i32, i32) {
    %c0_i32 = arith.constant 0 : i32
    %c0_i32_0 = arith.constant 0 : i32
    return %arg0, %c0_i32 : i32, i32
  }
}

module attributes {stable_mosaic.version = 14 : i64} {
  func.func @_step_body(%arg0: i32, %arg1: memref<2x256x128xf32, #tpu.memory_space<vmem>>, %arg2: memref<256x128xf32, #tpu.memory_space<vmem>>, %arg3: memref<2x256x16xf32, #tpu.memory_space<vmem>>, %arg4: memref<256x1xf32, #tpu.memory_space<vmem>>, %arg5: memref<128x128xf32, #tpu.memory_space<vmem>>, %arg6: memref<1x128xf32, #tpu.memory_space<vmem>>, %arg7: memref<1x128xf32, #tpu.memory_space<vmem>>, %arg8: memref<128x128xf32, #tpu.memory_space<vmem>>, %arg9: memref<1x128xf32, #tpu.memory_space<vmem>>, %arg10: memref<128x128xf32, #tpu.memory_space<vmem>>, %arg11: memref<1x128xf32, #tpu.memory_space<vmem>>, %arg12: memref<256x128xf32, #tpu.memory_space<vmem>>, %arg13: memref<256x128xf32, #tpu.memory_space<vmem>>) attributes {dimension_semantics = [#tpu.dimension_semantics<arbitrary>], iteration_bounds = array<i64: 40>, scalar_prefetch = 0 : i64, scratch_operands = 0 : i64, tpu.core_type = #tpu.core_type<tc>, window_params = [{transform_indices = @transform_0, window_bounds = array<i64: 2, 256, 128>}, {transform_indices = @transform_1, window_bounds = array<i64: 256, 128>}, {transform_indices = @transform_2, window_bounds = array<i64: 2, 256, 16>}, {transform_indices = @transform_3, window_bounds = array<i64: 256, 1>}, {pipeline_mode = #tpu.pipeline_mode<synchronous>, transform_indices = @transform_4, window_bounds = array<i64: 128, 128>}, {pipeline_mode = #tpu.pipeline_mode<synchronous>, transform_indices = @transform_5, window_bounds = array<i64: 1, 128>}, {pipeline_mode = #tpu.pipeline_mode<synchronous>, transform_indices = @transform_6, window_bounds = array<i64: 1, 128>}, {pipeline_mode = #tpu.pipeline_mode<synchronous>, transform_indices = @transform_7, window_bounds = array<i64: 128, 128>}, {pipeline_mode = #tpu.pipeline_mode<synchronous>, transform_indices = @transform_8, window_bounds = array<i64: 1, 128>}, {pipeline_mode = #tpu.pipeline_mode<synchronous>, transform_indices = @transform_9, window_bounds = array<i64: 128, 128>}, {pipeline_mode = #tpu.pipeline_mode<synchronous>, transform_indices = @transform_10, window_bounds = array<i64: 1, 128>}, {transform_indices = @transform_11, window_bounds = array<i64: 256, 128>}, {transform_indices = @transform_12, window_bounds = array<i64: 256, 128>}]} {
    %get3A = arith.constant 0 : index
    %get3A_0 = arith.constant 0 : index
    %get3A_1 = arith.constant 0 : index
    %get3A_2 = vector.load %arg3[%get3A, %get3A_0, %get3A_1] : memref<2x256x16xf32, #tpu.memory_space<vmem>>, vector<1x256x1xf32>
    %get3A_3 = vector.shape_cast %get3A_2 : vector<1x256x1xf32> to vector<256x1xf32>
    %get3A_4 = arith.constant 1 : index
    %get3A_5 = arith.constant 0 : index
    %get3A_6 = arith.constant 0 : index
    %get3A_7 = vector.load %arg3[%get3A_4, %get3A_5, %get3A_6] : memref<2x256x16xf32, #tpu.memory_space<vmem>>, vector<1x256x1xf32>
    %get3A_8 = vector.shape_cast %get3A_7 : vector<1x256x1xf32> to vector<256x1xf32>
    %add3A = arith.addf %get3A_3, %get3A_8 : vector<256x1xf32>
    %add3A_9 = arith.constant 1.000000e+00 : f32
    %add3A_10 = vector.broadcast %add3A_9 : f32 to vector<256x1xf32>
    %add3A_11 = arith.addf %add3A, %add3A_10 : vector<256x1xf32>
    %rsqrt3A = math.rsqrt %add3A_11 : vector<256x1xf32>
    %get3A_12 = arith.constant 0 : index
    %get3A_13 = arith.constant 0 : index
    %get3A_14 = arith.constant 0 : index
    %get3A_15 = vector.load %arg1[%get3A_12, %get3A_13, %get3A_14] : memref<2x256x128xf32, #tpu.memory_space<vmem>>, vector<1x256x128xf32>
    %get3A_16 = vector.shape_cast %get3A_15 : vector<1x256x128xf32> to vector<256x128xf32>
    %get3A_17 = arith.constant 1 : index
    %get3A_18 = arith.constant 0 : index
    %get3A_19 = arith.constant 0 : index
    %get3A_20 = vector.load %arg1[%get3A_17, %get3A_18, %get3A_19] : memref<2x256x128xf32, #tpu.memory_space<vmem>>, vector<1x256x128xf32>
    %get3A_21 = vector.shape_cast %get3A_20 : vector<1x256x128xf32> to vector<256x128xf32>
    %add3A_22 = arith.addf %get3A_16, %get3A_21 : vector<256x128xf32>
    %get3A_23 = arith.constant 0 : index
    %get3A_24 = arith.constant 0 : index
    %get3A_25 = vector.load %arg2[%get3A_23, %get3A_24] : memref<256x128xf32, #tpu.memory_space<vmem>>, vector<256x128xf32>
    %add3A_26 = arith.addf %add3A_22, %get3A_25 : vector<256x128xf32>
    %mul3A = vector.broadcast %rsqrt3A : vector<256x1xf32> to vector<256x128xf32>
    %mul3A_27 = arith.mulf %mul3A, %add3A_26 : vector<256x128xf32>
    %get3A_28 = arith.constant 0 : index
    %get3A_29 = arith.constant 0 : index
    %get3A_30 = vector.load %arg7[%get3A_28, %get3A_29] : memref<1x128xf32, #tpu.memory_space<vmem>>, vector<1x128xf32>
    %add3A_31 = vector.broadcast %get3A_30 : vector<1x128xf32> to vector<256x128xf32>
    %add3A_32 = arith.addf %mul3A_27, %add3A_31 : vector<256x128xf32>
    %get3A_33 = arith.constant 0 : index
    %get3A_34 = arith.constant 0 : index
    %get3A_35 = vector.load %arg8[%get3A_33, %get3A_34] : memref<128x128xf32, #tpu.memory_space<vmem>>, vector<128x128xf32>
    %dot_general3A = arith.constant dense<0.000000e+00> : vector<256x128xf32>
    %dot_general3A_36 = tpu.matmul %add3A_32, %get3A_35, %dot_general3A {dimension_numbers = #tpu.dot_dimension_numbers<[1], [0], [0], [1], [0, 0, 1, 1], [], []>, transpose_lhs_hint = false} : vector<256x128xf32>, vector<128x128xf32>, vector<256x128xf32> -> vector<256x128xf32>
    %get3A_37 = arith.constant 0 : index
    %get3A_38 = arith.constant 0 : index
    %get3A_39 = vector.load %arg9[%get3A_37, %get3A_38] : memref<1x128xf32, #tpu.memory_space<vmem>>, vector<1x128xf32>
    %add3A_40 = vector.broadcast %get3A_39 : vector<1x128xf32> to vector<256x128xf32>
    %add3A_41 = arith.addf %dot_general3A_36, %add3A_40 : vector<256x128xf32>
    %max3A = arith.constant 0.000000e+00 : f32
    %max3A_42 = vector.broadcast %max3A : f32 to vector<256x128xf32>
    %max3A_43 = arith.maximumf %add3A_41, %max3A_42 : vector<256x128xf32>
    %get3A_44 = arith.constant 0 : index
    %get3A_45 = arith.constant 0 : index
    %get3A_46 = vector.load %arg10[%get3A_44, %get3A_45] : memref<128x128xf32, #tpu.memory_space<vmem>>, vector<128x128xf32>
    %dot_general3A_47 = arith.constant dense<0.000000e+00> : vector<256x128xf32>
    %dot_general3A_48 = tpu.matmul %max3A_43, %get3A_46, %dot_general3A_47 {dimension_numbers = #tpu.dot_dimension_numbers<[1], [0], [0], [1], [0, 0, 1, 1], [], []>, transpose_lhs_hint = false} : vector<256x128xf32>, vector<128x128xf32>, vector<256x128xf32> -> vector<256x128xf32>
    %get3A_49 = arith.constant 0 : index
    %get3A_50 = arith.constant 0 : index
    %get3A_51 = vector.load %arg11[%get3A_49, %get3A_50] : memref<1x128xf32, #tpu.memory_space<vmem>>, vector<1x128xf32>
    %add3A_52 = vector.broadcast %get3A_51 : vector<1x128xf32> to vector<256x128xf32>
    %add3A_53 = arith.addf %dot_general3A_48, %add3A_52 : vector<256x128xf32>
    %swap3A = arith.constant 0 : index
    %swap3A_54 = arith.constant 0 : index
    %swap3A_55 = vector.load %arg12[%swap3A, %swap3A_54] : memref<256x128xf32, #tpu.memory_space<vmem>>, vector<256x128xf32>
    tpu.vector_store %arg12[%swap3A, %swap3A_54], %add3A_53 {strides = array<i32>} : memref<256x128xf32, #tpu.memory_space<vmem>>, vector<256x128xf32>,
    %get3A_56 = arith.constant 0 : index
    %get3A_57 = arith.constant 0 : index
    %get3A_58 = vector.load %arg5[%get3A_56, %get3A_57] : memref<128x128xf32, #tpu.memory_space<vmem>>, vector<128x128xf32>
    %dot_general3A_59 = arith.constant dense<0.000000e+00> : vector<256x128xf32>
    %dot_general3A_60 = tpu.matmul %add3A_32, %get3A_58, %dot_general3A_59 {dimension_numbers = #tpu.dot_dimension_numbers<[1], [0], [0], [1], [0, 0, 1, 1], [], []>, transpose_lhs_hint = false} : vector<256x128xf32>, vector<128x128xf32>, vector<256x128xf32> -> vector<256x128xf32>
    %get3A_61 = arith.constant 0 : index
    %get3A_62 = arith.constant 0 : index
    %get3A_63 = vector.load %arg4[%get3A_61, %get3A_62] : memref<256x1xf32, #tpu.memory_space<vmem>>, vector<256x1xf32>
    %get3A_64 = arith.constant 0 : index
    %get3A_65 = arith.constant 0 : index
    %get3A_66 = vector.load %arg6[%get3A_64, %get3A_65] : memref<1x128xf32, #tpu.memory_space<vmem>>, vector<1x128xf32>
    %mul3A_67 = vector.broadcast %get3A_63 : vector<256x1xf32> to vector<256x128xf32>
    %mul3A_68 = vector.broadcast %get3A_66 : vector<1x128xf32> to vector<256x128xf32>
    %mul3A_69 = arith.mulf %mul3A_67, %mul3A_68 : vector<256x128xf32>
    %add3A_70 = arith.addf %dot_general3A_60, %mul3A_69 : vector<256x128xf32>
    %mul3A_71 = vector.broadcast %rsqrt3A : vector<256x1xf32> to vector<256x128xf32>
    %mul3A_72 = arith.mulf %mul3A_71, %add3A_70 : vector<256x128xf32>
    %swap3A_73 = arith.constant 0 : index
    %swap3A_74 = arith.constant 0 : index
    %swap3A_75 = vector.load %arg13[%swap3A_73, %swap3A_74] : memref<256x128xf32, #tpu.memory_space<vmem>>, vector<256x128xf32>
    tpu.vector_store %arg13[%swap3A_73, %swap3A_74], %mul3A_72 {strides = array<i32>} : memref<256x128xf32, #tpu.memory_space<vmem>>, vector<256x128xf32>,
    return
  }
  func.func @transform_0(%arg0: i32) -> (i32, i32, i32) {
    %c0_i32 = arith.constant 0 : i32
    %c0_i32_0 = arith.constant 0 : i32
    %c0_i32_1 = arith.constant 0 : i32
    return %c0_i32, %arg0, %c0_i32_0 : i32, i32, i32
  }
  func.func @transform_1(%arg0: i32) -> (i32, i32) {
    %c0_i32 = arith.constant 0 : i32
    %c0_i32_0 = arith.constant 0 : i32
    return %arg0, %c0_i32 : i32, i32
  }
  func.func @transform_2(%arg0: i32) -> (i32, i32, i32) {
    %c0_i32 = arith.constant 0 : i32
    %c0_i32_0 = arith.constant 0 : i32
    %c0_i32_1 = arith.constant 0 : i32
    return %c0_i32, %arg0, %c0_i32_0 : i32, i32, i32
  }
  func.func @transform_3(%arg0: i32) -> (i32, i32) {
    %c0_i32 = arith.constant 0 : i32
    %c0_i32_0 = arith.constant 0 : i32
    return %arg0, %c0_i32 : i32, i32
  }
  func.func @transform_4(%arg0: i32) -> (i32, i32) {
    %c0_i32 = arith.constant 0 : i32
    %c0_i32_0 = arith.constant 0 : i32
    %c0_i32_1 = arith.constant 0 : i32
    return %c0_i32, %c0_i32_0 : i32, i32
  }
  func.func @transform_5(%arg0: i32) -> (i32, i32) {
    %c0_i32 = arith.constant 0 : i32
    %c0_i32_0 = arith.constant 0 : i32
    %c0_i32_1 = arith.constant 0 : i32
    return %c0_i32, %c0_i32_0 : i32, i32
  }
  func.func @transform_6(%arg0: i32) -> (i32, i32) {
    %c0_i32 = arith.constant 0 : i32
    %c0_i32_0 = arith.constant 0 : i32
    %c0_i32_1 = arith.constant 0 : i32
    return %c0_i32, %c0_i32_0 : i32, i32
  }
  func.func @transform_7(%arg0: i32) -> (i32, i32) {
    %c0_i32 = arith.constant 0 : i32
    %c0_i32_0 = arith.constant 0 : i32
    %c0_i32_1 = arith.constant 0 : i32
    return %c0_i32, %c0_i32_0 : i32, i32
  }
  func.func @transform_8(%arg0: i32) -> (i32, i32) {
    %c0_i32 = arith.constant 0 : i32
    %c0_i32_0 = arith.constant 0 : i32
    %c0_i32_1 = arith.constant 0 : i32
    return %c0_i32, %c0_i32_0 : i32, i32
  }
  func.func @transform_9(%arg0: i32) -> (i32, i32) {
    %c0_i32 = arith.constant 0 : i32
    %c0_i32_0 = arith.constant 0 : i32
    %c0_i32_1 = arith.constant 0 : i32
    return %c0_i32, %c0_i32_0 : i32, i32
  }
  func.func @transform_10(%arg0: i32) -> (i32, i32) {
    %c0_i32 = arith.constant 0 : i32
    %c0_i32_0 = arith.constant 0 : i32
    %c0_i32_1 = arith.constant 0 : i32
    return %c0_i32, %c0_i32_0 : i32, i32
  }
  func.func @transform_11(%arg0: i32) -> (i32, i32) {
    %c0_i32 = arith.constant 0 : i32
    %c0_i32_0 = arith.constant 0 : i32
    return %arg0, %c0_i32 : i32, i32
  }
  func.func @transform_12(%arg0: i32) -> (i32, i32) {
    %c0_i32 = arith.constant 0 : i32
    %c0_i32_0 = arith.constant 0 : i32
    return %arg0, %c0_i32 : i32, i32
  }
}

</mosaic_0001>

<sc_bundles>
// kernel: kernel.10.cloned.1.call-start
scs
__scs_entry_jumppad:
0x0: {  	(pc) =	sbr.rel $0x88, $3  }
0x1: {  	(tag) =	ssettag $0x0;
	lr =	simm.s32 $0x1  }
0x2: {  	[smem:$0x3F98] =	sst lr;
	_ =	strace $0xD0000000  }
0x3: {  	_ = 	snop  }
0x4: {  	_ = 	snop  }
0x5: {  	_ = 	snop  }
0x6: {  	_ = 	snop  }
0x7: {  	_ = 	snop  }
__scs_overlays_trampoline_lowered:
0x8: {  	[smem:$0x3FA7] =	sst s0  }
0x9: {  	[smem:$0x3FA8] =	sst s1  }
0xa: {  	[smem:$0x3FA9] =	sst s2  }
0xb: {  	[smem:$0x3FAA] =	sst s3  }
0xc: {  	[smem:$0x3FAB] =	sst s4  }
0xd: {  	[smem:$0x3FAC] =	sst s5  }
0xe: {  	[smem:$0x3FAD] =	sst s6  }
0xf: {  	[smem:$0x3FAE] =	sst s7  }
0x10: {  	[smem:$0x3FAF] =	sst s8  }
0x11: {  	[smem:$0x3FB0] =	sst s9;
	s0 =	simm.s32 @!p0 $0x0  }
0x12: {  	s1 =	sld [smem:$0x3F96];
	s0 =	simm.s32 @p0 $0x1  }
0x13: {  	[smem:$0x3FB1] =	sst s0;
	s0 =	simm.s32 @!p1 $0x0  }
0x14: {  	s2 =	sld [smem:$0x3F95];
	s0 =	simm.s32 @p1 $0x1  }
0x15: {  	[smem:$0x3FB2] =	sst s0;
	s0 =	simm.s32 @!p2 $0x0  }
0x16: {  	s3 =	sld [smem:$0x3FDB];
	s0 =	simm.s32 @p2 $0x1  }
0x17: {  	s4 =	simm.s32 $0x1BF5;
	[smem:$0x3FB4] =	sst s0  }
0x18: {  	s0 =	sld [smem:$0x3F97];
	_ =	swait.ge [sflag:s4], $0x0  }
0x19: {  	s7 =	sld [smem:$0x3F98]  }
0x1a: {  	s8 =	sadd.s32 $0xFFFFE003, lr  }
0x1b: {  	s9 =	sadd.s32 $0xFFFFFEF7, lr;
	s5 =	simm.s32 $0xFFFFFFFF;
	p2 =	slt.u32 s8, $0xFFFFF086  }
0x1c: {  	p1 =	slt.u32 s9, $0xF7A;
	s5 =	simm.s32 @!p2 $0x0  }
0x1d: {  	s5 =	simm.s32 @p1 $0x1;
	p0 =	seq.s32 s7, s2  }
0x1e: {  	s7 =	smul.u32 @!p0 $0xF7A, s2;
	p2 =	seq.s32 @!p0 s5, $0x0  }
0x1f: {  	s9 =	smul.u32 $0xF7A, s1;
	s8 =	simm.s32 @!p0 $0x1BF5;
	p2 =	por !p2, p0  }
0x20: {  	[sflag:s8] =	ssyncset.s32 @!p0 $0xFFFFF086;
	s6 =	sadd.s32 @!p0 s3, s7;
	s7 =	simm.s32 @!p0 $0x108  }
0x21: {  	s3 =	sadd.s32 s3, s9;
	s6 =	sadd.s32 @!p0 $0x88, s6;
	s7 =	simm.s32 @p2 $0x1082  }
0x22: {  	[simem:s7], [sflag:s8] =	dma.local @!p0 [hbm:s6], $0xF7A  }
0x23: {  	s9 =	sor.u32 $0xD0000000, s2;
	s6 =	simm.s32 $0x108;
	_ =	swait.ge @!p0 [sflag:s8], $0x0  }
0x24: {  	s3 =	sadd.s32 $0x88, s3;
	s6 =	simm.s32 @!p1 $0x1082;
	[sflag:s4] =	ssyncset.s32 $0xFFFFF086  }
0x25: {  	[simem:s6], [sflag:s4] =	dma.local [hbm:s3], $0xF7A  }
0x26: {  	[smem:$0x3F98] =	sst s1;
	(tag) =	ssettag s2;
	_ =	strace s9  }
0x27: {  	s1 =	sld [smem:$0x3FA8]  }
0x28: {  	s2 =	sld [smem:$0x3FA9]  }
0x29: {  	s4 =	sld [smem:$0x3FAB]  }
0x2a: {  	p0 =	seq.s32 s5, $0x0;
	s5 =	sld [smem:$0x3FAC]  }
0x2b: {  	s6 =	sld [smem:$0x3FAD]  }
0x2c: {  	s7 =	sld [smem:$0x3FAE]  }
0x2d: {  	s3 =	simm.s32 $0x108;
	s8 =	sld [smem:$0x3FAF]  }
0x2e: {  	s3 =	simm.s32 @!p0 $0x1082;
	s9 =	sld [smem:$0x3FB0]  }
0x2f: {  	lr =	sadd.s32 s0, s3;
	s0 =	sld [smem:$0x3FA7]  }
0x30: {  	s3 =	sld [smem:$0x3FAA]  }
0x31: {  	[smem:$0x3FB3] =	sst s10  }
0x32: {  	s10 =	sld [smem:$0x3FB1];
	_ =	sdelay $0x3  }
0x33: {  	p0 =	seq.s32 s10, $0x1;
	s10 =	sld [smem:$0x3FB3];
	_ =	sdelay $0x3  }
0x34: {  	[smem:$0x3FB3] =	sst s10  }
0x35: {  	s10 =	sld [smem:$0x3FB2];
	_ =	sdelay $0x3  }
0x36: {  	p1 =	seq.s32 s10, $0x1;
	s10 =	sld [smem:$0x3FB3];
	_ =	sdelay $0x3  }
0x37: {  	[smem:$0x3FB3] =	sst s10  }
0x38: {  	s10 =	sld [smem:$0x3FB4]  }
0x39: {  	_ = 	snop;
	(pc) =	sbr.ind lr, $3  }
0x3a: {  	_ = 	snop  }
0x3b: {  	_ = 	snop  }
0x3c: {  	p2 =	seq.s32 s10, $0x1;
	s10 =	sld [smem:$0x3FB3]  }
0x3d: {  	_ =	shalt  }
0x3e: {  	_ =	shalt  }
0x3f: {  	_ =	shalt  }
0x40: {  	_ =	shalt  }
0x41: {  	_ =	shalt  }
0x42: {  	_ =	shalt  }
0x43: {  	_ =	shalt  }
0x44: {  	_ =	shalt  }
0x45: {  	_ =	shalt  }
0x46: {  	_ =	shalt  }
0x47: {  	_ =	shalt  }
0x48: {  	_ =	shalt  }
0x49: {  	_ =	shalt  }
0x4a: {  	_ =	shalt  }
0x4b: {  	_ =	shalt  }
0x4c: {  	_ =	shalt  }
0x4d: {  	_ =	shalt  }
0x4e: {  	_ =	shalt  }
0x4f: {  	_ =	shalt  }
0x50: {  	_ =	shalt  }
0x51: {  	_ =	shalt  }
0x52: {  	_ =	shalt  }
0x53: {  	_ =	shalt  }
0x54: {  	_ =	shalt  }
0x55: {  	_ =	shalt  }
0x56: {  	_ =	shalt  }
0x57: {  	_ =	shalt  }
0x58: {  	_ =	shalt  }
0x59: {  	_ =	shalt  }
0x5a: {  	_ =	shalt  }
0x5b: {  	_ =	shalt  }
0x5c: {  	_ =	shalt  }
0x5d: {  	_ =	shalt  }
0x5e: {  	_ =	shalt  }
0x5f: {  	_ =	shalt  }
0x60: {  	_ =	shalt  }
0x61: {  	_ =	shalt  }
0x62: {  	_ =	shalt  }
0x63: {  	_ =	shalt  }
0x64: {  	_ =	shalt  }
0x65: {  	_ =	shalt  }
0x66: {  	_ =	shalt  }
0x67: {  	_ =	shalt  }
0x68: {  	_ =	shalt  }
0x69: {  	_ =	shalt  }
0x6a: {  	_ =	shalt  }
0x6b: {  	_ =	shalt  }
0x6c: {  	_ =	shalt  }
0x6d: {  	_ =	shalt  }
0x6e: {  	_ =	shalt  }
0x6f: {  	_ =	shalt  }
0x70: {  	_ =	shalt  }
0x71: {  	_ =	shalt  }
0x72: {  	_ =	shalt  }
0x73: {  	_ =	shalt  }
0x74: {  	_ =	shalt  }
0x75: {  	_ =	shalt  }
0x76: {  	_ =	shalt  }
0x77: {  	_ =	shalt  }
0x78: {  	_ =	shalt  }
0x79: {  	_ =	shalt  }
0x7a: {  	_ =	shalt  }
0x7b: {  	_ =	shalt  }
0x7c: {  	_ =	shalt  }
0x7d: {  	_ =	shalt  }
0x7e: {  	_ =	shalt  }
0x7f: {  	_ =	shalt  }
0x80: {  	_ =	shalt  }
0x81: {  	_ =	shalt  }
0x82: {  	_ =	shalt  }
0x83: {  	_ =	shalt  }
0x84: {  	_ =	shalt  }
0x85: {  	_ =	shalt  }
0x86: {  	_ =	shalt  }
0x87: {  	_ =	shalt  }
.Lfunc_end0:
.L_simem_size_0:
called_computation_lowered:
.L_overlay_start_0:
0x88: {  	s2 =	sld [smem:$0x3FD9]  }
0x89: {  	s3 =	sld [smem:$0x3FFE];
	_ =	sdelay $0x1  }
0x8a: {  	s1 =	srdreg.scid  }
0x8b: {  	s0 =	sand.u32 $0x1, s1  }
0x8c: {  	s16 =	sshll.u32 s0, $0xA;
	s2 =	sadd.s32 s3, s2  }
0x8d: {  	s2 =	sadd.s32 s2, s16  }
0x8e: {  	[smem:$0x3FBF] =	sst s2  }
0x8f: {  	_ = 	snop  }
0x90: {  	(tm) =	ssettm $0x1  }
0x91: {  	s17 =	sld [smem:$0x3FFB];
	_ =	sdelay $0x3  }
0x92: {  	_ =	strace s17  }
0x93: {  	s2 =	sld [smem:$0x3FFC];
	_ =	sdelay $0x3  }
0x94: {  	_ =	strace s2  }
0x95: {  	s2 =	sld [smem:$0x3FFD];
	_ =	sdelay $0x3  }
0x96: {  	_ =	strace s2  }
0x97: {  	_ =	strace $0x8FFFFFFF  }
0x98: {  	s18 =	sld [smem:$0x3FDB];
	_ =	sdelay $0x1  }
0x99: {  	s19 =	simm.s32 $_scs_section_size  }
0x9a: {  	s4 =	simm.s32 $_size__tile_overlayer_lowered;
	s5 =	simm.s32 $_tile_overlayer_lowered  }
0x9b: {  	s22 =	simm.s32 $0x1BFF;
	s21 =	sshll.u32 s5, $0x1;
	s2 =	sadd.s32 s19, s18  }
0x9c: {  	s6 =	simm.s32 $0x0;
	s20 =	sshll.u32 s4, $0x1;
	s4 =	sadd.s32 s21, s2  }
0x9d: {  	[timem:s6], [sflag:s22] =	dma.local [hbm:s4], s20  }
0x9e: {  	_ =	swait.ge [sflag:s22], s20  }
0x9f: {  	s3 =	ssub.s32 $0x0, s20;
	[sflag:s22] =	ssyncset.done $0x0  }
0xa0: {  	[sflag:s22] =	ssyncadd.s32 s3;
	_ =	sdelay $0x1  }
0xa1: {  	s23 =	simm.s32 $0x1B8B  }
0xa2: {  	_ =	swait.ge [sflag:s23], $0x1  }
0xa3: {  	[sflag:s23] =	ssyncset.done $0x0  }
0xa4: {  	s25 =	simm.s32 $0x1B8E;
	s24 =	sld [smem:$0x3FFE];
	[sflag:s23] =	ssyncadd.s32 $0xFFFFFFFF  }
0xa5: {  	s26 =	simm.s32 $execute0_lowered;
	[smem:$0x3FD2] =	sst s25  }
0xa6: {  	s4 =	sshll.u32 s26, $0x1;
	_ =	strace $0x80000046;
	[dreg:$0x1] =	wrdreg $0xFFFFFFFF  }
0xa7: {  	s28 =	simm.s32 $_size_execute0_lowered;
	s2 =	sadd.s32 s2, s4;
	[dreg:$0x0] =	wrdreg $0x0  }
0xa8: {  	s4 =	sshll.u32 s28, $0x1;
	[dreg:$0x2] =	wrdreg s2  }
0xa9: {  	[dreg:$0x3] =	wrdreg s4  }
0xaa: {  	[dreg:$0x4] =	wrdreg $0xC0  }
0xab: {  	_ =	task [dreg:s6], $0x5FFFF  }
0xac: {  	[dreg:$0x1] =	wrdreg $0xFFFFFFFF  }
0xad: {  	[dreg:$0x0] =	wrdreg $0x60  }
0xae: {  	[dreg:$0x2] =	wrdreg s24  }
0xaf: {  	[dreg:$0x3] =	wrdreg $0x94000  }
0xb0: {  	[dreg:$0x4] =	wrdreg $0x9  }
0xb1: {  	_ =	task.clear_ibuf [dreg:s6], $0x5FFFF;
	_ =	strace $0x90000046  }
0xb2: {  	s29 =	simm.s32 $0x9;
	_ =	strace $0x80000048  }
0xb3: {  	_ =	swait.ge [sflag:s29], $0x1  }
0xb4: {  	[sflag:s29] =	ssyncadd.s32 $0xFFFFFFFF  }
0xb5: {  	_ =	strace $0x90000048  }
0xb6: {  	_ =	sfence  }
0xb7: {  	s30 =	sld [smem:$0x0];
	_ =	sdelay $0x2  }
0xb8: {  	s31 =	sshll.u32 s1, $0xD;
	s1 =	sshrl.u32 s1, $0x2  }
0xb9: {  	s3 =	sand.u32 $0x4000, s31;
	s1 =	sadd.s32 s1, s30  }
0xba: {  	s0 =	sor.u32 s3, s0;
	s1 =	sshll.u32 s1, $0x11  }
0xbb: {  	s0 =	sor.u32 s1, s0  }
0xbc: {  	s0 =	sadd.s32 $0x8F2B, s0  }
0xbd: {  	[sflag:s0] =	ssyncadd.remote.s32 $0x1  }
0xbe: {  	_ =	sfence.sel $0xFFFF  }
0xbf: {  	[dreg:$0x0] =	wrdreg $0xFFFFFFFF;
	(pc) =	sbr.abs _section_cstart, $3  }
0xc0: {  	[dreg:$0x1] =	wrdreg $0xFFFFFFFF  }
0xc1: {  	_ =	task.clear_ibuf [dreg:s6], $0x2FFFF;
	_ =	strace $0x9FFFFFFF  }
0xc2: {  	(tm) =	ssettm $0x7FFFFFFF  }
0xc3: {  	_ =	shalt  }
tec
execute0_lowered:
.L_overlay_start_1:
0x0: {  	(tag) =	ssettag $0x1  }
0x1: {  	s4 =	rddreg [dreg:$0x0]  }
0x2: {  	s1 =	rddreg [dreg:$0x1]  }
0x3: {  	s2 =	srdreg.scid;
	s0 =	rddreg [dreg:$0x2];
	s3 =	simm.s32 $0x0  }
0x4: {  	s15 =	simm.s32 $0x6800;
	s16 =	simm.s32 $0x1;
	s5 =	sand.u32 $0x1, s2  }
0x5: {  	s17 =	simm.s32 $0x80;
	s2 =	stileid.u32;
	s7 =	smul.u32 $0x140000, s5  }
0x6: {  	s18 =	simm.s32 $0x2800;
	[smem:$0x7FF] =	sst s3;
	s8 =	smul.u32 $0x14000, s2  }
0x7: {  	s6 =	sshll.u32 s5, $0x4;
	_ =	strace $0x80000047;
	s29 =	smul.u32 $0x50000, s2  }
0x8: {  	s5 =	ssub.s32 $0x2, s5;
	s10 =	smul.u32 $0x51000, s2;
	s19 =	sshll.u32 s2, $0x6  }
0x9: {  	s6 =	sor.u32 s2, s6;
	s9 =	sshrl.u32 s5, $0x1;
	s19 =	sor.u32 $0x1C01, s19  }
0xa: {  	s6 =	smul.u32 $0x500, s6;
	s7 =	sadd.s32 s8, s7;
	s9 =	ssub.s32 s5, s9  }
0xb: {  	s30 =	sshrl.u32 s29, $0x2;
	s31 =	sshrl.u32 s10, $0x2;
	s7 =	sshrl.u32 s7, $0x3  }
0xc: {  	s20 =	sadd.s32 s30, s1;
	s6 =	sadd.s32 s6, s4;
	s7 =	sadd.s32 s7, s4  }
0xd: {  	s20 =	sshrl.u32 s20, $0x3;
	s4 =	sadd.s32 $0x1E00, s6;
	s6 =	sadd.s32 s31, s1  }
0xe: {  	s5 =	sadd.s32 $0xBE00, s7;
	s7 =	smax.u32 s9, $0x1;
	s8 =	sadd.s32 $0x2880, s6  }
0xf: {  	s9 =	sadd.s32 $0x5100, s6;
	s10 =	sadd.s32 $0x7980, s6;
	s11 =	sadd.s32 $0xA200, s6  }
0x10: {  	v0 =	vimm.f32 $1.000000000e+00;
	v1 =	vimm.f32 $0.0e+00;
	s12 =	sadd.s32 $0xCA80, s6;
	s13 =	sadd.s32 $0xF300, s6;
	s14 =	sadd.s32 $0x11B80, s6  }
.LBB2_1:
0x11: {  	s21 =	simm.s32 $0x0  }
.LBB2_2:
0x12: {  	p0 =	sne.s32 s21, $0xFE00  }
.Ltmp0:
0x13: {  	_ = 	snop;
	(pc) =	sbr.rel @p0 .LBB2_2-.Ltmp0, $3  }
0x14: {  	_ =	sdelay $0x1  }
0x15: {  	s22 =	sshra.s32 s21, $0x2  }
0x16: {  	s21 =	sadd.s32 $0x200, s21;
	[tilespmem:s22+$0x2800] =	vst v0  }
0x17: {  	s21 =	simm.s32 $0x200;
	s22 =	simm.s32 $0x0  }
.LBB2_4:
0x18: {  	p0 =	sne.s32 s21, $0xA000;
	[tilespmem:s22+$0x6800] =	vst v1;
	s22 =	smov.u32 s21;
	s21 =	sadd.s32 $0x200, s21  }
.Ltmp1:
0x19: {  	(pc) =	sbr.rel @p0 .LBB2_4-.Ltmp1, $2  }
0x1a: {  	_ =	sdelay $0x2  }
0x1b: {  	s22 =	sshra.s32 s22, $0x2  }
0x1c: {  	[tilespmem:s22+$0x6800] =	vst v1  }
0x1d: {  	[spmem:s6] =	stream.linear.scatter [tilespmem:s15], [sflag:$0x1], $0x2880, $0x38;
	[tilespmem:$0xBC80] =	vst v63  }
0x1e: {  	_ =	swait.ge [sflag:s16], $0x2880  }
0x1f: {  	[sflag:s16] =	ssyncset.done $0x0  }
0x20: {  	[sflag:s16] =	ssyncadd.s32 $0xFFFFD780  }
0x21: {  	[spmem:s8] =	stream.linear.scatter [tilespmem:s15], [sflag:$0x1], $0x2880, $0x38;
	[tilespmem:$0xBC80] =	vst v63  }
0x22: {  	_ =	swait.ge [sflag:s16], $0x2880  }
0x23: {  	[sflag:s16] =	ssyncset.done $0x0  }
0x24: {  	[sflag:s16] =	ssyncadd.s32 $0xFFFFD780  }
0x25: {  	[spmem:s9] =	stream.linear.scatter [tilespmem:s15], [sflag:$0x1], $0x2880, $0x38;
	[tilespmem:$0xBC80] =	vst v63  }
0x26: {  	_ =	swait.ge [sflag:s16], $0x2880  }
0x27: {  	[sflag:s16] =	ssyncset.done $0x0  }
0x28: {  	[sflag:s16] =	ssyncadd.s32 $0xFFFFD780  }
0x29: {  	[spmem:s10] =	stream.linear.scatter [tilespmem:s15], [sflag:$0x1], $0x2880, $0x38;
	[tilespmem:$0xBC80] =	vst v63  }
0x2a: {  	_ =	swait.ge [sflag:s16], $0x2880  }
0x2b: {  	[sflag:s16] =	ssyncset.done $0x0  }
0x2c: {  	[sflag:s16] =	ssyncadd.s32 $0xFFFFD780  }
0x2d: {  	[spmem:s11] =	stream.linear.scatter [tilespmem:s15], [sflag:$0x1], $0x2880, $0x38;
	[tilespmem:$0xBC80] =	vst v63  }
0x2e: {  	_ =	swait.ge [sflag:s16], $0x2880  }
0x2f: {  	[sflag:s16] =	ssyncset.done $0x0  }
0x30: {  	[sflag:s16] =	ssyncadd.s32 $0xFFFFD780  }
0x31: {  	[spmem:s12] =	stream.linear.scatter [tilespmem:s15], [sflag:$0x1], $0x2880, $0x38;
	[tilespmem:$0xBC80] =	vst v63  }
0x32: {  	_ =	swait.ge [sflag:s16], $0x2880  }
0x33: {  	[sflag:s16] =	ssyncset.done $0x0  }
0x34: {  	[sflag:s16] =	ssyncadd.s32 $0xFFFFD780  }
0x35: {  	[spmem:s13] =	stream.linear.scatter [tilespmem:s15], [sflag:$0x1], $0x2880, $0x38;
	[tilespmem:$0xBC80] =	vst v63  }
0x36: {  	_ =	swait.ge [sflag:s16], $0x2880  }
0x37: {  	[sflag:s16] =	ssyncset.done $0x0  }
0x38: {  	[sflag:s16] =	ssyncadd.s32 $0xFFFFD780  }
0x39: {  	[spmem:s14] =	stream.linear.scatter [tilespmem:s15], [sflag:$0x1], $0x2880, $0x38;
	[tilespmem:$0xBC80] =	vst v63  }
0x3a: {  	_ =	swait.ge [sflag:s16], $0x2880  }
0x3b: {  	[sflag:s16] =	ssyncset.done $0x0  }
0x3c: {  	[sflag:s16] =	ssyncadd.s32 $0xFFFFD780  }
0x3d: {  	s21 =	simm.s32 $0x0;
	[bflag:$0x0] =	sbarrier.arrive $0xFFFF  }
0x3e: {  	[tilespmem:s21], [sflag:$0x1] =	stream.linear.gather [hbm4b:s4+s21], $0x2780, $0x38;
	[tilespmem:$0xBC80] =	vst v63  }
0x3f: {  	_ =	swait.ge [sflag:s16], $0x2780  }
0x40: {  	[sflag:s16] =	ssyncset.done $0x0  }
0x41: {  	s31 =	simm.s32 $0x0;
	[sflag:s16] =	ssyncadd.s32 $0xFFFFD880  }
0x42: {  	[spmem:s1] =	stream.indirect.scatter.add.f32 [tilespmem:s18], [sflag:$0x1], $0x10, s31, s17, $0xb8;
	[tilespmem:$0xBC80] =	vst v63  }
0x43: {  	_ =	swait.ge [sflag:s16], $0x800  }
0x44: {  	s21 =	simm.s32 $0x200;
	[sflag:s16] =	ssyncset.done $0x0  }
.LBB2_6:
0x45: {  	s22 =	sshra.s32 s21, $0x2;
	[sflag:s16] =	ssyncadd.s32 $0xFFFFF800;
	p0 =	sne.s32 s21, $0x9C00  }
0x46: {  	[spmem:s1] =	stream.indirect.scatter.add.f32 [tilespmem:s18], [sflag:$0x1], $0x10, s22, s17, $0xb8;
	[tilespmem:$0xBC80] =	vst v63  }
.Ltmp2:
0x47: {  	_ = 	snop;
	(pc) =	sbr.rel @p0 .LBB2_6-.Ltmp2, $4  }
0x48: {  	_ = 	snop  }
0x49: {  	s21 =	sadd.s32 $0x200, s21  }
0x4a: {  	_ =	swait.ge [sflag:s16], $0x800  }
0x4b: {  	[sflag:s16] =	ssyncset.done $0x0  }
0x4c: {  	s3 =	sadd.s32 $0x1, s3  }
0x4d: {  	[sflag:s16] =	ssyncadd.s32 $0xFFFFF800;
	p0 =	sne.s32 s3, s7  }
.Ltmp3:
0x4e: {  	[bflag:$0x0] =	sbarrier.arrive $0xFFFF;
	(pc) =	sbr.rel @p0 .LBB2_1-.Ltmp3, $4  }
0x4f: {  	[hbm:s5], [sflag:s19] =	dma.local [spmem:s20], $0x2800  }
0x50: {  	_ =	swait.ge [sflag:s16], $0x2800  }
0x51: {  	[sflag:s16] =	ssyncset.done $0x0  }
0x52: {  	[sflag:s16] =	ssyncadd.s32 $0xFFFFD800  }
0x53: {  	_ =	sfence.sel $0x180000  }
0x54: {  	[bflag:$0x0] =	sbarrier.arrive $0xFFFF  }
0x55: {  	p0 =	sne.s32 s2, $0x0;
	_ =	strace $0x90000047  }
0x56: {  	s0 =	sadd.s32 @!p0 $0x100000, s0;
	[bflag:$0x2] =	sbarrier.arrive $0xFFFF  }
0x57: {  	[sflag:s0] =	ssyncadd.tile.s32 @!p0 $0x1;
	_ =	shalt  }
.Lfunc_end2:
_tile_overlayer_lowered:
.L_overlay_start_2:
0x58: {  	(tag) =	ssettag $0x2  }
0x59: {  	s0 =	rddreg [dreg:$0x0];
	s2 =	stileid.u32  }
0x5a: {  	s1 =	rddreg [dreg:$0x1];
	p0 =	sne.s32 s2, $0x0  }
0x5b: {  	s3 =	rddreg [dreg:$0x2];
	[bflag:$0x3] =	sbarrier.arrive $0xFFFF;
	s2 =	simm.s32 @!p0 $0x1C01  }
0x5c: {  	[timem:s3], [sflag:s2] =	dma.local @!p0 [hbm:s0], s1  }
0x5d: {  	s0 =	simm.s32 @!p0 $0x1  }
0x5e: {  	_ =	swait.ge @!p0 [sflag:s0], s1  }
0x5f: {  	s1 =	ssub.s32 @!p0 $0x0, s1;
	[sflag:s0] =	ssyncset.done @!p0 $0x0  }
0x60: {  	[sflag:s0] =	ssyncadd.s32 @!p0 s1  }
0x61: {  	[bflag:$0x3] =	sbarrier.arrive $0xFFFF  }
0x62: {  	_ =	shalt  }

// kernel: kernel.13.cloned.1.call-start
scs
__scs_entry_jumppad:
0x0: {  	(pc) =	sbr.rel $0x88, $3  }
0x1: {  	(tag) =	ssettag $0x0;
	lr =	simm.s32 $0x1  }
0x2: {  	[smem:$0x3F98] =	sst lr;
	_ =	strace $0xD0000000  }
0x3: {  	_ = 	snop  }
0x4: {  	_ = 	snop  }
0x5: {  	_ = 	snop  }
0x6: {  	_ = 	snop  }
0x7: {  	_ = 	snop  }
__scs_overlays_trampoline_lowered:
0x8: {  	[smem:$0x3FA7] =	sst s0  }
0x9: {  	[smem:$0x3FA8] =	sst s1  }
0xa: {  	[smem:$0x3FA9] =	sst s2  }
0xb: {  	[smem:$0x3FAA] =	sst s3  }
0xc: {  	[smem:$0x3FAB] =	sst s4  }
0xd: {  	[smem:$0x3FAC] =	sst s5  }
0xe: {  	[smem:$0x3FAD] =	sst s6  }
0xf: {  	[smem:$0x3FAE] =	sst s7  }
0x10: {  	[smem:$0x3FAF] =	sst s8  }
0x11: {  	[smem:$0x3FB0] =	sst s9;
	s0 =	simm.s32 @!p0 $0x0  }
0x12: {  	s1 =	sld [smem:$0x3F96];
	s0 =	simm.s32 @p0 $0x1  }
0x13: {  	[smem:$0x3FB1] =	sst s0;
	s0 =	simm.s32 @!p1 $0x0  }
0x14: {  	s2 =	sld [smem:$0x3F95];
	s0 =	simm.s32 @p1 $0x1  }
0x15: {  	[smem:$0x3FB2] =	sst s0;
	s0 =	simm.s32 @!p2 $0x0  }
0x16: {  	s3 =	sld [smem:$0x3FDB];
	s0 =	simm.s32 @p2 $0x1  }
0x17: {  	s4 =	simm.s32 $0x1BF5;
	[smem:$0x3FB4] =	sst s0  }
0x18: {  	s0 =	sld [smem:$0x3F97];
	_ =	swait.ge [sflag:s4], $0x0  }
0x19: {  	s7 =	sld [smem:$0x3F98]  }
0x1a: {  	s8 =	sadd.s32 $0xFFFFE003, lr  }
0x1b: {  	s9 =	sadd.s32 $0xFFFFFEF7, lr;
	s5 =	simm.s32 $0xFFFFFFFF;
	p2 =	slt.u32 s8, $0xFFFFF086  }
0x1c: {  	p1 =	slt.u32 s9, $0xF7A;
	s5 =	simm.s32 @!p2 $0x0  }
0x1d: {  	s5 =	simm.s32 @p1 $0x1;
	p0 =	seq.s32 s7, s2  }
0x1e: {  	s7 =	smul.u32 @!p0 $0xF7A, s2;
	p2 =	seq.s32 @!p0 s5, $0x0  }
0x1f: {  	s9 =	smul.u32 $0xF7A, s1;
	s8 =	simm.s32 @!p0 $0x1BF5;
	p2 =	por !p2, p0  }
0x20: {  	[sflag:s8] =	ssyncset.s32 @!p0 $0xFFFFF086;
	s6 =	sadd.s32 @!p0 s3, s7;
	s7 =	simm.s32 @!p0 $0x108  }
0x21: {  	s3 =	sadd.s32 s3, s9;
	s6 =	sadd.s32 @!p0 $0x88, s6;
	s7 =	simm.s32 @p2 $0x1082  }
0x22: {  	[simem:s7], [sflag:s8] =	dma.local @!p0 [hbm:s6], $0xF7A  }
0x23: {  	s9 =	sor.u32 $0xD0000000, s2;
	s6 =	simm.s32 $0x108;
	_ =	swait.ge @!p0 [sflag:s8], $0x0  }
0x24: {  	s3 =	sadd.s32 $0x88, s3;
	s6 =	simm.s32 @!p1 $0x1082;
	[sflag:s4] =	ssyncset.s32 $0xFFFFF086  }
0x25: {  	[simem:s6], [sflag:s4] =	dma.local [hbm:s3], $0xF7A  }
0x26: {  	[smem:$0x3F98] =	sst s1;
	(tag) =	ssettag s2;
	_ =	strace s9  }
0x27: {  	s1 =	sld [smem:$0x3FA8]  }
0x28: {  	s2 =	sld [smem:$0x3FA9]  }
0x29: {  	s4 =	sld [smem:$0x3FAB]  }
0x2a: {  	p0 =	seq.s32 s5, $0x0;
	s5 =	sld [smem:$0x3FAC]  }
0x2b: {  	s6 =	sld [smem:$0x3FAD]  }
0x2c: {  	s7 =	sld [smem:$0x3FAE]  }
0x2d: {  	s3 =	simm.s32 $0x108;
	s8 =	sld [smem:$0x3FAF]  }
0x2e: {  	s3 =	simm.s32 @!p0 $0x1082;
	s9 =	sld [smem:$0x3FB0]  }
0x2f: {  	lr =	sadd.s32 s0, s3;
	s0 =	sld [smem:$0x3FA7]  }
0x30: {  	s3 =	sld [smem:$0x3FAA]  }
0x31: {  	[smem:$0x3FB3] =	sst s10  }
0x32: {  	s10 =	sld [smem:$0x3FB1];
	_ =	sdelay $0x3  }
0x33: {  	p0 =	seq.s32 s10, $0x1;
	s10 =	sld [smem:$0x3FB3];
	_ =	sdelay $0x3  }
0x34: {  	[smem:$0x3FB3] =	sst s10  }
0x35: {  	s10 =	sld [smem:$0x3FB2];
	_ =	sdelay $0x3  }
0x36: {  	p1 =	seq.s32 s10, $0x1;
	s10 =	sld [smem:$0x3FB3];
	_ =	sdelay $0x3  }
0x37: {  	[smem:$0x3FB3] =	sst s10  }
0x38: {  	s10 =	sld [smem:$0x3FB4]  }
0x39: {  	_ = 	snop;
	(pc) =	sbr.ind lr, $3  }
0x3a: {  	_ = 	snop  }
0x3b: {  	_ = 	snop  }
0x3c: {  	p2 =	seq.s32 s10, $0x1;
	s10 =	sld [smem:$0x3FB3]  }
0x3d: {  	_ =	shalt  }
0x3e: {  	_ =	shalt  }
0x3f: {  	_ =	shalt  }
0x40: {  	_ =	shalt  }
0x41: {  	_ =	shalt  }
0x42: {  	_ =	shalt  }
0x43: {  	_ =	shalt  }
0x44: {  	_ =	shalt  }
0x45: {  	_ =	shalt  }
0x46: {  	_ =	shalt  }
0x47: {  	_ =	shalt  }
0x48: {  	_ =	shalt  }
0x49: {  	_ =	shalt  }
0x4a: {  	_ =	shalt  }
0x4b: {  	_ =	shalt  }
0x4c: {  	_ =	shalt  }
0x4d: {  	_ =	shalt  }
0x4e: {  	_ =	shalt  }
0x4f: {  	_ =	shalt  }
0x50: {  	_ =	shalt  }
0x51: {  	_ =	shalt  }
0x52: {  	_ =	shalt  }
0x53: {  	_ =	shalt  }
0x54: {  	_ =	shalt  }
0x55: {  	_ =	shalt  }
0x56: {  	_ =	shalt  }
0x57: {  	_ =	shalt  }
0x58: {  	_ =	shalt  }
0x59: {  	_ =	shalt  }
0x5a: {  	_ =	shalt  }
0x5b: {  	_ =	shalt  }
0x5c: {  	_ =	shalt  }
0x5d: {  	_ =	shalt  }
0x5e: {  	_ =	shalt  }
0x5f: {  	_ =	shalt  }
0x60: {  	_ =	shalt  }
0x61: {  	_ =	shalt  }
0x62: {  	_ =	shalt  }
0x63: {  	_ =	shalt  }
0x64: {  	_ =	shalt  }
0x65: {  	_ =	shalt  }
0x66: {  	_ =	shalt  }
0x67: {  	_ =	shalt  }
0x68: {  	_ =	shalt  }
0x69: {  	_ =	shalt  }
0x6a: {  	_ =	shalt  }
0x6b: {  	_ =	shalt  }
0x6c: {  	_ =	shalt  }
0x6d: {  	_ =	shalt  }
0x6e: {  	_ =	shalt  }
0x6f: {  	_ =	shalt  }
0x70: {  	_ =	shalt  }
0x71: {  	_ =	shalt  }
0x72: {  	_ =	shalt  }
0x73: {  	_ =	shalt  }
0x74: {  	_ =	shalt  }
0x75: {  	_ =	shalt  }
0x76: {  	_ =	shalt  }
0x77: {  	_ =	shalt  }
0x78: {  	_ =	shalt  }
0x79: {  	_ =	shalt  }
0x7a: {  	_ =	shalt  }
0x7b: {  	_ =	shalt  }
0x7c: {  	_ =	shalt  }
0x7d: {  	_ =	shalt  }
0x7e: {  	_ =	shalt  }
0x7f: {  	_ =	shalt  }
0x80: {  	_ =	shalt  }
0x81: {  	_ =	shalt  }
0x82: {  	_ =	shalt  }
0x83: {  	_ =	shalt  }
0x84: {  	_ =	shalt  }
0x85: {  	_ =	shalt  }
0x86: {  	_ =	shalt  }
0x87: {  	_ =	shalt  }
.Lfunc_end0:
.L_simem_size_0:
called_computation.1_lowered:
.L_overlay_start_0:
0x88: {  	s2 =	sld [smem:$0x3FD9]  }
0x89: {  	s3 =	sld [smem:$0x3FFE];
	_ =	sdelay $0x1  }
0x8a: {  	s1 =	srdreg.scid  }
0x8b: {  	s0 =	sand.u32 $0x1, s1  }
0x8c: {  	s16 =	sshll.u32 s0, $0xA;
	s2 =	sadd.s32 s3, s2  }
0x8d: {  	s2 =	sadd.s32 s2, s16  }
0x8e: {  	[smem:$0x3FBF] =	sst s2  }
0x8f: {  	_ = 	snop  }
0x90: {  	(tm) =	ssettm $0x1  }
0x91: {  	s17 =	sld [smem:$0x3FFB];
	_ =	sdelay $0x3  }
0x92: {  	_ =	strace s17  }
0x93: {  	s2 =	sld [smem:$0x3FFC];
	_ =	sdelay $0x3  }
0x94: {  	_ =	strace s2  }
0x95: {  	s2 =	sld [smem:$0x3FFD];
	_ =	sdelay $0x3  }
0x96: {  	_ =	strace s2  }
0x97: {  	_ =	strace $0x8FFFFFFF  }
0x98: {  	s18 =	sld [smem:$0x3FDB];
	_ =	sdelay $0x1  }
0x99: {  	s19 =	simm.s32 $_scs_section_size  }
0x9a: {  	s4 =	simm.s32 $_size__tile_overlayer_lowered;
	s5 =	simm.s32 $_tile_overlayer_lowered  }
0x9b: {  	s22 =	simm.s32 $0x1BFF;
	s21 =	sshll.u32 s5, $0x1;
	s2 =	sadd.s32 s19, s18  }
0x9c: {  	s6 =	simm.s32 $0x0;
	s20 =	sshll.u32 s4, $0x1;
	s4 =	sadd.s32 s21, s2  }
0x9d: {  	[timem:s6], [sflag:s22] =	dma.local [hbm:s4], s20  }
0x9e: {  	_ =	swait.ge [sflag:s22], s20  }
0x9f: {  	s3 =	ssub.s32 $0x0, s20;
	[sflag:s22] =	ssyncset.done $0x0  }
0xa0: {  	[sflag:s22] =	ssyncadd.s32 s3;
	_ =	sdelay $0x1  }
0xa1: {  	s23 =	simm.s32 $0x1B8B  }
0xa2: {  	_ =	swait.ge [sflag:s23], $0x1  }
0xa3: {  	[sflag:s23] =	ssyncset.done $0x0  }
0xa4: {  	s25 =	simm.s32 $0x1B8E;
	s24 =	sld [smem:$0x3FFE];
	[sflag:s23] =	ssyncadd.s32 $0xFFFFFFFF  }
0xa5: {  	s26 =	simm.s32 $execute0_lowered;
	[smem:$0x3FD2] =	sst s25  }
0xa6: {  	s4 =	sshll.u32 s26, $0x1;
	_ =	strace $0x80000049;
	[dreg:$0x1] =	wrdreg $0xFFFFFFFF  }
0xa7: {  	s28 =	simm.s32 $_size_execute0_lowered;
	s2 =	sadd.s32 s2, s4;
	[dreg:$0x0] =	wrdreg $0x0  }
0xa8: {  	s4 =	sshll.u32 s28, $0x1;
	[dreg:$0x2] =	wrdreg s2  }
0xa9: {  	[dreg:$0x3] =	wrdreg s4  }
0xaa: {  	[dreg:$0x4] =	wrdreg $0xC0  }
0xab: {  	_ =	task [dreg:s6], $0x5FFFF  }
0xac: {  	[dreg:$0x1] =	wrdreg $0xFFFFFFFF  }
0xad: {  	[dreg:$0x0] =	wrdreg $0x60  }
0xae: {  	[dreg:$0x2] =	wrdreg s24  }
0xaf: {  	[dreg:$0x3] =	wrdreg $0x7D000  }
0xb0: {  	[dreg:$0x4] =	wrdreg $0x9  }
0xb1: {  	_ =	task.clear_ibuf [dreg:s6], $0x5FFFF;
	_ =	strace $0x90000049  }
0xb2: {  	s29 =	simm.s32 $0x9;
	_ =	strace $0x8000004B  }
0xb3: {  	_ =	swait.ge [sflag:s29], $0x1  }
0xb4: {  	[sflag:s29] =	ssyncadd.s32 $0xFFFFFFFF  }
0xb5: {  	_ =	strace $0x9000004B  }
0xb6: {  	_ =	sfence  }
0xb7: {  	s30 =	sld [smem:$0x0];
	_ =	sdelay $0x2  }
0xb8: {  	s31 =	sshll.u32 s1, $0xD;
	s1 =	sshrl.u32 s1, $0x2  }
0xb9: {  	s3 =	sand.u32 $0x4000, s31;
	s1 =	sadd.s32 s1, s30  }
0xba: {  	s0 =	sor.u32 s3, s0;
	s1 =	sshll.u32 s1, $0x11  }
0xbb: {  	s0 =	sor.u32 s1, s0  }
0xbc: {  	s0 =	sadd.s32 $0x8F2B, s0  }
0xbd: {  	[sflag:s0] =	ssyncadd.remote.s32 $0x1  }
0xbe: {  	_ =	sfence.sel $0xFFFF  }
0xbf: {  	[dreg:$0x0] =	wrdreg $0xFFFFFFFF;
	(pc) =	sbr.abs _section_cstart, $3  }
0xc0: {  	[dreg:$0x1] =	wrdreg $0xFFFFFFFF  }
0xc1: {  	_ =	task.clear_ibuf [dreg:s6], $0x2FFFF;
	_ =	strace $0x9FFFFFFF  }
0xc2: {  	(tm) =	ssettm $0x7FFFFFFF  }
0xc3: {  	_ =	shalt  }
tec
execute0_lowered:
.L_overlay_start_1:
0x0: {  	(tag) =	ssettag $0x1  }
0x1: {  	s5 =	rddreg [dreg:$0x0]  }
0x2: {  	s1 =	rddreg [dreg:$0x1];
	s2 =	srdreg.scid  }
0x3: {  	s0 =	rddreg [dreg:$0x2];
	s3 =	simm.s32 $0x0;
	s13 =	sand.u32 $0x1, s2  }
0x4: {  	s14 =	simm.s32 $0x3000;
	s2 =	stileid.u32;
	s6 =	smul.u32 $0x140000, s13  }
0x5: {  	s15 =	simm.s32 $0x3100;
	s16 =	simm.s32 $0x1;
	s7 =	smul.u32 $0x14000, s2  }
0x6: {  	s17 =	simm.s32 $0x3080;
	[smem:$0x7FF] =	sst s3;
	s10 =	smul.u32 $0x1E80, s2  }
0x7: {  	s4 =	sadd.s32 $0x65C00, s5;
	s8 =	sadd.s32 $0x5BE00, s5;
	s28 =	smul.u32 $0x600, s2  }
0x8: {  	_ =	strace $0x8000004A;
	s26 =	ssub.s32 $0x2, s13;
	s30 =	smul.u32 $0x50000, s2  }
0x9: {  	p0 =	seq.s32 s13, $0x0;
	s12 =	smul.u32 $0x51000, s2;
	s9 =	sshrl.u32 s26, $0x1  }
0xa: {  	s6 =	sadd.s32 s7, s6;
	s9 =	ssub.s32 s26, s9;
	s29 =	sshrl.u32 s10, $0x3  }
0xb: {  	s7 =	sadd.s32 s8, s28;
	s10 =	sshrl.u32 s30, $0x2;
	s31 =	sshrl.u32 s12, $0x2  }
0xc: {  	s12 =	simm.s32 $0x2;
	s6 =	sshrl.u32 s6, $0x3;
	s18 =	sadd.s32 s10, s1  }
0xd: {  	s9 =	smax.u32 s9, $0x1;
	s10 =	sadd.s32 s31, s1;
	s11 =	sadd.s32 s6, s5  }
0xe: {  	s5 =	simm.s32 $0x60;
	s6 =	sadd.s32 s8, s29;
	s18 =	sshrl.u32 s18, $0x3  }
0xf: {  	s5 =	simm.s32 @!p0 $0x3D;
	s6 =	sadd.s32 $0x6000, s6;
	s8 =	sadd.s32 $0x8DC00, s11  }
0x10: {  	v0 =	vimm.f32 $0.0e+00;
	s11 =	simm.s32 $0x7100;
	p0 =	sne.s32 s13, $0x0;
	s13 =	simm.s32 $0x80  }
.LBB2_1:
0x11: {  	s19 =	simm.s32 $0x0;
	s20 =	simm.s32 $0x0  }
.LBB2_2:
0x12: {  	p1 =	sne.s32 s20, $0x2FC0  }
.Ltmp0:
0x13: {  	_ = 	snop;
	(pc) =	sbr.rel @p1 .LBB2_2-.Ltmp0, $4  }
0x14: {  	s21 =	sand.u32 $0x3E00, s20  }
0x15: {  	s22 =	sand.u32 $0x70, s19;
	s21 =	sshrl.u32 s21, $0x2  }
0x16: {  	s21 =	sor.u32 s22, s21  }
0x17: {  	s19 =	sadd.s32 $0x10, s19;
	s20 =	sadd.s32 $0x40, s20;
	[tilespmem:s21+$0x7100] =	vst v0  }
0x18: {  	s19 =	sadd.s32 $0x0, s10  }
0x19: {  	[spmem:s19] =	stream.linear.scatter [tilespmem:s11], [sflag:$0x2], $0xC00, $0x38;
	[tilespmem:$0x1C100] =	vst v63  }
0x1a: {  	s19 =	simm.s32 $0x3000;
	_ =	swait.ge [sflag:s12], $0xC00  }
.LBB2_4:
0x1b: {  	s20 =	sshra.s32 s19, $0x2;
	[sflag:s12] =	ssyncset.done $0x0;
	p1 =	sne.s32 s19, $0x4E000  }
.Ltmp1:
0x1c: {  	s20 =	sadd.s32 s20, s10;
	[sflag:s12] =	ssyncadd.s32 $0xFFFFF400;
	(pc) =	sbr.rel @p1 .LBB2_4-.Ltmp1, $3  }
0x1d: {  	[spmem:s20] =	stream.linear.scatter [tilespmem:s11], [sflag:$0x2], $0xC00, $0x38;
	[tilespmem:$0x1C100] =	vst v63  }
0x1e: {  	s19 =	sadd.s32 $0x3000, s19;
	_ =	sdelay $0x1  }
0x1f: {  	_ =	swait.ge [sflag:s12], $0xC00  }
0x20: {  	[sflag:s12] =	ssyncset.done $0x0  }
0x21: {  	s19 =	simm.s32 @p0 $0x0;
	[sflag:s12] =	ssyncadd.s32 $0xFFFFF400  }
0x22: {  	[tilespmem:s19], [sflag:$0x2] =	stream.linear.gather @p0 [hbm4b:s6+s19], $0x1E80, $0x38;
	[tilespmem:$0x1C100] =	vst v63  }
0x23: {  	s19 =	simm.s32 @p0 $0x2  }
0x24: {  	_ =	swait.ge @p0 [sflag:s19], $0x1E80  }
0x25: {  	[sflag:s19] =	ssyncset.done @p0 $0x0  }
0x26: {  	[sflag:s19] =	ssyncadd.s32 @p0 $0xFFFFE180;
	s19 =	simm.s32 @!p0 $0x0  }
0x27: {  	[tilespmem:s19], [sflag:$0x2] =	stream.linear.gather @!p0 [hbm4b:s7+s19], $0x3000, $0x38;
	[tilespmem:$0x1C100] =	vst v63  }
0x28: {  	s19 =	simm.s32 @!p0 $0x2  }
0x29: {  	_ =	swait.ge @!p0 [sflag:s19], $0x3000  }
0x2a: {  	[sflag:s19] =	ssyncset.done @!p0 $0x0  }
0x2b: {  	[sflag:s19] =	ssyncadd.s32 @!p0 $0xFFFFD000  }
0x2c: {  	s19 =	simm.s32 $0x40;
	[bflag:$0x0] =	sbarrier.arrive $0xFFFF  }
0x2d: {  	v1 =	vld [tilespmem:s19+$0xFFFFFFC0];
	_ =	sdelay $0x4  }
0x2e: {  	v2 =	vshra.s32 v1, $0xE  }
0x2f: {  	v1 =	vand.u32 $0x3FFF, v1;
	[tilespmem:$0x3000] =	vst v2  }
0x30: {  	[tilespmem:$0x3080] =	vst v1  }
0x31: {  	v1 =	vld [tilespmem:s19+$0xFFFFFFD0];
	_ =	sdelay $0x4  }
0x32: {  	v2 =	vshra.s32 v1, $0xE  }
0x33: {  	v1 =	vand.u32 $0x3FFF, v1;
	[tilespmem:$0x3010] =	vst v2  }
0x34: {  	[tilespmem:$0x3090] =	vst v1  }
0x35: {  	v1 =	vld [tilespmem:s19+$0xFFFFFFE0];
	_ =	sdelay $0x4  }
0x36: {  	v2 =	vshra.s32 v1, $0xE  }
0x37: {  	v1 =	vand.u32 $0x3FFF, v1;
	[tilespmem:$0x3020] =	vst v2  }
0x38: {  	[tilespmem:$0x30A0] =	vst v1  }
0x39: {  	v1 =	vld [tilespmem:s19+$0xFFFFFFF0];
	_ =	sdelay $0x4  }
0x3a: {  	v2 =	vshra.s32 v1, $0xE  }
0x3b: {  	v1 =	vand.u32 $0x3FFF, v1;
	[tilespmem:$0x3030] =	vst v2  }
0x3c: {  	[tilespmem:$0x30B0] =	vst v1  }
0x3d: {  	v1 =	vld [tilespmem:s19+$0x0];
	_ =	sdelay $0x4  }
0x3e: {  	v2 =	vshra.s32 v1, $0xE  }
0x3f: {  	v1 =	vand.u32 $0x3FFF, v1;
	[tilespmem:$0x3040] =	vst v2  }
0x40: {  	[tilespmem:$0x30C0] =	vst v1  }
0x41: {  	v1 =	vld [tilespmem:s19+$0x10];
	_ =	sdelay $0x4  }
0x42: {  	v2 =	vshra.s32 v1, $0xE  }
0x43: {  	v1 =	vand.u32 $0x3FFF, v1;
	[tilespmem:$0x3050] =	vst v2  }
0x44: {  	[tilespmem:$0x30D0] =	vst v1  }
0x45: {  	v1 =	vld [tilespmem:s19+$0x20];
	_ =	sdelay $0x4  }
0x46: {  	v2 =	vshra.s32 v1, $0xE  }
0x47: {  	v1 =	vand.u32 $0x3FFF, v1;
	[tilespmem:$0x3060] =	vst v2  }
0x48: {  	[tilespmem:$0x30E0] =	vst v1  }
0x49: {  	v1 =	vld [tilespmem:s19+$0x30]  }
0x4a: {  	p1 =	sne.s32 s5, $0x1  }
.Ltmp2:
0x4b: {  	_ = 	snop;
	(pc) =	sbr.rel @!p1 .LBB2_7-.Ltmp2, $3  }
0x4c: {  	_ =	sdelay $0x1  }
0x4d: {  	v2 =	vshra.s32 v1, $0xE  }
0x4e: {  	s20 =	sadd.s32 $0xFFFFFFFF, s5;
	v1 =	vand.u32 $0x3FFF, v1;
	[tilespmem:$0x3070] =	vst v2  }
.LBB2_6:
0x4f: {  	p1 =	sne.s32 s20, $0x1;
	s20 =	sadd.s32 $0xFFFFFFFF, s20;
	[tilespmem:$0x30F0] =	vst v1;
	s19 =	sadd.s32 $0x80, s19  }
0x50: {  	[tilespmem:s15], [sflag:$0x1] =	stream.indirect.gather [hbm4b:s4+s13], $0x80, s14, s13, $0xb8;
	[tilespmem:$0x1C100] =	vst v63  }
0x51: {  	_ =	swait.ge [sflag:s16], $0x4000  }
0x52: {  	[sflag:s16] =	ssyncset.done $0x0  }
0x53: {  	[sflag:s16] =	ssyncadd.s32 $0xFFFFC000  }
0x54: {  	[spmem:s1] =	stream.indirect.scatter.add.f32 [tilespmem:s15], [sflag:$0x2], $0x80, s17, s13, $0xb8;
	[tilespmem:$0x1C100] =	vst v63  }
0x55: {  	_ =	swait.ge [sflag:s12], $0x4000  }
0x56: {  	[sflag:s12] =	ssyncset.done $0x0  }
0x57: {  	[sflag:s12] =	ssyncadd.s32 $0xFFFFC000  }
0x58: {  	v1 =	vld [tilespmem:s19+$0xFFFFFFC0];
	_ =	sdelay $0x4  }
0x59: {  	v2 =	vshra.s32 v1, $0xE;
	v1 =	vand.u32 $0x3FFF, v1  }
0x5a: {  	[tilespmem:$0x3000] =	vst v2  }
0x5b: {  	[tilespmem:$0x3080] =	vst v1  }
0x5c: {  	v1 =	vld [tilespmem:s19+$0xFFFFFFD0];
	_ =	sdelay $0x4  }
0x5d: {  	v2 =	vshra.s32 v1, $0xE;
	v1 =	vand.u32 $0x3FFF, v1  }
0x5e: {  	[tilespmem:$0x3010] =	vst v2  }
0x5f: {  	[tilespmem:$0x3090] =	vst v1  }
0x60: {  	v1 =	vld [tilespmem:s19+$0xFFFFFFE0];
	_ =	sdelay $0x4  }
0x61: {  	v2 =	vshra.s32 v1, $0xE;
	v1 =	vand.u32 $0x3FFF, v1  }
0x62: {  	[tilespmem:$0x3020] =	vst v2  }
0x63: {  	[tilespmem:$0x30A0] =	vst v1  }
0x64: {  	v1 =	vld [tilespmem:s19+$0xFFFFFFF0];
	_ =	sdelay $0x4  }
0x65: {  	v2 =	vshra.s32 v1, $0xE;
	v1 =	vand.u32 $0x3FFF, v1  }
0x66: {  	[tilespmem:$0x3030] =	vst v2  }
0x67: {  	[tilespmem:$0x30B0] =	vst v1  }
0x68: {  	v1 =	vld [tilespmem:s19+$0x0];
	_ =	sdelay $0x4  }
0x69: {  	v2 =	vshra.s32 v1, $0xE;
	v1 =	vand.u32 $0x3FFF, v1  }
0x6a: {  	[tilespmem:$0x3040] =	vst v2  }
0x6b: {  	[tilespmem:$0x30C0] =	vst v1  }
0x6c: {  	v1 =	vld [tilespmem:s19+$0x10];
	_ =	sdelay $0x4  }
0x6d: {  	v2 =	vshra.s32 v1, $0xE;
	v1 =	vand.u32 $0x3FFF, v1  }
0x6e: {  	[tilespmem:$0x3050] =	vst v2  }
0x6f: {  	[tilespmem:$0x30D0] =	vst v1  }
0x70: {  	v1 =	vld [tilespmem:s19+$0x20];
	_ =	sdelay $0x4  }
0x71: {  	v2 =	vshra.s32 v1, $0xE;
	v1 =	vand.u32 $0x3FFF, v1  }
0x72: {  	[tilespmem:$0x3060] =	vst v2  }
0x73: {  	[tilespmem:$0x30E0] =	vst v1  }
0x74: {  	v1 =	vld [tilespmem:s19+$0x30];
	_ =	sdelay $0x1  }
.Ltmp3:
0x75: {  	(pc) =	sbr.rel @p1 .LBB2_6-.Ltmp3, $3  }
0x76: {  	_ =	sdelay $0x1  }
0x77: {  	v2 =	vshra.s32 v1, $0xE;
	v1 =	vand.u32 $0x3FFF, v1  }
0x78: {  	[tilespmem:$0x3070] =	vst v2  }
.LBB2_7:
0x79: {  	[tilespmem:$0x30F0] =	vst v1  }
0x7a: {  	[tilespmem:s15], [sflag:$0x1] =	stream.indirect.gather [hbm4b:s4+s13], $0x80, s14, s13, $0xb8;
	[tilespmem:$0x1C100] =	vst v63  }
0x7b: {  	_ =	swait.ge [sflag:s16], $0x4000  }
0x7c: {  	[sflag:s16] =	ssyncset.done $0x0  }
0x7d: {  	[sflag:s16] =	ssyncadd.s32 $0xFFFFC000  }
0x7e: {  	[spmem:s1] =	stream.indirect.scatter.add.f32 [tilespmem:s15], [sflag:$0x2], $0x80, s17, s13, $0xb8;
	[tilespmem:$0x1C100] =	vst v63  }
0x7f: {  	_ =	swait.ge [sflag:s12], $0x4000  }
0x80: {  	s3 =	sadd.s32 $0x1, s3;
	[sflag:s12] =	ssyncset.done $0x0  }
0x81: {  	s19 =	sshll.u32 s2, $0x6;
	p1 =	sne.s32 s3, s9;
	[sflag:s12] =	ssyncadd.s32 $0xFFFFC000  }
.Ltmp4:
0x82: {  	s19 =	sor.u32 $0x1C02, s19;
	[bflag:$0x0] =	sbarrier.arrive $0xFFFF;
	(pc) =	sbr.rel @p1 .LBB2_1-.Ltmp4, $4  }
0x83: {  	[hbm:s8], [sflag:s19] =	dma.local [spmem:s18], $0x2800  }
0x84: {  	_ =	swait.ge [sflag:s12], $0x2800  }
0x85: {  	[sflag:s12] =	ssyncset.done $0x0  }
0x86: {  	[sflag:s12] =	ssyncadd.s32 $0xFFFFD800  }
0x87: {  	_ =	sfence.sel $0x180000  }
0x88: {  	[bflag:$0x0] =	sbarrier.arrive $0xFFFF  }
0x89: {  	p0 =	sne.s32 s2, $0x0;
	_ =	strace $0x9000004A  }
0x8a: {  	s0 =	sadd.s32 @!p0 $0x100000, s0;
	[bflag:$0x2] =	sbarrier.arrive $0xFFFF  }
0x8b: {  	[sflag:s0] =	ssyncadd.tile.s32 @!p0 $0x1;
	_ =	shalt  }
.Lfunc_end2:
_tile_overlayer_lowered:
.L_overlay_start_2:
0x8c: {  	(tag) =	ssettag $0x2  }
0x8d: {  	s0 =	rddreg [dreg:$0x0];
	s2 =	stileid.u32  }
0x8e: {  	s1 =	rddreg [dreg:$0x1];
	p0 =	sne.s32 s2, $0x0  }
0x8f: {  	s3 =	rddreg [dreg:$0x2];
	[bflag:$0x3] =	sbarrier.arrive $0xFFFF;
	s2 =	simm.s32 @!p0 $0x1C02  }
0x90: {  	[timem:s3], [sflag:s2] =	dma.local @!p0 [hbm:s0], s1  }
0x91: {  	s0 =	simm.s32 @!p0 $0x2  }
0x92: {  	_ =	swait.ge @!p0 [sflag:s0], s1  }
0x93: {  	s1 =	ssub.s32 @!p0 $0x0, s1;
	[sflag:s0] =	ssyncset.done @!p0 $0x0  }
0x94: {  	[sflag:s0] =	ssyncadd.s32 @!p0 s1  }
0x95: {  	[bflag:$0x3] =	sbarrier.arrive $0xFFFF  }
0x96: {  	_ =	shalt  }

// kernel: kernel.16.cloned.1.call-start
scs
__scs_entry_jumppad:
0x0: {  	(pc) =	sbr.rel $0x88, $3  }
0x1: {  	(tag) =	ssettag $0x0;
	lr =	simm.s32 $0x1  }
0x2: {  	[smem:$0x3F98] =	sst lr;
	_ =	strace $0xD0000000  }
0x3: {  	_ = 	snop  }
0x4: {  	_ = 	snop  }
0x5: {  	_ = 	snop  }
0x6: {  	_ = 	snop  }
0x7: {  	_ = 	snop  }
__scs_overlays_trampoline_lowered:
0x8: {  	[smem:$0x3FA7] =	sst s0  }
0x9: {  	[smem:$0x3FA8] =	sst s1  }
0xa: {  	[smem:$0x3FA9] =	sst s2  }
0xb: {  	[smem:$0x3FAA] =	sst s3  }
0xc: {  	[smem:$0x3FAB] =	sst s4  }
0xd: {  	[smem:$0x3FAC] =	sst s5  }
0xe: {  	[smem:$0x3FAD] =	sst s6  }
0xf: {  	[smem:$0x3FAE] =	sst s7  }
0x10: {  	[smem:$0x3FAF] =	sst s8  }
0x11: {  	[smem:$0x3FB0] =	sst s9;
	s0 =	simm.s32 @!p0 $0x0  }
0x12: {  	s1 =	sld [smem:$0x3F96];
	s0 =	simm.s32 @p0 $0x1  }
0x13: {  	[smem:$0x3FB1] =	sst s0;
	s0 =	simm.s32 @!p1 $0x0  }
0x14: {  	s2 =	sld [smem:$0x3F95];
	s0 =	simm.s32 @p1 $0x1  }
0x15: {  	[smem:$0x3FB2] =	sst s0;
	s0 =	simm.s32 @!p2 $0x0  }
0x16: {  	s3 =	sld [smem:$0x3FDB];
	s0 =	simm.s32 @p2 $0x1  }
0x17: {  	s4 =	simm.s32 $0x1BF5;
	[smem:$0x3FB4] =	sst s0  }
0x18: {  	s0 =	sld [smem:$0x3F97];
	_ =	swait.ge [sflag:s4], $0x0  }
0x19: {  	s7 =	sld [smem:$0x3F98]  }
0x1a: {  	s8 =	sadd.s32 $0xFFFFE003, lr  }
0x1b: {  	s9 =	sadd.s32 $0xFFFFFEF7, lr;
	s5 =	simm.s32 $0xFFFFFFFF;
	p2 =	slt.u32 s8, $0xFFFFF086  }
0x1c: {  	p1 =	slt.u32 s9, $0xF7A;
	s5 =	simm.s32 @!p2 $0x0  }
0x1d: {  	s5 =	simm.s32 @p1 $0x1;
	p0 =	seq.s32 s7, s2  }
0x1e: {  	s7 =	smul.u32 @!p0 $0xF7A, s2;
	p2 =	seq.s32 @!p0 s5, $0x0  }
0x1f: {  	s9 =	smul.u32 $0xF7A, s1;
	s8 =	simm.s32 @!p0 $0x1BF5;
	p2 =	por !p2, p0  }
0x20: {  	[sflag:s8] =	ssyncset.s32 @!p0 $0xFFFFF086;
	s6 =	sadd.s32 @!p0 s3, s7;
	s7 =	simm.s32 @!p0 $0x108  }
0x21: {  	s3 =	sadd.s32 s3, s9;
	s6 =	sadd.s32 @!p0 $0x88, s6;
	s7 =	simm.s32 @p2 $0x1082  }
0x22: {  	[simem:s7], [sflag:s8] =	dma.local @!p0 [hbm:s6], $0xF7A  }
0x23: {  	s9 =	sor.u32 $0xD0000000, s2;
	s6 =	simm.s32 $0x108;
	_ =	swait.ge @!p0 [sflag:s8], $0x0  }
0x24: {  	s3 =	sadd.s32 $0x88, s3;
	s6 =	simm.s32 @!p1 $0x1082;
	[sflag:s4] =	ssyncset.s32 $0xFFFFF086  }
0x25: {  	[simem:s6], [sflag:s4] =	dma.local [hbm:s3], $0xF7A  }
0x26: {  	[smem:$0x3F98] =	sst s1;
	(tag) =	ssettag s2;
	_ =	strace s9  }
0x27: {  	s1 =	sld [smem:$0x3FA8]  }
0x28: {  	s2 =	sld [smem:$0x3FA9]  }
0x29: {  	s4 =	sld [smem:$0x3FAB]  }
0x2a: {  	p0 =	seq.s32 s5, $0x0;
	s5 =	sld [smem:$0x3FAC]  }
0x2b: {  	s6 =	sld [smem:$0x3FAD]  }
0x2c: {  	s7 =	sld [smem:$0x3FAE]  }
0x2d: {  	s3 =	simm.s32 $0x108;
	s8 =	sld [smem:$0x3FAF]  }
0x2e: {  	s3 =	simm.s32 @!p0 $0x1082;
	s9 =	sld [smem:$0x3FB0]  }
0x2f: {  	lr =	sadd.s32 s0, s3;
	s0 =	sld [smem:$0x3FA7]  }
0x30: {  	s3 =	sld [smem:$0x3FAA]  }
0x31: {  	[smem:$0x3FB3] =	sst s10  }
0x32: {  	s10 =	sld [smem:$0x3FB1];
	_ =	sdelay $0x3  }
0x33: {  	p0 =	seq.s32 s10, $0x1;
	s10 =	sld [smem:$0x3FB3];
	_ =	sdelay $0x3  }
0x34: {  	[smem:$0x3FB3] =	sst s10  }
0x35: {  	s10 =	sld [smem:$0x3FB2];
	_ =	sdelay $0x3  }
0x36: {  	p1 =	seq.s32 s10, $0x1;
	s10 =	sld [smem:$0x3FB3];
	_ =	sdelay $0x3  }
0x37: {  	[smem:$0x3FB3] =	sst s10  }
0x38: {  	s10 =	sld [smem:$0x3FB4]  }
0x39: {  	_ = 	snop;
	(pc) =	sbr.ind lr, $3  }
0x3a: {  	_ = 	snop  }
0x3b: {  	_ = 	snop  }
0x3c: {  	p2 =	seq.s32 s10, $0x1;
	s10 =	sld [smem:$0x3FB3]  }
0x3d: {  	_ =	shalt  }
0x3e: {  	_ =	shalt  }
0x3f: {  	_ =	shalt  }
0x40: {  	_ =	shalt  }
0x41: {  	_ =	shalt  }
0x42: {  	_ =	shalt  }
0x43: {  	_ =	shalt  }
0x44: {  	_ =	shalt  }
0x45: {  	_ =	shalt  }
0x46: {  	_ =	shalt  }
0x47: {  	_ =	shalt  }
0x48: {  	_ =	shalt  }
0x49: {  	_ =	shalt  }
0x4a: {  	_ =	shalt  }
0x4b: {  	_ =	shalt  }
0x4c: {  	_ =	shalt  }
0x4d: {  	_ =	shalt  }
0x4e: {  	_ =	shalt  }
0x4f: {  	_ =	shalt  }
0x50: {  	_ =	shalt  }
0x51: {  	_ =	shalt  }
0x52: {  	_ =	shalt  }
0x53: {  	_ =	shalt  }
0x54: {  	_ =	shalt  }
0x55: {  	_ =	shalt  }
0x56: {  	_ =	shalt  }
0x57: {  	_ =	shalt  }
0x58: {  	_ =	shalt  }
0x59: {  	_ =	shalt  }
0x5a: {  	_ =	shalt  }
0x5b: {  	_ =	shalt  }
0x5c: {  	_ =	shalt  }
0x5d: {  	_ =	shalt  }
0x5e: {  	_ =	shalt  }
0x5f: {  	_ =	shalt  }
0x60: {  	_ =	shalt  }
0x61: {  	_ =	shalt  }
0x62: {  	_ =	shalt  }
0x63: {  	_ =	shalt  }
0x64: {  	_ =	shalt  }
0x65: {  	_ =	shalt  }
0x66: {  	_ =	shalt  }
0x67: {  	_ =	shalt  }
0x68: {  	_ =	shalt  }
0x69: {  	_ =	shalt  }
0x6a: {  	_ =	shalt  }
0x6b: {  	_ =	shalt  }
0x6c: {  	_ =	shalt  }
0x6d: {  	_ =	shalt  }
0x6e: {  	_ =	shalt  }
0x6f: {  	_ =	shalt  }
0x70: {  	_ =	shalt  }
0x71: {  	_ =	shalt  }
0x72: {  	_ =	shalt  }
0x73: {  	_ =	shalt  }
0x74: {  	_ =	shalt  }
0x75: {  	_ =	shalt  }
0x76: {  	_ =	shalt  }
0x77: {  	_ =	shalt  }
0x78: {  	_ =	shalt  }
0x79: {  	_ =	shalt  }
0x7a: {  	_ =	shalt  }
0x7b: {  	_ =	shalt  }
0x7c: {  	_ =	shalt  }
0x7d: {  	_ =	shalt  }
0x7e: {  	_ =	shalt  }
0x7f: {  	_ =	shalt  }
0x80: {  	_ =	shalt  }
0x81: {  	_ =	shalt  }
0x82: {  	_ =	shalt  }
0x83: {  	_ =	shalt  }
0x84: {  	_ =	shalt  }
0x85: {  	_ =	shalt  }
0x86: {  	_ =	shalt  }
0x87: {  	_ =	shalt  }
.Lfunc_end0:
.L_simem_size_0:
called_computation.2_lowered:
.L_overlay_start_0:
0x88: {  	s2 =	sld [smem:$0x3FD9]  }
0x89: {  	s3 =	sld [smem:$0x3FFE];
	_ =	sdelay $0x1  }
0x8a: {  	s1 =	srdreg.scid  }
0x8b: {  	s0 =	sand.u32 $0x1, s1  }
0x8c: {  	s16 =	sshll.u32 s0, $0xA;
	s2 =	sadd.s32 s3, s2  }
0x8d: {  	s2 =	sadd.s32 s2, s16  }
0x8e: {  	[smem:$0x3FBF] =	sst s2  }
0x8f: {  	_ = 	snop  }
0x90: {  	(tm) =	ssettm $0x1  }
0x91: {  	s17 =	sld [smem:$0x3FFB];
	_ =	sdelay $0x3  }
0x92: {  	_ =	strace s17  }
0x93: {  	s2 =	sld [smem:$0x3FFC];
	_ =	sdelay $0x3  }
0x94: {  	_ =	strace s2  }
0x95: {  	s2 =	sld [smem:$0x3FFD];
	_ =	sdelay $0x3  }
0x96: {  	_ =	strace s2  }
0x97: {  	_ =	strace $0x8FFFFFFF  }
0x98: {  	s18 =	sld [smem:$0x3FDB];
	_ =	sdelay $0x1  }
0x99: {  	s19 =	simm.s32 $_scs_section_size  }
0x9a: {  	s4 =	simm.s32 $_size__tile_overlayer_lowered;
	s5 =	simm.s32 $_tile_overlayer_lowered  }
0x9b: {  	s22 =	simm.s32 $0x1BFF;
	s21 =	sshll.u32 s5, $0x1;
	s2 =	sadd.s32 s19, s18  }
0x9c: {  	s6 =	simm.s32 $0x0;
	s20 =	sshll.u32 s4, $0x1;
	s4 =	sadd.s32 s21, s2  }
0x9d: {  	[timem:s6], [sflag:s22] =	dma.local [hbm:s4], s20  }
0x9e: {  	_ =	swait.ge [sflag:s22], s20  }
0x9f: {  	s3 =	ssub.s32 $0x0, s20;
	[sflag:s22] =	ssyncset.done $0x0  }
0xa0: {  	[sflag:s22] =	ssyncadd.s32 s3;
	_ =	sdelay $0x1  }
0xa1: {  	s23 =	simm.s32 $0x1B8B  }
0xa2: {  	_ =	swait.ge [sflag:s23], $0x1  }
0xa3: {  	[sflag:s23] =	ssyncset.done $0x0  }
0xa4: {  	s25 =	simm.s32 $0x1B8E;
	s24 =	sld [smem:$0x3FFE];
	[sflag:s23] =	ssyncadd.s32 $0xFFFFFFFF  }
0xa5: {  	s26 =	simm.s32 $execute0_lowered;
	[smem:$0x3FD2] =	sst s25  }
0xa6: {  	s4 =	sshll.u32 s26, $0x1;
	_ =	strace $0x8000004C;
	[dreg:$0x1] =	wrdreg $0xFFFFFFFF  }
0xa7: {  	s28 =	simm.s32 $_size_execute0_lowered;
	s2 =	sadd.s32 s2, s4;
	[dreg:$0x0] =	wrdreg $0x0  }
0xa8: {  	s4 =	sshll.u32 s28, $0x1;
	[dreg:$0x2] =	wrdreg s2  }
0xa9: {  	[dreg:$0x3] =	wrdreg s4  }
0xaa: {  	[dreg:$0x4] =	wrdreg $0xC0  }
0xab: {  	_ =	task [dreg:s6], $0x5FFFF  }
0xac: {  	[dreg:$0x1] =	wrdreg $0xFFFFFFFF  }
0xad: {  	[dreg:$0x0] =	wrdreg $0x60  }
0xae: {  	[dreg:$0x2] =	wrdreg s24  }
0xaf: {  	[dreg:$0x3] =	wrdreg $0x7D000  }
0xb0: {  	[dreg:$0x4] =	wrdreg $0x9  }
0xb1: {  	_ =	task.clear_ibuf [dreg:s6], $0x5FFFF;
	_ =	strace $0x9000004C  }
0xb2: {  	s29 =	simm.s32 $0x9;
	_ =	strace $0x8000004E  }
0xb3: {  	_ =	swait.ge [sflag:s29], $0x1  }
0xb4: {  	[sflag:s29] =	ssyncadd.s32 $0xFFFFFFFF  }
0xb5: {  	_ =	strace $0x9000004E  }
0xb6: {  	_ =	sfence  }
0xb7: {  	s30 =	sld [smem:$0x0];
	_ =	sdelay $0x2  }
0xb8: {  	s31 =	sshll.u32 s1, $0xD;
	s1 =	sshrl.u32 s1, $0x2  }
0xb9: {  	s3 =	sand.u32 $0x4000, s31;
	s1 =	sadd.s32 s1, s30  }
0xba: {  	s0 =	sor.u32 s3, s0;
	s1 =	sshll.u32 s1, $0x11  }
0xbb: {  	s0 =	sor.u32 s1, s0  }
0xbc: {  	s0 =	sadd.s32 $0x8F2B, s0  }
0xbd: {  	[sflag:s0] =	ssyncadd.remote.s32 $0x1  }
0xbe: {  	_ =	sfence.sel $0xFFFF  }
0xbf: {  	[dreg:$0x0] =	wrdreg $0xFFFFFFFF;
	(pc) =	sbr.abs _section_cstart, $3  }
0xc0: {  	[dreg:$0x1] =	wrdreg $0xFFFFFFFF  }
0xc1: {  	_ =	task.clear_ibuf [dreg:s6], $0x2FFFF;
	_ =	strace $0x9FFFFFFF  }
0xc2: {  	(tm) =	ssettm $0x7FFFFFFF  }
0xc3: {  	_ =	shalt  }
tec
execute0_lowered:
.L_overlay_start_1:
0x0: {  	(tag) =	ssettag $0x1  }
0x1: {  	s5 =	rddreg [dreg:$0x0]  }
0x2: {  	s1 =	rddreg [dreg:$0x1];
	s2 =	srdreg.scid  }
0x3: {  	s0 =	rddreg [dreg:$0x2];
	s3 =	simm.s32 $0x0;
	s13 =	sand.u32 $0x1, s2  }
0x4: {  	s14 =	simm.s32 $0x3000;
	s2 =	stileid.u32;
	s6 =	smul.u32 $0x140000, s13  }
0x5: {  	s15 =	simm.s32 $0x3100;
	s16 =	simm.s32 $0x1;
	s7 =	smul.u32 $0x14000, s2  }
0x6: {  	s17 =	simm.s32 $0x3080;
	[smem:$0x7FF] =	sst s3;
	s10 =	smul.u32 $0x1E80, s2  }
0x7: {  	s4 =	sadd.s32 $0x65C00, s5;
	s8 =	sadd.s32 $0x5BE00, s5;
	s28 =	smul.u32 $0x600, s2  }
0x8: {  	_ =	strace $0x8000004D;
	s26 =	ssub.s32 $0x2, s13;
	s30 =	smul.u32 $0x50000, s2  }
0x9: {  	p0 =	seq.s32 s13, $0x0;
	s12 =	smul.u32 $0x51000, s2;
	s9 =	sshrl.u32 s26, $0x1  }
0xa: {  	s6 =	sadd.s32 s7, s6;
	s9 =	ssub.s32 s26, s9;
	s29 =	sshrl.u32 s10, $0x3  }
0xb: {  	s7 =	sadd.s32 s8, s28;
	s10 =	sshrl.u32 s30, $0x2;
	s31 =	sshrl.u32 s12, $0x2  }
0xc: {  	s12 =	simm.s32 $0x2;
	s6 =	sshrl.u32 s6, $0x3;
	s18 =	sadd.s32 s10, s1  }
0xd: {  	s9 =	smax.u32 s9, $0x1;
	s10 =	sadd.s32 s31, s1;
	s11 =	sadd.s32 s6, s5  }
0xe: {  	s5 =	simm.s32 $0x60;
	s6 =	sadd.s32 s8, s29;
	s18 =	sshrl.u32 s18, $0x3  }
0xf: {  	s5 =	simm.s32 @!p0 $0x3D;
	s6 =	sadd.s32 $0x6000, s6;
	s8 =	sadd.s32 $0x8DC00, s11  }
0x10: {  	v0 =	vimm.f32 $0.0e+00;
	s11 =	simm.s32 $0x7100;
	p0 =	sne.s32 s13, $0x0;
	s13 =	simm.s32 $0x80  }
.LBB2_1:
0x11: {  	s19 =	simm.s32 $0x0;
	s20 =	simm.s32 $0x0  }
.LBB2_2:
0x12: {  	p1 =	sne.s32 s20, $0x2FC0  }
.Ltmp0:
0x13: {  	_ = 	snop;
	(pc) =	sbr.rel @p1 .LBB2_2-.Ltmp0, $4  }
0x14: {  	s21 =	sand.u32 $0x3E00, s20  }
0x15: {  	s22 =	sand.u32 $0x70, s19;
	s21 =	sshrl.u32 s21, $0x2  }
0x16: {  	s21 =	sor.u32 s22, s21  }
0x17: {  	s19 =	sadd.s32 $0x10, s19;
	s20 =	sadd.s32 $0x40, s20;
	[tilespmem:s21+$0x7100] =	vst v0  }
0x18: {  	s19 =	sadd.s32 $0x0, s10  }
0x19: {  	[spmem:s19] =	stream.linear.scatter [tilespmem:s11], [sflag:$0x2], $0xC00, $0x38;
	[tilespmem:$0x1C100] =	vst v63  }
0x1a: {  	s19 =	simm.s32 $0x3000;
	_ =	swait.ge [sflag:s12], $0xC00  }
.LBB2_4:
0x1b: {  	s20 =	sshra.s32 s19, $0x2;
	[sflag:s12] =	ssyncset.done $0x0;
	p1 =	sne.s32 s19, $0x4E000  }
.Ltmp1:
0x1c: {  	s20 =	sadd.s32 s20, s10;
	[sflag:s12] =	ssyncadd.s32 $0xFFFFF400;
	(pc) =	sbr.rel @p1 .LBB2_4-.Ltmp1, $3  }
0x1d: {  	[spmem:s20] =	stream.linear.scatter [tilespmem:s11], [sflag:$0x2], $0xC00, $0x38;
	[tilespmem:$0x1C100] =	vst v63  }
0x1e: {  	s19 =	sadd.s32 $0x3000, s19;
	_ =	sdelay $0x1  }
0x1f: {  	_ =	swait.ge [sflag:s12], $0xC00  }
0x20: {  	[sflag:s12] =	ssyncset.done $0x0  }
0x21: {  	s19 =	simm.s32 @p0 $0x0;
	[sflag:s12] =	ssyncadd.s32 $0xFFFFF400  }
0x22: {  	[tilespmem:s19], [sflag:$0x2] =	stream.linear.gather @p0 [hbm4b:s6+s19], $0x1E80, $0x38;
	[tilespmem:$0x1C100] =	vst v63  }
0x23: {  	s19 =	simm.s32 @p0 $0x2  }
0x24: {  	_ =	swait.ge @p0 [sflag:s19], $0x1E80  }
0x25: {  	[sflag:s19] =	ssyncset.done @p0 $0x0  }
0x26: {  	[sflag:s19] =	ssyncadd.s32 @p0 $0xFFFFE180;
	s19 =	simm.s32 @!p0 $0x0  }
0x27: {  	[tilespmem:s19], [sflag:$0x2] =	stream.linear.gather @!p0 [hbm4b:s7+s19], $0x3000, $0x38;
	[tilespmem:$0x1C100] =	vst v63  }
0x28: {  	s19 =	simm.s32 @!p0 $0x2  }
0x29: {  	_ =	swait.ge @!p0 [sflag:s19], $0x3000  }
0x2a: {  	[sflag:s19] =	ssyncset.done @!p0 $0x0  }
0x2b: {  	[sflag:s19] =	ssyncadd.s32 @!p0 $0xFFFFD000  }
0x2c: {  	s19 =	simm.s32 $0x40;
	[bflag:$0x0] =	sbarrier.arrive $0xFFFF  }
0x2d: {  	v1 =	vld [tilespmem:s19+$0xFFFFFFC0];
	_ =	sdelay $0x4  }
0x2e: {  	v2 =	vshra.s32 v1, $0xE  }
0x2f: {  	v1 =	vand.u32 $0x3FFF, v1;
	[tilespmem:$0x3000] =	vst v2  }
0x30: {  	[tilespmem:$0x3080] =	vst v1  }
0x31: {  	v1 =	vld [tilespmem:s19+$0xFFFFFFD0];
	_ =	sdelay $0x4  }
0x32: {  	v2 =	vshra.s32 v1, $0xE  }
0x33: {  	v1 =	vand.u32 $0x3FFF, v1;
	[tilespmem:$0x3010] =	vst v2  }
0x34: {  	[tilespmem:$0x3090] =	vst v1  }
0x35: {  	v1 =	vld [tilespmem:s19+$0xFFFFFFE0];
	_ =	sdelay $0x4  }
0x36: {  	v2 =	vshra.s32 v1, $0xE  }
0x37: {  	v1 =	vand.u32 $0x3FFF, v1;
	[tilespmem:$0x3020] =	vst v2  }
0x38: {  	[tilespmem:$0x30A0] =	vst v1  }
0x39: {  	v1 =	vld [tilespmem:s19+$0xFFFFFFF0];
	_ =	sdelay $0x4  }
0x3a: {  	v2 =	vshra.s32 v1, $0xE  }
0x3b: {  	v1 =	vand.u32 $0x3FFF, v1;
	[tilespmem:$0x3030] =	vst v2  }
0x3c: {  	[tilespmem:$0x30B0] =	vst v1  }
0x3d: {  	v1 =	vld [tilespmem:s19+$0x0];
	_ =	sdelay $0x4  }
0x3e: {  	v2 =	vshra.s32 v1, $0xE  }
0x3f: {  	v1 =	vand.u32 $0x3FFF, v1;
	[tilespmem:$0x3040] =	vst v2  }
0x40: {  	[tilespmem:$0x30C0] =	vst v1  }
0x41: {  	v1 =	vld [tilespmem:s19+$0x10];
	_ =	sdelay $0x4  }
0x42: {  	v2 =	vshra.s32 v1, $0xE  }
0x43: {  	v1 =	vand.u32 $0x3FFF, v1;
	[tilespmem:$0x3050] =	vst v2  }
0x44: {  	[tilespmem:$0x30D0] =	vst v1  }
0x45: {  	v1 =	vld [tilespmem:s19+$0x20];
	_ =	sdelay $0x4  }
0x46: {  	v2 =	vshra.s32 v1, $0xE  }
0x47: {  	v1 =	vand.u32 $0x3FFF, v1;
	[tilespmem:$0x3060] =	vst v2  }
0x48: {  	[tilespmem:$0x30E0] =	vst v1  }
0x49: {  	v1 =	vld [tilespmem:s19+$0x30]  }
0x4a: {  	p1 =	sne.s32 s5, $0x1  }
.Ltmp2:
0x4b: {  	_ = 	snop;
	(pc) =	sbr.rel @!p1 .LBB2_7-.Ltmp2, $3  }
0x4c: {  	_ =	sdelay $0x1  }
0x4d: {  	v2 =	vshra.s32 v1, $0xE  }
0x4e: {  	s20 =	sadd.s32 $0xFFFFFFFF, s5;
	v1 =	vand.u32 $0x3FFF, v1;
	[tilespmem:$0x3070] =	vst v2  }
.LBB2_6:
0x4f: {  	p1 =	sne.s32 s20, $0x1;
	s20 =	sadd.s32 $0xFFFFFFFF, s20;
	[tilespmem:$0x30F0] =	vst v1;
	s19 =	sadd.s32 $0x80, s19  }
0x50: {  	[tilespmem:s15], [sflag:$0x1] =	stream.indirect.gather [hbm4b:s4+s13], $0x80, s14, s13, $0xb8;
	[tilespmem:$0x1C100] =	vst v63  }
0x51: {  	_ =	swait.ge [sflag:s16], $0x4000  }
0x52: {  	[sflag:s16] =	ssyncset.done $0x0  }
0x53: {  	[sflag:s16] =	ssyncadd.s32 $0xFFFFC000  }
0x54: {  	[spmem:s1] =	stream.indirect.scatter.add.f32 [tilespmem:s15], [sflag:$0x2], $0x80, s17, s13, $0xb8;
	[tilespmem:$0x1C100] =	vst v63  }
0x55: {  	_ =	swait.ge [sflag:s12], $0x4000  }
0x56: {  	[sflag:s12] =	ssyncset.done $0x0  }
0x57: {  	[sflag:s12] =	ssyncadd.s32 $0xFFFFC000  }
0x58: {  	v1 =	vld [tilespmem:s19+$0xFFFFFFC0];
	_ =	sdelay $0x4  }
0x59: {  	v2 =	vshra.s32 v1, $0xE;
	v1 =	vand.u32 $0x3FFF, v1  }
0x5a: {  	[tilespmem:$0x3000] =	vst v2  }
0x5b: {  	[tilespmem:$0x3080] =	vst v1  }
0x5c: {  	v1 =	vld [tilespmem:s19+$0xFFFFFFD0];
	_ =	sdelay $0x4  }
0x5d: {  	v2 =	vshra.s32 v1, $0xE;
	v1 =	vand.u32 $0x3FFF, v1  }
0x5e: {  	[tilespmem:$0x3010] =	vst v2  }
0x5f: {  	[tilespmem:$0x3090] =	vst v1  }
0x60: {  	v1 =	vld [tilespmem:s19+$0xFFFFFFE0];
	_ =	sdelay $0x4  }
0x61: {  	v2 =	vshra.s32 v1, $0xE;
	v1 =	vand.u32 $0x3FFF, v1  }
0x62: {  	[tilespmem:$0x3020] =	vst v2  }
0x63: {  	[tilespmem:$0x30A0] =	vst v1  }
0x64: {  	v1 =	vld [tilespmem:s19+$0xFFFFFFF0];
	_ =	sdelay $0x4  }
0x65: {  	v2 =	vshra.s32 v1, $0xE;
	v1 =	vand.u32 $0x3FFF, v1  }
0x66: {  	[tilespmem:$0x3030] =	vst v2  }
0x67: {  	[tilespmem:$0x30B0] =	vst v1  }
0x68: {  	v1 =	vld [tilespmem:s19+$0x0];
	_ =	sdelay $0x4  }
0x69: {  	v2 =	vshra.s32 v1, $0xE;
	v1 =	vand.u32 $0x3FFF, v1  }
0x6a: {  	[tilespmem:$0x3040] =	vst v2  }
0x6b: {  	[tilespmem:$0x30C0] =	vst v1  }
0x6c: {  	v1 =	vld [tilespmem:s19+$0x10];
	_ =	sdelay $0x4  }
0x6d: {  	v2 =	vshra.s32 v1, $0xE;
	v1 =	vand.u32 $0x3FFF, v1  }
0x6e: {  	[tilespmem:$0x3050] =	vst v2  }
0x6f: {  	[tilespmem:$0x30D0] =	vst v1  }
0x70: {  	v1 =	vld [tilespmem:s19+$0x20];
	_ =	sdelay $0x4  }
0x71: {  	v2 =	vshra.s32 v1, $0xE;
	v1 =	vand.u32 $0x3FFF, v1  }
0x72: {  	[tilespmem:$0x3060] =	vst v2  }
0x73: {  	[tilespmem:$0x30E0] =	vst v1  }
0x74: {  	v1 =	vld [tilespmem:s19+$0x30];
	_ =	sdelay $0x1  }
.Ltmp3:
0x75: {  	(pc) =	sbr.rel @p1 .LBB2_6-.Ltmp3, $3  }
0x76: {  	_ =	sdelay $0x1  }
0x77: {  	v2 =	vshra.s32 v1, $0xE;
	v1 =	vand.u32 $0x3FFF, v1  }
0x78: {  	[tilespmem:$0x3070] =	vst v2  }
.LBB2_7:
0x79: {  	[tilespmem:$0x30F0] =	vst v1  }
0x7a: {  	[tilespmem:s15], [sflag:$0x1] =	stream.indirect.gather [hbm4b:s4+s13], $0x80, s14, s13, $0xb8;
	[tilespmem:$0x1C100] =	vst v63  }
0x7b: {  	_ =	swait.ge [sflag:s16], $0x4000  }
0x7c: {  	[sflag:s16] =	ssyncset.done $0x0  }
0x7d: {  	[sflag:s16] =	ssyncadd.s32 $0xFFFFC000  }
0x7e: {  	[spmem:s1] =	stream.indirect.scatter.add.f32 [tilespmem:s15], [sflag:$0x2], $0x80, s17, s13, $0xb8;
	[tilespmem:$0x1C100] =	vst v63  }
0x7f: {  	_ =	swait.ge [sflag:s12], $0x4000  }
0x80: {  	s3 =	sadd.s32 $0x1, s3;
	[sflag:s12] =	ssyncset.done $0x0  }
0x81: {  	s19 =	sshll.u32 s2, $0x6;
	p1 =	sne.s32 s3, s9;
	[sflag:s12] =	ssyncadd.s32 $0xFFFFC000  }
.Ltmp4:
0x82: {  	s19 =	sor.u32 $0x1C02, s19;
	[bflag:$0x0] =	sbarrier.arrive $0xFFFF;
	(pc) =	sbr.rel @p1 .LBB2_1-.Ltmp4, $4  }
0x83: {  	[hbm:s8], [sflag:s19] =	dma.local [spmem:s18], $0x2800  }
0x84: {  	_ =	swait.ge [sflag:s12], $0x2800  }
0x85: {  	[sflag:s12] =	ssyncset.done $0x0  }
0x86: {  	[sflag:s12] =	ssyncadd.s32 $0xFFFFD800  }
0x87: {  	_ =	sfence.sel $0x180000  }
0x88: {  	[bflag:$0x0] =	sbarrier.arrive $0xFFFF  }
0x89: {  	p0 =	sne.s32 s2, $0x0;
	_ =	strace $0x9000004D  }
0x8a: {  	s0 =	sadd.s32 @!p0 $0x100000, s0;
	[bflag:$0x2] =	sbarrier.arrive $0xFFFF  }
0x8b: {  	[sflag:s0] =	ssyncadd.tile.s32 @!p0 $0x1;
	_ =	shalt  }
.Lfunc_end2:
_tile_overlayer_lowered:
.L_overlay_start_2:
0x8c: {  	(tag) =	ssettag $0x2  }
0x8d: {  	s0 =	rddreg [dreg:$0x0];
	s2 =	stileid.u32  }
0x8e: {  	s1 =	rddreg [dreg:$0x1];
	p0 =	sne.s32 s2, $0x0  }
0x8f: {  	s3 =	rddreg [dreg:$0x2];
	[bflag:$0x3] =	sbarrier.arrive $0xFFFF;
	s2 =	simm.s32 @!p0 $0x1C02  }
0x90: {  	[timem:s3], [sflag:s2] =	dma.local @!p0 [hbm:s0], s1  }
0x91: {  	s0 =	simm.s32 @!p0 $0x2  }
0x92: {  	_ =	swait.ge @!p0 [sflag:s0], s1  }
0x93: {  	s1 =	ssub.s32 @!p0 $0x0, s1;
	[sflag:s0] =	ssyncset.done @!p0 $0x0  }
0x94: {  	[sflag:s0] =	ssyncadd.s32 @!p0 s1  }
0x95: {  	[bflag:$0x3] =	sbarrier.arrive $0xFFFF  }
0x96: {  	_ =	shalt  }

// kernel: kernel.19.cloned.1.call-start
scs
__scs_entry_jumppad:
0x0: {  	(pc) =	sbr.rel $0x88, $3  }
0x1: {  	(tag) =	ssettag $0x0;
	lr =	simm.s32 $0x1  }
0x2: {  	[smem:$0x3F98] =	sst lr;
	_ =	strace $0xD0000000  }
0x3: {  	_ = 	snop  }
0x4: {  	_ = 	snop  }
0x5: {  	_ = 	snop  }
0x6: {  	_ = 	snop  }
0x7: {  	_ = 	snop  }
__scs_overlays_trampoline_lowered:
0x8: {  	[smem:$0x3FA7] =	sst s0  }
0x9: {  	[smem:$0x3FA8] =	sst s1  }
0xa: {  	[smem:$0x3FA9] =	sst s2  }
0xb: {  	[smem:$0x3FAA] =	sst s3  }
0xc: {  	[smem:$0x3FAB] =	sst s4  }
0xd: {  	[smem:$0x3FAC] =	sst s5  }
0xe: {  	[smem:$0x3FAD] =	sst s6  }
0xf: {  	[smem:$0x3FAE] =	sst s7  }
0x10: {  	[smem:$0x3FAF] =	sst s8  }
0x11: {  	[smem:$0x3FB0] =	sst s9;
	s0 =	simm.s32 @!p0 $0x0  }
0x12: {  	s1 =	sld [smem:$0x3F96];
	s0 =	simm.s32 @p0 $0x1  }
0x13: {  	[smem:$0x3FB1] =	sst s0;
	s0 =	simm.s32 @!p1 $0x0  }
0x14: {  	s2 =	sld [smem:$0x3F95];
	s0 =	simm.s32 @p1 $0x1  }
0x15: {  	[smem:$0x3FB2] =	sst s0;
	s0 =	simm.s32 @!p2 $0x0  }
0x16: {  	s3 =	sld [smem:$0x3FDB];
	s0 =	simm.s32 @p2 $0x1  }
0x17: {  	s4 =	simm.s32 $0x1BF5;
	[smem:$0x3FB4] =	sst s0  }
0x18: {  	s0 =	sld [smem:$0x3F97];
	_ =	swait.ge [sflag:s4], $0x0  }
0x19: {  	s7 =	sld [smem:$0x3F98]  }
0x1a: {  	s8 =	sadd.s32 $0xFFFFE003, lr  }
0x1b: {  	s9 =	sadd.s32 $0xFFFFFEF7, lr;
	s5 =	simm.s32 $0xFFFFFFFF;
	p2 =	slt.u32 s8, $0xFFFFF086  }
0x1c: {  	p1 =	slt.u32 s9, $0xF7A;
	s5 =	simm.s32 @!p2 $0x0  }
0x1d: {  	s5 =	simm.s32 @p1 $0x1;
	p0 =	seq.s32 s7, s2  }
0x1e: {  	s7 =	smul.u32 @!p0 $0xF7A, s2;
	p2 =	seq.s32 @!p0 s5, $0x0  }
0x1f: {  	s9 =	smul.u32 $0xF7A, s1;
	s8 =	simm.s32 @!p0 $0x1BF5;
	p2 =	por !p2, p0  }
0x20: {  	[sflag:s8] =	ssyncset.s32 @!p0 $0xFFFFF086;
	s6 =	sadd.s32 @!p0 s3, s7;
	s7 =	simm.s32 @!p0 $0x108  }
0x21: {  	s3 =	sadd.s32 s3, s9;
	s6 =	sadd.s32 @!p0 $0x88, s6;
	s7 =	simm.s32 @p2 $0x1082  }
0x22: {  	[simem:s7], [sflag:s8] =	dma.local @!p0 [hbm:s6], $0xF7A  }
0x23: {  	s9 =	sor.u32 $0xD0000000, s2;
	s6 =	simm.s32 $0x108;
	_ =	swait.ge @!p0 [sflag:s8], $0x0  }
0x24: {  	s3 =	sadd.s32 $0x88, s3;
	s6 =	simm.s32 @!p1 $0x1082;
	[sflag:s4] =	ssyncset.s32 $0xFFFFF086  }
0x25: {  	[simem:s6], [sflag:s4] =	dma.local [hbm:s3], $0xF7A  }
0x26: {  	[smem:$0x3F98] =	sst s1;
	(tag) =	ssettag s2;
	_ =	strace s9  }
0x27: {  	s1 =	sld [smem:$0x3FA8]  }
0x28: {  	s2 =	sld [smem:$0x3FA9]  }
0x29: {  	s4 =	sld [smem:$0x3FAB]  }
0x2a: {  	p0 =	seq.s32 s5, $0x0;
	s5 =	sld [smem:$0x3FAC]  }
0x2b: {  	s6 =	sld [smem:$0x3FAD]  }
0x2c: {  	s7 =	sld [smem:$0x3FAE]  }
0x2d: {  	s3 =	simm.s32 $0x108;
	s8 =	sld [smem:$0x3FAF]  }
0x2e: {  	s3 =	simm.s32 @!p0 $0x1082;
	s9 =	sld [smem:$0x3FB0]  }
0x2f: {  	lr =	sadd.s32 s0, s3;
	s0 =	sld [smem:$0x3FA7]  }
0x30: {  	s3 =	sld [smem:$0x3FAA]  }
0x31: {  	[smem:$0x3FB3] =	sst s10  }
0x32: {  	s10 =	sld [smem:$0x3FB1];
	_ =	sdelay $0x3  }
0x33: {  	p0 =	seq.s32 s10, $0x1;
	s10 =	sld [smem:$0x3FB3];
	_ =	sdelay $0x3  }
0x34: {  	[smem:$0x3FB3] =	sst s10  }
0x35: {  	s10 =	sld [smem:$0x3FB2];
	_ =	sdelay $0x3  }
0x36: {  	p1 =	seq.s32 s10, $0x1;
	s10 =	sld [smem:$0x3FB3];
	_ =	sdelay $0x3  }
0x37: {  	[smem:$0x3FB3] =	sst s10  }
0x38: {  	s10 =	sld [smem:$0x3FB4]  }
0x39: {  	_ = 	snop;
	(pc) =	sbr.ind lr, $3  }
0x3a: {  	_ = 	snop  }
0x3b: {  	_ = 	snop  }
0x3c: {  	p2 =	seq.s32 s10, $0x1;
	s10 =	sld [smem:$0x3FB3]  }
0x3d: {  	_ =	shalt  }
0x3e: {  	_ =	shalt  }
0x3f: {  	_ =	shalt  }
0x40: {  	_ =	shalt  }
0x41: {  	_ =	shalt  }
0x42: {  	_ =	shalt  }
0x43: {  	_ =	shalt  }
0x44: {  	_ =	shalt  }
0x45: {  	_ =	shalt  }
0x46: {  	_ =	shalt  }
0x47: {  	_ =	shalt  }
0x48: {  	_ =	shalt  }
0x49: {  	_ =	shalt  }
0x4a: {  	_ =	shalt  }
0x4b: {  	_ =	shalt  }
0x4c: {  	_ =	shalt  }
0x4d: {  	_ =	shalt  }
0x4e: {  	_ =	shalt  }
0x4f: {  	_ =	shalt  }
0x50: {  	_ =	shalt  }
0x51: {  	_ =	shalt  }
0x52: {  	_ =	shalt  }
0x53: {  	_ =	shalt  }
0x54: {  	_ =	shalt  }
0x55: {  	_ =	shalt  }
0x56: {  	_ =	shalt  }
0x57: {  	_ =	shalt  }
0x58: {  	_ =	shalt  }
0x59: {  	_ =	shalt  }
0x5a: {  	_ =	shalt  }
0x5b: {  	_ =	shalt  }
0x5c: {  	_ =	shalt  }
0x5d: {  	_ =	shalt  }
0x5e: {  	_ =	shalt  }
0x5f: {  	_ =	shalt  }
0x60: {  	_ =	shalt  }
0x61: {  	_ =	shalt  }
0x62: {  	_ =	shalt  }
0x63: {  	_ =	shalt  }
0x64: {  	_ =	shalt  }
0x65: {  	_ =	shalt  }
0x66: {  	_ =	shalt  }
0x67: {  	_ =	shalt  }
0x68: {  	_ =	shalt  }
0x69: {  	_ =	shalt  }
0x6a: {  	_ =	shalt  }
0x6b: {  	_ =	shalt  }
0x6c: {  	_ =	shalt  }
0x6d: {  	_ =	shalt  }
0x6e: {  	_ =	shalt  }
0x6f: {  	_ =	shalt  }
0x70: {  	_ =	shalt  }
0x71: {  	_ =	shalt  }
0x72: {  	_ =	shalt  }
0x73: {  	_ =	shalt  }
0x74: {  	_ =	shalt  }
0x75: {  	_ =	shalt  }
0x76: {  	_ =	shalt  }
0x77: {  	_ =	shalt  }
0x78: {  	_ =	shalt  }
0x79: {  	_ =	shalt  }
0x7a: {  	_ =	shalt  }
0x7b: {  	_ =	shalt  }
0x7c: {  	_ =	shalt  }
0x7d: {  	_ =	shalt  }
0x7e: {  	_ =	shalt  }
0x7f: {  	_ =	shalt  }
0x80: {  	_ =	shalt  }
0x81: {  	_ =	shalt  }
0x82: {  	_ =	shalt  }
0x83: {  	_ =	shalt  }
0x84: {  	_ =	shalt  }
0x85: {  	_ =	shalt  }
0x86: {  	_ =	shalt  }
0x87: {  	_ =	shalt  }
.Lfunc_end0:
.L_simem_size_0:
called_computation.3_lowered:
.L_overlay_start_0:
0x88: {  	s2 =	sld [smem:$0x3FD9]  }
0x89: {  	s3 =	sld [smem:$0x3FFE];
	_ =	sdelay $0x1  }
0x8a: {  	s1 =	srdreg.scid  }
0x8b: {  	s0 =	sand.u32 $0x1, s1  }
0x8c: {  	s16 =	sshll.u32 s0, $0xA;
	s2 =	sadd.s32 s3, s2  }
0x8d: {  	s2 =	sadd.s32 s2, s16  }
0x8e: {  	[smem:$0x3FBF] =	sst s2  }
0x8f: {  	_ = 	snop  }
0x90: {  	(tm) =	ssettm $0x1  }
0x91: {  	s17 =	sld [smem:$0x3FFB];
	_ =	sdelay $0x3  }
0x92: {  	_ =	strace s17  }
0x93: {  	s2 =	sld [smem:$0x3FFC];
	_ =	sdelay $0x3  }
0x94: {  	_ =	strace s2  }
0x95: {  	s2 =	sld [smem:$0x3FFD];
	_ =	sdelay $0x3  }
0x96: {  	_ =	strace s2  }
0x97: {  	_ =	strace $0x8FFFFFFF  }
0x98: {  	s18 =	sld [smem:$0x3FDB];
	_ =	sdelay $0x1  }
0x99: {  	s19 =	simm.s32 $_scs_section_size  }
0x9a: {  	s4 =	simm.s32 $_size__tile_overlayer_lowered;
	s5 =	simm.s32 $_tile_overlayer_lowered  }
0x9b: {  	s22 =	simm.s32 $0x1BFF;
	s21 =	sshll.u32 s5, $0x1;
	s2 =	sadd.s32 s19, s18  }
0x9c: {  	s6 =	simm.s32 $0x0;
	s20 =	sshll.u32 s4, $0x1;
	s4 =	sadd.s32 s21, s2  }
0x9d: {  	[timem:s6], [sflag:s22] =	dma.local [hbm:s4], s20  }
0x9e: {  	_ =	swait.ge [sflag:s22], s20  }
0x9f: {  	s3 =	ssub.s32 $0x0, s20;
	[sflag:s22] =	ssyncset.done $0x0  }
0xa0: {  	[sflag:s22] =	ssyncadd.s32 s3;
	_ =	sdelay $0x1  }
0xa1: {  	s23 =	simm.s32 $0x1B8B  }
0xa2: {  	_ =	swait.ge [sflag:s23], $0x1  }
0xa3: {  	[sflag:s23] =	ssyncset.done $0x0  }
0xa4: {  	s25 =	simm.s32 $0x1B8E;
	s24 =	sld [smem:$0x3FFE];
	[sflag:s23] =	ssyncadd.s32 $0xFFFFFFFF  }
0xa5: {  	s26 =	simm.s32 $execute0_lowered;
	[smem:$0x3FD2] =	sst s25  }
0xa6: {  	s4 =	sshll.u32 s26, $0x1;
	_ =	strace $0x8000004F;
	[dreg:$0x1] =	wrdreg $0xFFFFFFFF  }
0xa7: {  	s28 =	simm.s32 $_size_execute0_lowered;
	s2 =	sadd.s32 s2, s4;
	[dreg:$0x0] =	wrdreg $0x0  }
0xa8: {  	s4 =	sshll.u32 s28, $0x1;
	[dreg:$0x2] =	wrdreg s2  }
0xa9: {  	[dreg:$0x3] =	wrdreg s4  }
0xaa: {  	[dreg:$0x4] =	wrdreg $0xC0  }
0xab: {  	_ =	task [dreg:s6], $0x5FFFF  }
0xac: {  	[dreg:$0x1] =	wrdreg $0xFFFFFFFF  }
0xad: {  	[dreg:$0x0] =	wrdreg $0x60  }
0xae: {  	[dreg:$0x2] =	wrdreg s24  }
0xaf: {  	[dreg:$0x3] =	wrdreg $0x7D000  }
0xb0: {  	[dreg:$0x4] =	wrdreg $0x9  }
0xb1: {  	_ =	task.clear_ibuf [dreg:s6], $0x5FFFF;
	_ =	strace $0x9000004F  }
0xb2: {  	s29 =	simm.s32 $0x9;
	_ =	strace $0x80000051  }
0xb3: {  	_ =	swait.ge [sflag:s29], $0x1  }
0xb4: {  	[sflag:s29] =	ssyncadd.s32 $0xFFFFFFFF  }
0xb5: {  	_ =	strace $0x90000051  }
0xb6: {  	_ =	sfence  }
0xb7: {  	s30 =	sld [smem:$0x0];
	_ =	sdelay $0x2  }
0xb8: {  	s31 =	sshll.u32 s1, $0xD;
	s1 =	sshrl.u32 s1, $0x2  }
0xb9: {  	s3 =	sand.u32 $0x4000, s31;
	s1 =	sadd.s32 s1, s30  }
0xba: {  	s0 =	sor.u32 s3, s0;
	s1 =	sshll.u32 s1, $0x11  }
0xbb: {  	s0 =	sor.u32 s1, s0  }
0xbc: {  	s0 =	sadd.s32 $0x8F2B, s0  }
0xbd: {  	[sflag:s0] =	ssyncadd.remote.s32 $0x1  }
0xbe: {  	_ =	sfence.sel $0xFFFF  }
0xbf: {  	[dreg:$0x0] =	wrdreg $0xFFFFFFFF;
	(pc) =	sbr.abs _section_cstart, $3  }
0xc0: {  	[dreg:$0x1] =	wrdreg $0xFFFFFFFF  }
0xc1: {  	_ =	task.clear_ibuf [dreg:s6], $0x2FFFF;
	_ =	strace $0x9FFFFFFF  }
0xc2: {  	(tm) =	ssettm $0x7FFFFFFF  }
0xc3: {  	_ =	shalt  }
tec
execute0_lowered:
.L_overlay_start_1:
0x0: {  	(tag) =	ssettag $0x1  }
0x1: {  	s5 =	rddreg [dreg:$0x0]  }
0x2: {  	s1 =	rddreg [dreg:$0x1];
	s2 =	srdreg.scid  }
0x3: {  	s0 =	rddreg [dreg:$0x2];
	s3 =	simm.s32 $0x0;
	s13 =	sand.u32 $0x1, s2  }
0x4: {  	s14 =	simm.s32 $0x3000;
	s2 =	stileid.u32;
	s6 =	smul.u32 $0x140000, s13  }
0x5: {  	s15 =	simm.s32 $0x3100;
	s16 =	simm.s32 $0x1;
	s7 =	smul.u32 $0x14000, s2  }
0x6: {  	s17 =	simm.s32 $0x3080;
	[smem:$0x7FF] =	sst s3;
	s10 =	smul.u32 $0x1E80, s2  }
0x7: {  	s4 =	sadd.s32 $0x65C00, s5;
	s8 =	sadd.s32 $0x5BE00, s5;
	s28 =	smul.u32 $0x600, s2  }
0x8: {  	_ =	strace $0x80000050;
	s26 =	ssub.s32 $0x2, s13;
	s30 =	smul.u32 $0x50000, s2  }
0x9: {  	p0 =	seq.s32 s13, $0x0;
	s12 =	smul.u32 $0x51000, s2;
	s9 =	sshrl.u32 s26, $0x1  }
0xa: {  	s6 =	sadd.s32 s7, s6;
	s9 =	ssub.s32 s26, s9;
	s29 =	sshrl.u32 s10, $0x3  }
0xb: {  	s7 =	sadd.s32 s8, s28;
	s10 =	sshrl.u32 s30, $0x2;
	s31 =	sshrl.u32 s12, $0x2  }
0xc: {  	s12 =	simm.s32 $0x2;
	s6 =	sshrl.u32 s6, $0x3;
	s18 =	sadd.s32 s10, s1  }
0xd: {  	s9 =	smax.u32 s9, $0x1;
	s10 =	sadd.s32 s31, s1;
	s11 =	sadd.s32 s6, s5  }
0xe: {  	s5 =	simm.s32 $0x60;
	s6 =	sadd.s32 s8, s29;
	s18 =	sshrl.u32 s18, $0x3  }
0xf: {  	s5 =	simm.s32 @!p0 $0x3D;
	s6 =	sadd.s32 $0x6000, s6;
	s8 =	sadd.s32 $0x8DC00, s11  }
0x10: {  	v0 =	vimm.f32 $0.0e+00;
	s11 =	simm.s32 $0x7100;
	p0 =	sne.s32 s13, $0x0;
	s13 =	simm.s32 $0x80  }
.LBB2_1:
0x11: {  	s19 =	simm.s32 $0x0;
	s20 =	simm.s32 $0x0  }
.LBB2_2:
0x12: {  	p1 =	sne.s32 s20, $0x2FC0  }
.Ltmp0:
0x13: {  	_ = 	snop;
	(pc) =	sbr.rel @p1 .LBB2_2-.Ltmp0, $4  }
0x14: {  	s21 =	sand.u32 $0x3E00, s20  }
0x15: {  	s22 =	sand.u32 $0x70, s19;
	s21 =	sshrl.u32 s21, $0x2  }
0x16: {  	s21 =	sor.u32 s22, s21  }
0x17: {  	s19 =	sadd.s32 $0x10, s19;
	s20 =	sadd.s32 $0x40, s20;
	[tilespmem:s21+$0x7100] =	vst v0  }
0x18: {  	s19 =	sadd.s32 $0x0, s10  }
0x19: {  	[spmem:s19] =	stream.linear.scatter [tilespmem:s11], [sflag:$0x2], $0xC00, $0x38;
	[tilespmem:$0x1C100] =	vst v63  }
0x1a: {  	s19 =	simm.s32 $0x3000;
	_ =	swait.ge [sflag:s12], $0xC00  }
.LBB2_4:
0x1b: {  	s20 =	sshra.s32 s19, $0x2;
	[sflag:s12] =	ssyncset.done $0x0;
	p1 =	sne.s32 s19, $0x4E000  }
.Ltmp1:
0x1c: {  	s20 =	sadd.s32 s20, s10;
	[sflag:s12] =	ssyncadd.s32 $0xFFFFF400;
	(pc) =	sbr.rel @p1 .LBB2_4-.Ltmp1, $3  }
0x1d: {  	[spmem:s20] =	stream.linear.scatter [tilespmem:s11], [sflag:$0x2], $0xC00, $0x38;
	[tilespmem:$0x1C100] =	vst v63  }
0x1e: {  	s19 =	sadd.s32 $0x3000, s19;
	_ =	sdelay $0x1  }
0x1f: {  	_ =	swait.ge [sflag:s12], $0xC00  }
0x20: {  	[sflag:s12] =	ssyncset.done $0x0  }
0x21: {  	s19 =	simm.s32 @p0 $0x0;
	[sflag:s12] =	ssyncadd.s32 $0xFFFFF400  }
0x22: {  	[tilespmem:s19], [sflag:$0x2] =	stream.linear.gather @p0 [hbm4b:s6+s19], $0x1E80, $0x38;
	[tilespmem:$0x1C100] =	vst v63  }
0x23: {  	s19 =	simm.s32 @p0 $0x2  }
0x24: {  	_ =	swait.ge @p0 [sflag:s19], $0x1E80  }
0x25: {  	[sflag:s19] =	ssyncset.done @p0 $0x0  }
0x26: {  	[sflag:s19] =	ssyncadd.s32 @p0 $0xFFFFE180;
	s19 =	simm.s32 @!p0 $0x0  }
0x27: {  	[tilespmem:s19], [sflag:$0x2] =	stream.linear.gather @!p0 [hbm4b:s7+s19], $0x3000, $0x38;
	[tilespmem:$0x1C100] =	vst v63  }
0x28: {  	s19 =	simm.s32 @!p0 $0x2  }
0x29: {  	_ =	swait.ge @!p0 [sflag:s19], $0x3000  }
0x2a: {  	[sflag:s19] =	ssyncset.done @!p0 $0x0  }
0x2b: {  	[sflag:s19] =	ssyncadd.s32 @!p0 $0xFFFFD000  }
0x2c: {  	s19 =	simm.s32 $0x40;
	[bflag:$0x0] =	sbarrier.arrive $0xFFFF  }
0x2d: {  	v1 =	vld [tilespmem:s19+$0xFFFFFFC0];
	_ =	sdelay $0x4  }
0x2e: {  	v2 =	vshra.s32 v1, $0xE  }
0x2f: {  	v1 =	vand.u32 $0x3FFF, v1;
	[tilespmem:$0x3000] =	vst v2  }
0x30: {  	[tilespmem:$0x3080] =	vst v1  }
0x31: {  	v1 =	vld [tilespmem:s19+$0xFFFFFFD0];
	_ =	sdelay $0x4  }
0x32: {  	v2 =	vshra.s32 v1, $0xE  }
0x33: {  	v1 =	vand.u32 $0x3FFF, v1;
	[tilespmem:$0x3010] =	vst v2  }
0x34: {  	[tilespmem:$0x3090] =	vst v1  }
0x35: {  	v1 =	vld [tilespmem:s19+$0xFFFFFFE0];
	_ =	sdelay $0x4  }
0x36: {  	v2 =	vshra.s32 v1, $0xE  }
0x37: {  	v1 =	vand.u32 $0x3FFF, v1;
	[tilespmem:$0x3020] =	vst v2  }
0x38: {  	[tilespmem:$0x30A0] =	vst v1  }
0x39: {  	v1 =	vld [tilespmem:s19+$0xFFFFFFF0];
	_ =	sdelay $0x4  }
0x3a: {  	v2 =	vshra.s32 v1, $0xE  }
0x3b: {  	v1 =	vand.u32 $0x3FFF, v1;
	[tilespmem:$0x3030] =	vst v2  }
0x3c: {  	[tilespmem:$0x30B0] =	vst v1  }
0x3d: {  	v1 =	vld [tilespmem:s19+$0x0];
	_ =	sdelay $0x4  }
0x3e: {  	v2 =	vshra.s32 v1, $0xE  }
0x3f: {  	v1 =	vand.u32 $0x3FFF, v1;
	[tilespmem:$0x3040] =	vst v2  }
0x40: {  	[tilespmem:$0x30C0] =	vst v1  }
0x41: {  	v1 =	vld [tilespmem:s19+$0x10];
	_ =	sdelay $0x4  }
0x42: {  	v2 =	vshra.s32 v1, $0xE  }
0x43: {  	v1 =	vand.u32 $0x3FFF, v1;
	[tilespmem:$0x3050] =	vst v2  }
0x44: {  	[tilespmem:$0x30D0] =	vst v1  }
0x45: {  	v1 =	vld [tilespmem:s19+$0x20];
	_ =	sdelay $0x4  }
0x46: {  	v2 =	vshra.s32 v1, $0xE  }
0x47: {  	v1 =	vand.u32 $0x3FFF, v1;
	[tilespmem:$0x3060] =	vst v2  }
0x48: {  	[tilespmem:$0x30E0] =	vst v1  }
0x49: {  	v1 =	vld [tilespmem:s19+$0x30]  }
0x4a: {  	p1 =	sne.s32 s5, $0x1  }
.Ltmp2:
0x4b: {  	_ = 	snop;
	(pc) =	sbr.rel @!p1 .LBB2_7-.Ltmp2, $3  }
0x4c: {  	_ =	sdelay $0x1  }
0x4d: {  	v2 =	vshra.s32 v1, $0xE  }
0x4e: {  	s20 =	sadd.s32 $0xFFFFFFFF, s5;
	v1 =	vand.u32 $0x3FFF, v1;
	[tilespmem:$0x3070] =	vst v2  }
.LBB2_6:
0x4f: {  	p1 =	sne.s32 s20, $0x1;
	s20 =	sadd.s32 $0xFFFFFFFF, s20;
	[tilespmem:$0x30F0] =	vst v1;
	s19 =	sadd.s32 $0x80, s19  }
0x50: {  	[tilespmem:s15], [sflag:$0x1] =	stream.indirect.gather [hbm4b:s4+s13], $0x80, s14, s13, $0xb8;
	[tilespmem:$0x1C100] =	vst v63  }
0x51: {  	_ =	swait.ge [sflag:s16], $0x4000  }
0x52: {  	[sflag:s16] =	ssyncset.done $0x0  }
0x53: {  	[sflag:s16] =	ssyncadd.s32 $0xFFFFC000  }
0x54: {  	[spmem:s1] =	stream.indirect.scatter.add.f32 [tilespmem:s15], [sflag:$0x2], $0x80, s17, s13, $0xb8;
	[tilespmem:$0x1C100] =	vst v63  }
0x55: {  	_ =	swait.ge [sflag:s12], $0x4000  }
0x56: {  	[sflag:s12] =	ssyncset.done $0x0  }
0x57: {  	[sflag:s12] =	ssyncadd.s32 $0xFFFFC000  }
0x58: {  	v1 =	vld [tilespmem:s19+$0xFFFFFFC0];
	_ =	sdelay $0x4  }
0x59: {  	v2 =	vshra.s32 v1, $0xE;
	v1 =	vand.u32 $0x3FFF, v1  }
0x5a: {  	[tilespmem:$0x3000] =	vst v2  }
0x5b: {  	[tilespmem:$0x3080] =	vst v1  }
0x5c: {  	v1 =	vld [tilespmem:s19+$0xFFFFFFD0];
	_ =	sdelay $0x4  }
0x5d: {  	v2 =	vshra.s32 v1, $0xE;
	v1 =	vand.u32 $0x3FFF, v1  }
0x5e: {  	[tilespmem:$0x3010] =	vst v2  }
0x5f: {  	[tilespmem:$0x3090] =	vst v1  }
0x60: {  	v1 =	vld [tilespmem:s19+$0xFFFFFFE0];
	_ =	sdelay $0x4  }
0x61: {  	v2 =	vshra.s32 v1, $0xE;
	v1 =	vand.u32 $0x3FFF, v1  }
0x62: {  	[tilespmem:$0x3020] =	vst v2  }
0x63: {  	[tilespmem:$0x30A0] =	vst v1  }
0x64: {  	v1 =	vld [tilespmem:s19+$0xFFFFFFF0];
	_ =	sdelay $0x4  }
0x65: {  	v2 =	vshra.s32 v1, $0xE;
	v1 =	vand.u32 $0x3FFF, v1  }
0x66: {  	[tilespmem:$0x3030] =	vst v2  }
0x67: {  	[tilespmem:$0x30B0] =	vst v1  }
0x68: {  	v1 =	vld [tilespmem:s19+$0x0];
	_ =	sdelay $0x4  }
0x69: {  	v2 =	vshra.s32 v1, $0xE;
	v1 =	vand.u32 $0x3FFF, v1  }
0x6a: {  	[tilespmem:$0x3040] =	vst v2  }
0x6b: {  	[tilespmem:$0x30C0] =	vst v1  }
0x6c: {  	v1 =	vld [tilespmem:s19+$0x10];
	_ =	sdelay $0x4  }
0x6d: {  	v2 =	vshra.s32 v1, $0xE;
	v1 =	vand.u32 $0x3FFF, v1  }
0x6e: {  	[tilespmem:$0x3050] =	vst v2  }
0x6f: {  	[tilespmem:$0x30D0] =	vst v1  }
0x70: {  	v1 =	vld [tilespmem:s19+$0x20];
	_ =	sdelay $0x4  }
0x71: {  	v2 =	vshra.s32 v1, $0xE;
	v1 =	vand.u32 $0x3FFF, v1  }
0x72: {  	[tilespmem:$0x3060] =	vst v2  }
0x73: {  	[tilespmem:$0x30E0] =	vst v1  }
0x74: {  	v1 =	vld [tilespmem:s19+$0x30];
	_ =	sdelay $0x1  }
.Ltmp3:
0x75: {  	(pc) =	sbr.rel @p1 .LBB2_6-.Ltmp3, $3  }
0x76: {  	_ =	sdelay $0x1  }
0x77: {  	v2 =	vshra.s32 v1, $0xE;
	v1 =	vand.u32 $0x3FFF, v1  }
0x78: {  	[tilespmem:$0x3070] =	vst v2  }
.LBB2_7:
0x79: {  	[tilespmem:$0x30F0] =	vst v1  }
0x7a: {  	[tilespmem:s15], [sflag:$0x1] =	stream.indirect.gather [hbm4b:s4+s13], $0x80, s14, s13, $0xb8;
	[tilespmem:$0x1C100] =	vst v63  }
0x7b: {  	_ =	swait.ge [sflag:s16], $0x4000  }
0x7c: {  	[sflag:s16] =	ssyncset.done $0x0  }
0x7d: {  	[sflag:s16] =	ssyncadd.s32 $0xFFFFC000  }
0x7e: {  	[spmem:s1] =	stream.indirect.scatter.add.f32 [tilespmem:s15], [sflag:$0x2], $0x80, s17, s13, $0xb8;
	[tilespmem:$0x1C100] =	vst v63  }
0x7f: {  	_ =	swait.ge [sflag:s12], $0x4000  }
0x80: {  	s3 =	sadd.s32 $0x1, s3;
	[sflag:s12] =	ssyncset.done $0x0  }
0x81: {  	s19 =	sshll.u32 s2, $0x6;
	p1 =	sne.s32 s3, s9;
	[sflag:s12] =	ssyncadd.s32 $0xFFFFC000  }
.Ltmp4:
0x82: {  	s19 =	sor.u32 $0x1C02, s19;
	[bflag:$0x0] =	sbarrier.arrive $0xFFFF;
	(pc) =	sbr.rel @p1 .LBB2_1-.Ltmp4, $4  }
0x83: {  	[hbm:s8], [sflag:s19] =	dma.local [spmem:s18], $0x2800  }
0x84: {  	_ =	swait.ge [sflag:s12], $0x2800  }
0x85: {  	[sflag:s12] =	ssyncset.done $0x0  }
0x86: {  	[sflag:s12] =	ssyncadd.s32 $0xFFFFD800  }
0x87: {  	_ =	sfence.sel $0x180000  }
0x88: {  	[bflag:$0x0] =	sbarrier.arrive $0xFFFF  }
0x89: {  	p0 =	sne.s32 s2, $0x0;
	_ =	strace $0x90000050  }
0x8a: {  	s0 =	sadd.s32 @!p0 $0x100000, s0;
	[bflag:$0x2] =	sbarrier.arrive $0xFFFF  }
0x8b: {  	[sflag:s0] =	ssyncadd.tile.s32 @!p0 $0x1;
	_ =	shalt  }
.Lfunc_end2:
_tile_overlayer_lowered:
.L_overlay_start_2:
0x8c: {  	(tag) =	ssettag $0x2  }
0x8d: {  	s0 =	rddreg [dreg:$0x0];
	s2 =	stileid.u32  }
0x8e: {  	s1 =	rddreg [dreg:$0x1];
	p0 =	sne.s32 s2, $0x0  }
0x8f: {  	s3 =	rddreg [dreg:$0x2];
	[bflag:$0x3] =	sbarrier.arrive $0xFFFF;
	s2 =	simm.s32 @!p0 $0x1C02  }
0x90: {  	[timem:s3], [sflag:s2] =	dma.local @!p0 [hbm:s0], s1  }
0x91: {  	s0 =	simm.s32 @!p0 $0x2  }
0x92: {  	_ =	swait.ge @!p0 [sflag:s0], s1  }
0x93: {  	s1 =	ssub.s32 @!p0 $0x0, s1;
	[sflag:s0] =	ssyncset.done @!p0 $0x0  }
0x94: {  	[sflag:s0] =	ssyncadd.s32 @!p0 s1  }
0x95: {  	[bflag:$0x3] =	sbarrier.arrive $0xFFFF  }
0x96: {  	_ =	shalt  }

</sc_bundles>
